<compile_context>
chip_gen: v7x
topology: tpu7x:2x2x1
jax: 0.10.2.dev20260603
libtpu: 0.0.44.dev20260713+nightly
codegen_flags: <defaults>
</compile_context>

<pallas_src>
import functools
import math

import jax
import jax.numpy as jnp
from jax import lax
from jax.experimental import pallas as pl
from jax.experimental.pallas import tpu as pltpu
from jax.experimental.pallas import tpu_sc as plsc

GROUPS = 8
KSIZE = 15
_NC, _NS = 2, 16
_NW = _NC * _NS


def _round_up(x, m):
    return (x + m - 1) // m * m




def _make_sc_gather(V, D, B):
    b_per_w = B // _NW
    ch = 512
    while ch > 8 and (2 * ch * D * 4 > 380_000 or ch > b_per_w):
        ch //= 2
    ch = min(ch, b_per_w)
    nch = -(-b_per_w // ch)
    sub = min(32, ch)
    J = ch // sub
    mesh = plsc.VectorSubcoreMesh(core_axis_name="c", subcore_axis_name="s")

    @functools.partial(
        pl.kernel, mesh=mesh,
        out_type=jax.ShapeDtypeStruct((B, D), jnp.float32),
        compiler_params=pltpu.CompilerParams(use_tc_tiling_on_sc=False),
        scratch_types=[
            pltpu.VMEM((ch,), jnp.int32),
            pltpu.VMEM((ch,), jnp.int32),
            pltpu.VMEM((ch, D), jnp.float32),
            pltpu.VMEM((ch, D), jnp.float32),
            pltpu.SemaphoreType.DMA,
            pltpu.SemaphoreType.DMA,
            pltpu.SemaphoreType.DMA,
            pltpu.SemaphoreType.DMA,
        ],
    )
    def k(table_hbm, idx_hbm, out_hbm, i0, i1, r0, r1, g0, g1, w0, w1):
        idx_v = (i0, i1)
        rows_v = (r0, r1)
        sem_g = (g0, g1)
        sem_w = (w0, w1)
        wid = lax.axis_index("s") * _NC + lax.axis_index("c")
        base = wid * b_per_w

        def off_of(i):
            return base + jnp.minimum(i * ch, b_per_w - ch)

        def issue_gathers(b, start=True):
            ds_ = []
            for j in range(J):
                fn = pltpu.async_copy if start else pltpu.make_async_copy
                ds_.append(fn(
                    table_hbm.at[idx_v[b].at[pl.ds(j * sub, sub)]],
                    rows_v[b].at[pl.ds(j * sub, sub), :], sem_g[b]))
            return ds_

        def wb(b, off, start=True):
            fn = pltpu.async_copy if start else pltpu.make_async_copy
            return fn(rows_v[b], out_hbm.at[pl.ds(off, ch), :], sem_w[b])

        if nch <= 2:
            for i in range(nch):
                off = base + min(i * ch, b_per_w - ch)
                pltpu.sync_copy(idx_hbm.at[pl.ds(off, ch)], idx_v[i % 2])
                for d in issue_gathers(i % 2):
                    d.wait()
                pltpu.sync_copy(rows_v[i % 2], out_hbm.at[pl.ds(off, ch), :])
            return

        n_outer = -(-nch // 2)
        total = 2 * n_outer

        def body(g, carry):
            for b in range(2):
                i = 2 * g + b
                off = off_of(i)

                @pl.when(i >= 2)
                def _():
                    wb(b, off_of(i - 2), start=False).wait()

                pltpu.sync_copy(idx_hbm.at[pl.ds(off, ch)], idx_v[b])
                issue_gathers(b)

                @pl.when(i >= 1)
                def _():
                    for d in issue_gathers(1 - b, start=False):
                        d.wait()
                    wb(1 - b, off_of(i - 1))
            return carry

        lax.fori_loop(0, n_outer, body, 0)
        off_last = base + min((total - 1) * ch, b_per_w - ch)
        off_prev = base + min((total - 2) * ch, b_per_w - ch)
        for d in issue_gathers(1, start=False):
            d.wait()
        wb(1, off_last)
        wb(0, off_prev, start=False).wait()
        wb(1, off_last, start=False).wait()

    return k


def _sc_gather_rows(table, idx_2d, n_valid_rows=None):
    N, K = idx_2d.shape
    V, D = table.shape
    N_pad = _round_up(N, 8 * _NW)
    if N_pad != N:
        idx_2d = jnp.pad(idx_2d, ((0, N_pad - N), (0, 0)))
    flat = idx_2d.reshape(-1).astype(jnp.int32)
    out = _make_sc_gather(V, D, N_pad * K)(table, flat)
    return out.reshape(N_pad, K, D)




def _kpconv_body(sig_ref, qp_ref, g_ref, kp_ref, wk_ref, o_ref, *, K, P, C):
    Nb = qp_ref.shape[0]
    q = qp_ref[...]
    nbp = g_ref[:, :, 0:4]
    rel = (nbp - q[:, None, :]).reshape(Nb * K, 4)
    kp = kp_ref[...]
    sq = ((rel * rel).sum(axis=-1, keepdims=True)
          + (kp * kp).sum(axis=-1)[None, :]
          - 2.0 * jnp.dot(rel, kp.T, preferred_element_type=jnp.float32))
    dists = jnp.sqrt(jnp.maximum(sq, 1e-12))
    w = jnp.maximum(0.0, 1.0 - dists / sig_ref[0, 0])
    nbf = g_ref[:, :, 16:16 + C].reshape(Nb * K, C)
    cols = []
    for p in range(P):
        wp = w[:, p][:, None]
        t = (wp * nbf).reshape(Nb, K, C).sum(axis=1)
        cols.append(t)
    weighted = jnp.concatenate(cols, axis=-1)
    o_ref[...] = jnp.dot(weighted, wk_ref[...], preferred_element_type=jnp.float32)


def _kpconv_pallas(q_pts4, gathered, kp4, wk, sigma, N):
    N_pad, K, Dg = gathered.shape
    P, C, D = wk.shape
    wkr = wk.reshape(P * C, D)
    Nb = 256
    while Nb > 8 and Nb * K * Dg * 4 > 4 * 1024 * 1024:
        Nb //= 2
    grid = (pl.cdiv(N, Nb),)
    sig_arr = jnp.reshape(jnp.asarray(sigma, jnp.float32), (1, 1))
    out = pl.pallas_call(
        functools.partial(_kpconv_body, K=K, P=P, C=C),
        grid=grid,
        in_specs=[
            pl.BlockSpec((1, 1), lambda i: (0, 0)),
            pl.BlockSpec((Nb, 4), lambda i: (i, 0)),
            pl.BlockSpec((Nb, K, Dg), lambda i: (i, 0, 0)),
            pl.BlockSpec((P, 4), lambda i: (0, 0)),
            pl.BlockSpec((P * C, D), lambda i: (0, 0)),
        ],
        out_specs=pl.BlockSpec((Nb, D), lambda i: (i, 0)),
        out_shape=jax.ShapeDtypeStruct((N, D), jnp.float32),
    )(sig_arr, q_pts4, gathered, kp4, wkr)
    return out


def _pad4(x):
    return jnp.pad(x, ((0, 0), (0, 4 - x.shape[1])))


def _kpconv(q_pts, s_pts, s_feats, nbrs, kp, wk, sigma):
    C = s_feats.shape[1]
    N = q_pts.shape[0]
    Ns = s_pts.shape[0]
    Dg = _round_up(16 + C, 16)
    table = jnp.concatenate([
        jnp.concatenate([s_pts, jnp.full((1, 3), 1e6, s_pts.dtype)], axis=0),
        jnp.zeros((Ns + 1, 13), jnp.float32),
        jnp.concatenate([s_feats, jnp.zeros((1, C), s_feats.dtype)], axis=0),
        jnp.zeros((Ns + 1, Dg - 16 - C), jnp.float32),
    ], axis=1)
    gathered = _sc_gather_rows(table, nbrs)
    q4 = _pad4(q_pts)
    kp4 = _pad4(kp)
    return _kpconv_pallas(q4, gathered, kp4, wk, sigma, N)




def _group_norm(x, gamma, beta, eps=1e-5):
    n, c = x.shape
    xg = x.reshape(n, GROUPS, c // GROUPS)
    mean = xg.mean(axis=-1, keepdims=True)
    var = xg.var(axis=-1, keepdims=True)
    xg = (xg - mean) / jnp.sqrt(var + eps)
    return xg.reshape(n, c) * gamma[None, :] + beta[None, :]


def _lrelu(x):
    return jnp.where(x >= 0, x, 0.1 * x)


def _maxpool_body(g_ref, o_ref, *, C):
    o_ref[...] = g_ref[:, :, 0:C].max(axis=1)


def _maxpool(s_feats, nbrs):
    N, K = nbrs.shape
    C = s_feats.shape[1]
    Cp = _round_up(C, 16)
    table = jnp.concatenate([
        jnp.concatenate(
            [s_feats, jnp.full((1, C), -1e10, s_feats.dtype)], axis=0),
        jnp.zeros((s_feats.shape[0] + 1, Cp - C), jnp.float32),
    ], axis=1)
    g = _sc_gather_rows(table, nbrs)
    Nb = 256
    while Nb > 8 and Nb * K * Cp * 4 > 4 * 1024 * 1024:
        Nb //= 2
    return pl.pallas_call(
        functools.partial(_maxpool_body, C=C),
        grid=(pl.cdiv(N, Nb),),
        in_specs=[pl.BlockSpec((Nb, K, Cp), lambda i: (i, 0, 0))],
        out_specs=pl.BlockSpec((Nb, C), lambda i: (i, 0)),
        out_shape=jax.ShapeDtypeStruct((N, C), jnp.float32),
    )(g)


def _upsample(f, idx_col):
    N = idx_col.shape[0]
    g = _sc_gather_rows(f, idx_col[:, None])
    return g[:N, 0, :]


def _unary(x, p):
    return _lrelu(_group_norm(x @ p['w'], p['g'], p['b']))


def _conv_block(q, s, x, nbrs, p, kp, sigma):
    h = _kpconv(q, s, x, nbrs, kp, p['wk'], sigma)
    return _lrelu(_group_norm(h, p['gk'], p['bk']))


def _res_block(q, s, x, nbrs, p, kp, sigma, strided):
    h = _lrelu(_group_norm(x @ p['w1'], p['g1'], p['b1']))
    h = _kpconv(q, s, h, nbrs, kp, p['wk'], sigma)
    h = _lrelu(_group_norm(h, p['gk'], p['bk']))
    h = _group_norm(h @ p['w2'], p['g2'], p['b2'])
    sc = _maxpool(x, nbrs) if strided else x
    if 'wsc' in p:
        sc = _group_norm(sc @ p['wsc'], p['gsc'], p['bsc'])
    return _lrelu(h + sc)


def kernel(points, feats, lengths, params, consts):
    pts = consts['points']; nb = consts['neighbors']; sub = consts['subsampling']; up = consts['upsampling']
    kp = consts['kpoints']; sig = consts['sigmas']
    f1 = _conv_block(pts[0], pts[0], feats, nb[0], params['e11'], kp[0], sig[0])
    f1 = _res_block(pts[0], pts[0], f1, nb[0], params['e12'], kp[0], sig[0], False)
    f2 = _res_block(pts[1], pts[0], f1, sub[0], params['e21'], kp[0], sig[0], True)
    f2 = _res_block(pts[1], pts[1], f2, nb[1], params['e22'], kp[1], sig[1], False)
    f2 = _res_block(pts[1], pts[1], f2, nb[1], params['e23'], kp[1], sig[1], False)
    f3 = _res_block(pts[2], pts[1], f2, sub[1], params['e31'], kp[1], sig[1], True)
    f3 = _res_block(pts[2], pts[2], f3, nb[2], params['e32'], kp[2], sig[2], False)
    f3 = _res_block(pts[2], pts[2], f3, nb[2], params['e33'], kp[2], sig[2], False)
    f4 = _res_block(pts[3], pts[2], f3, sub[2], params['e41'], kp[2], sig[2], True)
    f4 = _res_block(pts[3], pts[3], f4, nb[3], params['e42'], kp[3], sig[3], False)
    f4 = _res_block(pts[3], pts[3], f4, nb[3], params['e43'], kp[3], sig[3], False)
    f5 = _res_block(pts[4], pts[3], f4, sub[3], params['e51'], kp[3], sig[3], True)
    f5 = _res_block(pts[4], pts[4], f5, nb[4], params['e52'], kp[4], sig[4], False)
    f5 = _res_block(pts[4], pts[4], f5, nb[4], params['e53'], kp[4], sig[4], False)
    l4 = _upsample(f5, up[3][:, 0])
    l4 = _unary(jnp.concatenate([l4, f4], axis=1), params['dec4'])
    l3 = _upsample(l4, up[2][:, 0])
    l3 = _unary(jnp.concatenate([l3, f3], axis=1), params['dec3'])
    l2 = _upsample(l3, up[1][:, 0])
    l2 = _unary(jnp.concatenate([l2, f2], axis=1), params['dec2'])
    l1 = _upsample(l2, up[0][:, 0])
    l1 = _unary(jnp.concatenate([l1, f1], axis=1), params['dec1'])
    h = l1 @ params['cls_w1']
    h = jnp.maximum(_group_norm(h, params['cls_g1'], params['cls_b1']), 0.0)
    return h @ params['cls_w2']

# --- scband reference (transcript-rebuilt; emitter-appended) ---
"""Pipeline reference for scband-kpfcnn-35648228556895 (READ-ONLY COPY).

The authoritative reference and input builder live on the scoring server;
editing this copy changes nothing except your own understanding.
"""

import jax, jax.numpy as jnp
import numpy as np

N_POINTS = 50000
VOXEL = 0.04
FIRST_RADIUS = VOXEL * 2.5
FIRST_SIGMA = VOXEL * 2.0
KSIZE = 15
NUM_STAGES = 5
NEIGHBOR_LIMITS = [24, 40, 34, 35, 34]
NUM_CLASSES = 10
INIT_DIM = 64
INPUT_DIM = 5
GROUPS = 8


def _grid_subsample(pts, voxel):
    coords = np.floor(pts / voxel).astype(np.int64)
    uniq, inv, counts = np.unique(coords, axis=0, return_inverse=True, return_counts=True)
    M = counts.shape[0]
    sums = np.zeros((M, 3), dtype=np.float64)
    np.add.at(sums, inv.reshape(-1), pts.astype(np.float64))
    return (sums / counts[:, None]).astype(np.float32)


def _radius_search(q, s, radius, limit, chunk=2048):
    Nq, Ns = q.shape[0], s.shape[0]
    k = int(min(limit, Ns))
    out = np.full((Nq, limit), Ns, dtype=np.int64)
    r2 = radius * radius
    s64 = s.astype(np.float64)
    s_sq = (s64 ** 2).sum(1)
    for i0 in range(0, Nq, chunk):
        qc = q[i0:i0 + chunk].astype(np.float64)
        d2 = (qc ** 2).sum(1)[:, None] + s_sq[None, :] - 2.0 * qc @ s64.T
        d2 = np.maximum(d2, 0.0)
        if k < Ns:
            part = np.argpartition(d2, k - 1, axis=1)[:, :k]
        else:
            part = np.broadcast_to(np.arange(Ns)[None, :], (qc.shape[0], Ns)).copy()
        pd = np.take_along_axis(d2, part, axis=1)
        order = np.argsort(pd, axis=1)
        part = np.take_along_axis(part, order, axis=1)
        pd = np.take_along_axis(pd, order, axis=1)
        idx = np.where(pd < r2, part, Ns)
        out[i0:i0 + qc.shape[0], :k] = idx
    return out


def _kernel_points(radius, rng):
    kp = rng.uniform(-1.0, 1.0, size=(KSIZE, 3))
    kp = kp / np.maximum(np.linalg.norm(kp, axis=1, keepdims=True), 1e-6)
    kp = kp * rng.uniform(0.3, 1.0, size=(KSIZE, 1))
    kp[0] = 0.0
    return (kp * radius * 0.66).astype(np.float32)


def _build_pyramid(points):
    points_list = [points]
    for s in range(1, NUM_STAGES):
        points_list.append(_grid_subsample(points_list[-1], VOXEL * (2 ** s)))
    neighbors_list, subsampling_list, upsampling_list = [], [], []
    for s in range(NUM_STAGES):
        r = FIRST_RADIUS * (2 ** s)
        neighbors_list.append(_radius_search(points_list[s], points_list[s], r, NEIGHBOR_LIMITS[s]))
        if s < NUM_STAGES - 1:
            subsampling_list.append(_radius_search(points_list[s + 1], points_list[s], r, NEIGHBOR_LIMITS[s]))
            upsampling_list.append(_radius_search(points_list[s], points_list[s + 1], 1e9, 1))
    return points_list, neighbors_list, subsampling_list, upsampling_list


def _make_params():
    rng = np.random.RandomState(42)
    def lin(i, o):
        return jnp.asarray((rng.randn(i, o) * np.sqrt(2.0 / i)).astype(np.float32))
    def kpw(i, o):
        return jnp.asarray((rng.randn(KSIZE, i, o) * np.sqrt(2.0 / (i * KSIZE))).astype(np.float32))
    def gn(c):
        return jnp.ones((c,), jnp.float32), jnp.zeros((c,), jnp.float32)
    def conv_block(ci, co):
        g, b = gn(co)
        return {'wk': kpw(ci, co), 'gk': g, 'bk': b}
    def res_block(ci, co):
        h = co // 4
        p = {}
        p['w1'] = lin(ci, h); p['g1'], p['b1'] = gn(h)
        p['wk'] = kpw(h, h); p['gk'], p['bk'] = gn(h)
        p['w2'] = lin(h, co); p['g2'], p['b2'] = gn(co)
        if ci != co:
            p['wsc'] = lin(ci, co); p['gsc'], p['bsc'] = gn(co)
        return p
    def unary(ci, co):
        g, b = gn(co)
        return {'w': lin(ci, co), 'g': g, 'b': b}
    d = INIT_DIM
    params = {
        'e11': conv_block(INPUT_DIM, d),
        'e12': res_block(d, d * 2),
        'e21': res_block(d * 2, d * 2),
        'e22': res_block(d * 2, d * 4),
        'e23': res_block(d * 4, d * 4),
        'e31': res_block(d * 4, d * 4),
        'e32': res_block(d * 4, d * 8),
        'e33': res_block(d * 8, d * 8),
        'e41': res_block(d * 8, d * 8),
        'e42': res_block(d * 8, d * 16),
        'e43': res_block(d * 16, d * 16),
        'e51': res_block(d * 16, d * 16),
        'e52': res_block(d * 16, d * 32),
        'e53': res_block(d * 32, d * 32),
        'dec4': unary(d * 48, d * 16),
        'dec3': unary(d * 24, d * 8),
        'dec2': unary(d * 12, d * 4),
        'dec1': unary(d * 6, d * 2),
        'cls_w1': lin(d * 2, d),
        'cls_w2': lin(d, NUM_CLASSES),
    }
    params['cls_g1'], params['cls_b1'] = gn(d)
    return params


def _group_norm(x, gamma, beta, eps=1e-5):
    n, c = x.shape
    xg = x.reshape(n, GROUPS, c // GROUPS)
    mean = xg.mean(axis=-1, keepdims=True)
    var = xg.var(axis=-1, keepdims=True)
    xg = (xg - mean) / jnp.sqrt(var + eps)
    return xg.reshape(n, c) * gamma[None, :] + beta[None, :]


def _lrelu(x):
    return jnp.where(x >= 0, x, 0.1 * x)


def _kpconv(q_pts, s_pts, s_feats, nbrs, kp, wk, sigma):
    s_pts_pad = jnp.concatenate([s_pts, jnp.full((1, 3), 1e6, s_pts.dtype)], axis=0)
    s_feats_pad = jnp.concatenate([s_feats, jnp.zeros((1, s_feats.shape[1]), s_feats.dtype)], axis=0)
    nb_pts = jnp.take(s_pts_pad, nbrs, axis=0)
    rel = nb_pts - q_pts[:, None, :]
    sq = (rel ** 2).sum(-1)[..., None] + (kp ** 2).sum(-1)[None, None, :] - 2.0 * jnp.einsum('nkd,pd->nkp', rel, kp)
    dists = jnp.sqrt(jnp.maximum(sq, 1e-12))
    w = jnp.maximum(0.0, 1.0 - dists / sigma)
    nb_feats = jnp.take(s_feats_pad, nbrs, axis=0)
    weighted = jnp.einsum('nkp,nkc->npc', w, nb_feats)
    return jnp.einsum('npc,pcd->nd', weighted, wk)


def _maxpool(s_feats, nbrs):
    pad = jnp.concatenate([s_feats, jnp.full((1, s_feats.shape[1]), -1e10, s_feats.dtype)], axis=0)
    return jnp.take(pad, nbrs, axis=0).max(axis=1)


def _unary(x, p):
    return _lrelu(_group_norm(x @ p['w'], p['g'], p['b']))


def _conv_block(q, s, x, nbrs, p, kp, sigma):
    h = _kpconv(q, s, x, nbrs, kp, p['wk'], sigma)
    return _lrelu(_group_norm(h, p['gk'], p['bk']))


def _res_block(q, s, x, nbrs, p, kp, sigma, strided):
    h = _lrelu(_group_norm(x @ p['w1'], p['g1'], p['b1']))
    h = _kpconv(q, s, h, nbrs, kp, p['wk'], sigma)
    h = _lrelu(_group_norm(h, p['gk'], p['bk']))
    h = _group_norm(h @ p['w2'], p['g2'], p['b2'])
    sc = _maxpool(x, nbrs) if strided else x
    if 'wsc' in p:
        sc = _group_norm(sc @ p['wsc'], p['gsc'], p['bsc'])
    return _lrelu(h + sc)


def _forward(feats, params, consts):
    pts = consts['points']; nb = consts['neighbors']; sub = consts['subsampling']; up = consts['upsampling']
    kp = consts['kpoints']; sig = consts['sigmas']
    f1 = _conv_block(pts[0], pts[0], feats, nb[0], params['e11'], kp[0], sig[0])
    f1 = _res_block(pts[0], pts[0], f1, nb[0], params['e12'], kp[0], sig[0], False)
    f2 = _res_block(pts[1], pts[0], f1, sub[0], params['e21'], kp[0], sig[0], True)
    f2 = _res_block(pts[1], pts[1], f2, nb[1], params['e22'], kp[1], sig[1], False)
    f2 = _res_block(pts[1], pts[1], f2, nb[1], params['e23'], kp[1], sig[1], False)
    f3 = _res_block(pts[2], pts[1], f2, sub[1], params['e31'], kp[1], sig[1], True)
    f3 = _res_block(pts[2], pts[2], f3, nb[2], params['e32'], kp[2], sig[2], False)
    f3 = _res_block(pts[2], pts[2], f3, nb[2], params['e33'], kp[2], sig[2], False)
    f4 = _res_block(pts[3], pts[2], f3, sub[2], params['e41'], kp[2], sig[2], True)
    f4 = _res_block(pts[3], pts[3], f4, nb[3], params['e42'], kp[3], sig[3], False)
    f4 = _res_block(pts[3], pts[3], f4, nb[3], params['e43'], kp[3], sig[3], False)
    f5 = _res_block(pts[4], pts[3], f4, sub[3], params['e51'], kp[3], sig[3], True)
    f5 = _res_block(pts[4], pts[4], f5, nb[4], params['e52'], kp[4], sig[4], False)
    f5 = _res_block(pts[4], pts[4], f5, nb[4], params['e53'], kp[4], sig[4], False)
    l4 = jnp.take(f5, up[3][:, 0], axis=0)
    l4 = _unary(jnp.concatenate([l4, f4], axis=1), params['dec4'])
    l3 = jnp.take(l4, up[2][:, 0], axis=0)
    l3 = _unary(jnp.concatenate([l3, f3], axis=1), params['dec3'])
    l2 = jnp.take(l3, up[1][:, 0], axis=0)
    l2 = _unary(jnp.concatenate([l2, f2], axis=1), params['dec2'])
    l1 = jnp.take(l2, up[0][:, 0], axis=0)
    l1 = _unary(jnp.concatenate([l1, f1], axis=1), params['dec1'])
    h = l1 @ params['cls_w1']
    h = jnp.maximum(_group_norm(h, params['cls_g1'], params['cls_b1']), 0.0)
    return h @ params['cls_w2']


def setup_inputs():
    rng = np.random.RandomState(0)
    points = (rng.rand(N_POINTS, 3) * 2.0).astype(np.float32)
    feats = rng.randn(N_POINTS, INPUT_DIM).astype(np.float32)
    lengths = np.array([N_POINTS], dtype=np.int64)
    pts_l, nb_l, sub_l, up_l = _build_pyramid(points)
    krng = np.random.RandomState(7)
    consts = {
        'points': [jnp.asarray(p) for p in pts_l],
        'neighbors': [jnp.asarray(n) for n in nb_l],
        'subsampling': [jnp.asarray(n) for n in sub_l],
        'upsampling': [jnp.asarray(n) for n in up_l],
        'kpoints': [jnp.asarray(_kernel_points(FIRST_RADIUS * (2 ** s), krng)) for s in range(NUM_STAGES)],
        'sigmas': [FIRST_SIGMA * (2 ** s) for s in range(NUM_STAGES)],
    }
    return {'points': jnp.asarray(points), 'feats': jnp.asarray(feats), 'lengths': jnp.asarray(lengths), 'params': _make_params(), 'consts': consts}


def reference(points, feats, lengths, params, consts):
    return _forward(feats, params, consts)

if __name__ == "__main__":
    import jax
    _d = setup_inputs()
    print(jax.jit(kernel)(*tuple(_d.values())))

</pallas_src>

<mosaic_0001>
#map = affine_map<(d0, d1) -> (0, 0)>
#map1 = affine_map<(d0, d1) -> (0)>
module attributes {stable_mosaic.version = 14 : i64} {
  func.func @k(%arg0: i32, %arg1: i32, %arg2: memref<2197x512xf32, #tpu.memory_space<hbm>>, %arg3: memref<15104xi32, #tpu.memory_space<hbm>>, %arg4: memref<15104x512xf32, #tpu.memory_space<hbm>>, %arg5: memref<64xi32, #tpu.memory_space<vmem>>, %arg6: memref<64xi32, #tpu.memory_space<vmem>>, %arg7: memref<64x512xf32, #tpu.memory_space<vmem>>, %arg8: memref<64x512xf32, #tpu.memory_space<vmem>>, %arg9: memref<!tpu.dma_semaphore, #tpu.memory_space<semaphore_mem>>, %arg10: memref<!tpu.dma_semaphore, #tpu.memory_space<semaphore_mem>>, %arg11: memref<!tpu.dma_semaphore, #tpu.memory_space<semaphore_mem>>, %arg12: memref<!tpu.dma_semaphore, #tpu.memory_space<semaphore_mem>>) attributes {dimension_semantics = [#tpu.dimension_semantics<core_parallel>, #tpu.dimension_semantics<subcore_parallel>], iteration_bounds = array<i64: 2, 16>, scalar_prefetch = 0 : i64, scratch_operands = 8 : i64, tpu.core_type = #tpu.core_type<sc_vector_subcore>, window_params = [{transform_indices = #map}, {transform_indices = #map1}, {transform_indices = #map}]} {
    %mul3A = arith.constant 2 : i32
    %mul3A_0 = arith.muli %arg1, %mul3A : i32
    %add3A = arith.addi %mul3A_0, %arg0 : i32
    %mul3A_1 = arith.constant 472 : i32
    %mul3A_2 = arith.muli %add3A, %mul3A_1 : i32
    %scan3A = arith.constant 0 : i32
    %scan3A_3 = arith.constant 0 : i32
    %scan3A_4 = arith.constant 4 : i32
    %scan3A_5 = arith.addi %scan3A_3, %scan3A_4 : i32
    %scan3A_6 = arith.constant 1 : i32
    scf.for %scan3A_38 = %scan3A_3 to %scan3A_5 step %scan3A_6  : i32 {
      %mul3A_39 = arith.constant 2 : i32
      %mul3A_40 = arith.muli %mul3A_39, %scan3A_38 : i32
      %add3A_41 = arith.constant 0 : i32
      %add3A_42 = arith.addi %mul3A_40, %add3A_41 : i32
      %mul3A_43 = arith.constant 64 : i32
      %mul3A_44 = arith.muli %add3A_42, %mul3A_43 : i32
      %min3A = arith.constant 408 : i32
      %min3A_45 = arith.minsi %mul3A_44, %min3A : i32
      %add3A_46 = arith.addi %mul3A_2, %min3A_45 : i32
      %ge3A = arith.constant 2 : i32
      %ge3A_47 = arith.cmpi sge, %add3A_42, %ge3A : i32
      %convert_element_type3A = arith.extui %ge3A_47 : i1 to i32
      %cond3A = arith.constant 0 : i32
      %cond3A_48 = arith.cmpi ne, %convert_element_type3A, %cond3A : i32
      scf.if %cond3A_48 {
        %sub3A = arith.constant 2 : i32
        %sub3A_105 = arith.subi %add3A_42, %sub3A : i32
        %mul3A_106 = arith.constant 64 : i32
        %mul3A_107 = arith.muli %sub3A_105, %mul3A_106 : i32
        %min3A_108 = arith.constant 408 : i32
        %min3A_109 = arith.minsi %mul3A_107, %min3A_108 : i32
        %add3A_110 = arith.addi %mul3A_2, %min3A_109 : i32
        %dma_wait3A_111 = arith.constant 0 : i32
        %dma_wait3A_112 = tpu.memref_slice %arg4[%add3A_110, %dma_wait3A_111] : memref<15104x512xf32, #tpu.memory_space<hbm>> -> memref<64x512xf32, #tpu.memory_space<hbm>>
        %dma_wait3A_113 = arith.constant 0 : i32
        %dma_wait3A_114 = tpu.memref_slice %arg4[%add3A_110, %dma_wait3A_113] : memref<15104x512xf32, #tpu.memory_space<hbm>> -> memref<64x512xf32, #tpu.memory_space<hbm>>
        tpu.wait_dma2 semaphore(%arg11 : memref<!tpu.dma_semaphore, #tpu.memory_space<semaphore_mem>>) src(%arg7 : memref<64x512xf32, #tpu.memory_space<vmem>>) dst(%dma_wait3A_114 : memref<64x512xf32, #tpu.memory_space<hbm>>)
      } else {
      }
      "tpu.region"() ({
        %run_scoped3A = tpu.sem_alloc : memref<!tpu.dma_semaphore, #tpu.memory_space<semaphore_mem>>
        %dma_start3A_105 = tpu.memref_slice %arg3[%add3A_46] : memref<15104xi32, #tpu.memory_space<hbm>> -> memref<64xi32, #tpu.memory_space<hbm>>
        %dma_start3A_106 = tpu.memref_slice %arg3[%add3A_46] : memref<15104xi32, #tpu.memory_space<hbm>> -> memref<64xi32, #tpu.memory_space<hbm>>
        tpu.enqueue_dma source(%dma_start3A_106 : memref<64xi32, #tpu.memory_space<hbm>>) target(%arg5 : memref<64xi32, #tpu.memory_space<vmem>>) target_semaphore(%run_scoped3A : memref<!tpu.dma_semaphore, #tpu.memory_space<semaphore_mem>>)
        %dma_wait3A_107 = tpu.memref_slice %arg3[%add3A_46] : memref<15104xi32, #tpu.memory_space<hbm>> -> memref<64xi32, #tpu.memory_space<hbm>>
        %dma_wait3A_108 = tpu.memref_slice %arg3[%add3A_46] : memref<15104xi32, #tpu.memory_space<hbm>> -> memref<64xi32, #tpu.memory_space<hbm>>
        tpu.wait_dma2 semaphore(%run_scoped3A : memref<!tpu.dma_semaphore, #tpu.memory_space<semaphore_mem>>) src(%dma_wait3A_108 : memref<64xi32, #tpu.memory_space<hbm>>) dst(%arg5 : memref<64xi32, #tpu.memory_space<vmem>>)
        tpu.yield
      }) : () -> ()
      %dma_start3A_49 = arith.constant 0 : i32
      %dma_start3A_50 = arith.constant 0 : i32
      %dma_start3A_51 = tpu.memref_slice %arg7[%dma_start3A_49, %dma_start3A_50] : memref<64x512xf32, #tpu.memory_space<vmem>> -> memref<32x512xf32, #tpu.memory_space<vmem>>
      %dma_start3A_52 = arith.constant 0 : i32
      %dma_start3A_53 = tpu.memref_slice %arg5[%dma_start3A_52] : memref<64xi32, #tpu.memory_space<vmem>> -> memref<32xi32, #tpu.memory_space<vmem>>
      %dma_start3A_54 = arith.constant 0 : i32
      %dma_start3A_55 = arith.constant 0 : i32
      %dma_start3A_56 = tpu.memref_slice %arg2[%dma_start3A_54, %dma_start3A_55] : memref<2197x512xf32, #tpu.memory_space<hbm>> -> memref<2197x512xf32, #tpu.memory_space<hbm>>
      tpu.enqueue_indirect_dma source(%dma_start3A_56 : memref<2197x512xf32, #tpu.memory_space<hbm>>) target(%dma_start3A_51 : memref<32x512xf32, #tpu.memory_space<vmem>>) offsets(%dma_start3A_53 : memref<32xi32, #tpu.memory_space<vmem>>) semaphore(%arg9 : memref<!tpu.dma_semaphore, #tpu.memory_space<semaphore_mem>>)
      %dma_start3A_57 = arith.constant 32 : i32
      %dma_start3A_58 = arith.constant 0 : i32
      %dma_start3A_59 = tpu.memref_slice %arg7[%dma_start3A_57, %dma_start3A_58] : memref<64x512xf32, #tpu.memory_space<vmem>> -> memref<32x512xf32, #tpu.memory_space<vmem>>
      %dma_start3A_60 = arith.constant 32 : i32
      %dma_start3A_61 = tpu.memref_slice %arg5[%dma_start3A_60] : memref<64xi32, #tpu.memory_space<vmem>> -> memref<32xi32, #tpu.memory_space<vmem>>
      %dma_start3A_62 = arith.constant 0 : i32
      %dma_start3A_63 = arith.constant 0 : i32
      %dma_start3A_64 = tpu.memref_slice %arg2[%dma_start3A_62, %dma_start3A_63] : memref<2197x512xf32, #tpu.memory_space<hbm>> -> memref<2197x512xf32, #tpu.memory_space<hbm>>
      tpu.enqueue_indirect_dma source(%dma_start3A_64 : memref<2197x512xf32, #tpu.memory_space<hbm>>) target(%dma_start3A_59 : memref<32x512xf32, #tpu.memory_space<vmem>>) offsets(%dma_start3A_61 : memref<32xi32, #tpu.memory_space<vmem>>) semaphore(%arg9 : memref<!tpu.dma_semaphore, #tpu.memory_space<semaphore_mem>>)
      %ge3A_65 = arith.constant 1 : i32
      %ge3A_66 = arith.cmpi sge, %add3A_42, %ge3A_65 : i32
      %convert_element_type3A_67 = arith.extui %ge3A_66 : i1 to i32
      %cond3A_68 = arith.constant 0 : i32
      %cond3A_69 = arith.cmpi ne, %convert_element_type3A_67, %cond3A_68 : i32
      scf.if %cond3A_69 {
        %dma_wait3A_105 = arith.constant 0 : i32
        %dma_wait3A_106 = arith.constant 0 : i32
        %dma_wait3A_107 = tpu.memref_slice %arg8[%dma_wait3A_105, %dma_wait3A_106] : memref<64x512xf32, #tpu.memory_space<vmem>> -> memref<32x512xf32, #tpu.memory_space<vmem>>
        %dma_wait3A_108 = arith.constant 0 : i32
        %dma_wait3A_109 = tpu.memref_slice %arg6[%dma_wait3A_108] : memref<64xi32, #tpu.memory_space<vmem>> -> memref<32xi32, #tpu.memory_space<vmem>>
        %dma_wait3A_110 = arith.constant 0 : i32
        %dma_wait3A_111 = arith.constant 0 : i32
        %dma_wait3A_112 = tpu.memref_slice %arg2[%dma_wait3A_110, %dma_wait3A_111] : memref<2197x512xf32, #tpu.memory_space<hbm>> -> memref<2197x512xf32, #tpu.memory_space<hbm>>
        tpu.wait_indirect_dma semaphore(%arg10 : memref<!tpu.dma_semaphore, #tpu.memory_space<semaphore_mem>>) src(%dma_wait3A_112 : memref<2197x512xf32, #tpu.memory_space<hbm>>) dst(%dma_wait3A_107 : memref<32x512xf32, #tpu.memory_space<vmem>>)
        %dma_wait3A_113 = arith.constant 32 : i32
        %dma_wait3A_114 = arith.constant 0 : i32
        %dma_wait3A_115 = tpu.memref_slice %arg8[%dma_wait3A_113, %dma_wait3A_114] : memref<64x512xf32, #tpu.memory_space<vmem>> -> memref<32x512xf32, #tpu.memory_space<vmem>>
        %dma_wait3A_116 = arith.constant 32 : i32
        %dma_wait3A_117 = tpu.memref_slice %arg6[%dma_wait3A_116] : memref<64xi32, #tpu.memory_space<vmem>> -> memref<32xi32, #tpu.memory_space<vmem>>
        %dma_wait3A_118 = arith.constant 0 : i32
        %dma_wait3A_119 = arith.constant 0 : i32
        %dma_wait3A_120 = tpu.memref_slice %arg2[%dma_wait3A_118, %dma_wait3A_119] : memref<2197x512xf32, #tpu.memory_space<hbm>> -> memref<2197x512xf32, #tpu.memory_space<hbm>>
        tpu.wait_indirect_dma semaphore(%arg10 : memref<!tpu.dma_semaphore, #tpu.memory_space<semaphore_mem>>) src(%dma_wait3A_120 : memref<2197x512xf32, #tpu.memory_space<hbm>>) dst(%dma_wait3A_115 : memref<32x512xf32, #tpu.memory_space<vmem>>)
        %sub3A = arith.constant 1 : i32
        %sub3A_121 = arith.subi %add3A_42, %sub3A : i32
        %mul3A_122 = arith.constant 64 : i32
        %mul3A_123 = arith.muli %sub3A_121, %mul3A_122 : i32
        %min3A_124 = arith.constant 408 : i32
        %min3A_125 = arith.minsi %mul3A_123, %min3A_124 : i32
        %add3A_126 = arith.addi %mul3A_2, %min3A_125 : i32
        %dma_start3A_127 = arith.constant 0 : i32
        %dma_start3A_128 = tpu.memref_slice %arg4[%add3A_126, %dma_start3A_127] : memref<15104x512xf32, #tpu.memory_space<hbm>> -> memref<64x512xf32, #tpu.memory_space<hbm>>
        %dma_start3A_129 = arith.constant 0 : i32
        %dma_start3A_130 = tpu.memref_slice %arg4[%add3A_126, %dma_start3A_129] : memref<15104x512xf32, #tpu.memory_space<hbm>> -> memref<64x512xf32, #tpu.memory_space<hbm>>
        tpu.enqueue_dma source(%arg8 : memref<64x512xf32, #tpu.memory_space<vmem>>) target(%dma_start3A_130 : memref<64x512xf32, #tpu.memory_space<hbm>>) target_semaphore(%arg12 : memref<!tpu.dma_semaphore, #tpu.memory_space<semaphore_mem>>)
      } else {
      }
      %mul3A_70 = arith.constant 2 : i32
      %mul3A_71 = arith.muli %mul3A_70, %scan3A_38 : i32
      %add3A_72 = arith.constant 1 : i32
      %add3A_73 = arith.addi %mul3A_71, %add3A_72 : i32
      %mul3A_74 = arith.constant 64 : i32
      %mul3A_75 = arith.muli %add3A_73, %mul3A_74 : i32
      %min3A_76 = arith.constant 408 : i32
      %min3A_77 = arith.minsi %mul3A_75, %min3A_76 : i32
      %add3A_78 = arith.addi %mul3A_2, %min3A_77 : i32
      %ge3A_79 = arith.constant 2 : i32
      %ge3A_80 = arith.cmpi sge, %add3A_73, %ge3A_79 : i32
      %convert_element_type3A_81 = arith.extui %ge3A_80 : i1 to i32
      %cond3A_82 = arith.constant 0 : i32
      %cond3A_83 = arith.cmpi ne, %convert_element_type3A_81, %cond3A_82 : i32
      scf.if %cond3A_83 {
        %sub3A = arith.constant 2 : i32
        %sub3A_105 = arith.subi %add3A_73, %sub3A : i32
        %mul3A_106 = arith.constant 64 : i32
        %mul3A_107 = arith.muli %sub3A_105, %mul3A_106 : i32
        %min3A_108 = arith.constant 408 : i32
        %min3A_109 = arith.minsi %mul3A_107, %min3A_108 : i32
        %add3A_110 = arith.addi %mul3A_2, %min3A_109 : i32
        %dma_wait3A_111 = arith.constant 0 : i32
        %dma_wait3A_112 = tpu.memref_slice %arg4[%add3A_110, %dma_wait3A_111] : memref<15104x512xf32, #tpu.memory_space<hbm>> -> memref<64x512xf32, #tpu.memory_space<hbm>>
        %dma_wait3A_113 = arith.constant 0 : i32
        %dma_wait3A_114 = tpu.memref_slice %arg4[%add3A_110, %dma_wait3A_113] : memref<15104x512xf32, #tpu.memory_space<hbm>> -> memref<64x512xf32, #tpu.memory_space<hbm>>
        tpu.wait_dma2 semaphore(%arg12 : memref<!tpu.dma_semaphore, #tpu.memory_space<semaphore_mem>>) src(%arg8 : memref<64x512xf32, #tpu.memory_space<vmem>>) dst(%dma_wait3A_114 : memref<64x512xf32, #tpu.memory_space<hbm>>)
      } else {
      }
      "tpu.region"() ({
        %run_scoped3A = tpu.sem_alloc : memref<!tpu.dma_semaphore, #tpu.memory_space<semaphore_mem>>
        %dma_start3A_105 = tpu.memref_slice %arg3[%add3A_78] : memref<15104xi32, #tpu.memory_space<hbm>> -> memref<64xi32, #tpu.memory_space<hbm>>
        %dma_start3A_106 = tpu.memref_slice %arg3[%add3A_78] : memref<15104xi32, #tpu.memory_space<hbm>> -> memref<64xi32, #tpu.memory_space<hbm>>
        tpu.enqueue_dma source(%dma_start3A_106 : memref<64xi32, #tpu.memory_space<hbm>>) target(%arg6 : memref<64xi32, #tpu.memory_space<vmem>>) target_semaphore(%run_scoped3A : memref<!tpu.dma_semaphore, #tpu.memory_space<semaphore_mem>>)
        %dma_wait3A_107 = tpu.memref_slice %arg3[%add3A_78] : memref<15104xi32, #tpu.memory_space<hbm>> -> memref<64xi32, #tpu.memory_space<hbm>>
        %dma_wait3A_108 = tpu.memref_slice %arg3[%add3A_78] : memref<15104xi32, #tpu.memory_space<hbm>> -> memref<64xi32, #tpu.memory_space<hbm>>
        tpu.wait_dma2 semaphore(%run_scoped3A : memref<!tpu.dma_semaphore, #tpu.memory_space<semaphore_mem>>) src(%dma_wait3A_108 : memref<64xi32, #tpu.memory_space<hbm>>) dst(%arg6 : memref<64xi32, #tpu.memory_space<vmem>>)
        tpu.yield
      }) : () -> ()
      %dma_start3A_84 = arith.constant 0 : i32
      %dma_start3A_85 = arith.constant 0 : i32
      %dma_start3A_86 = tpu.memref_slice %arg8[%dma_start3A_84, %dma_start3A_85] : memref<64x512xf32, #tpu.memory_space<vmem>> -> memref<32x512xf32, #tpu.memory_space<vmem>>
      %dma_start3A_87 = arith.constant 0 : i32
      %dma_start3A_88 = tpu.memref_slice %arg6[%dma_start3A_87] : memref<64xi32, #tpu.memory_space<vmem>> -> memref<32xi32, #tpu.memory_space<vmem>>
      %dma_start3A_89 = arith.constant 0 : i32
      %dma_start3A_90 = arith.constant 0 : i32
      %dma_start3A_91 = tpu.memref_slice %arg2[%dma_start3A_89, %dma_start3A_90] : memref<2197x512xf32, #tpu.memory_space<hbm>> -> memref<2197x512xf32, #tpu.memory_space<hbm>>
      tpu.enqueue_indirect_dma source(%dma_start3A_91 : memref<2197x512xf32, #tpu.memory_space<hbm>>) target(%dma_start3A_86 : memref<32x512xf32, #tpu.memory_space<vmem>>) offsets(%dma_start3A_88 : memref<32xi32, #tpu.memory_space<vmem>>) semaphore(%arg10 : memref<!tpu.dma_semaphore, #tpu.memory_space<semaphore_mem>>)
      %dma_start3A_92 = arith.constant 32 : i32
      %dma_start3A_93 = arith.constant 0 : i32
      %dma_start3A_94 = tpu.memref_slice %arg8[%dma_start3A_92, %dma_start3A_93] : memref<64x512xf32, #tpu.memory_space<vmem>> -> memref<32x512xf32, #tpu.memory_space<vmem>>
      %dma_start3A_95 = arith.constant 32 : i32
      %dma_start3A_96 = tpu.memref_slice %arg6[%dma_start3A_95] : memref<64xi32, #tpu.memory_space<vmem>> -> memref<32xi32, #tpu.memory_space<vmem>>
      %dma_start3A_97 = arith.constant 0 : i32
      %dma_start3A_98 = arith.constant 0 : i32
      %dma_start3A_99 = tpu.memref_slice %arg2[%dma_start3A_97, %dma_start3A_98] : memref<2197x512xf32, #tpu.memory_space<hbm>> -> memref<2197x512xf32, #tpu.memory_space<hbm>>
      tpu.enqueue_indirect_dma source(%dma_start3A_99 : memref<2197x512xf32, #tpu.memory_space<hbm>>) target(%dma_start3A_94 : memref<32x512xf32, #tpu.memory_space<vmem>>) offsets(%dma_start3A_96 : memref<32xi32, #tpu.memory_space<vmem>>) semaphore(%arg10 : memref<!tpu.dma_semaphore, #tpu.memory_space<semaphore_mem>>)
      %ge3A_100 = arith.constant 1 : i32
      %ge3A_101 = arith.cmpi sge, %add3A_73, %ge3A_100 : i32
      %convert_element_type3A_102 = arith.extui %ge3A_101 : i1 to i32
      %cond3A_103 = arith.constant 0 : i32
      %cond3A_104 = arith.cmpi ne, %convert_element_type3A_102, %cond3A_103 : i32
      scf.if %cond3A_104 {
        %dma_wait3A_105 = arith.constant 0 : i32
        %dma_wait3A_106 = arith.constant 0 : i32
        %dma_wait3A_107 = tpu.memref_slice %arg7[%dma_wait3A_105, %dma_wait3A_106] : memref<64x512xf32, #tpu.memory_space<vmem>> -> memref<32x512xf32, #tpu.memory_space<vmem>>
        %dma_wait3A_108 = arith.constant 0 : i32
        %dma_wait3A_109 = tpu.memref_slice %arg5[%dma_wait3A_108] : memref<64xi32, #tpu.memory_space<vmem>> -> memref<32xi32, #tpu.memory_space<vmem>>
        %dma_wait3A_110 = arith.constant 0 : i32
        %dma_wait3A_111 = arith.constant 0 : i32
        %dma_wait3A_112 = tpu.memref_slice %arg2[%dma_wait3A_110, %dma_wait3A_111] : memref<2197x512xf32, #tpu.memory_space<hbm>> -> memref<2197x512xf32, #tpu.memory_space<hbm>>
        tpu.wait_indirect_dma semaphore(%arg9 : memref<!tpu.dma_semaphore, #tpu.memory_space<semaphore_mem>>) src(%dma_wait3A_112 : memref<2197x512xf32, #tpu.memory_space<hbm>>) dst(%dma_wait3A_107 : memref<32x512xf32, #tpu.memory_space<vmem>>)
        %dma_wait3A_113 = arith.constant 32 : i32
        %dma_wait3A_114 = arith.constant 0 : i32
        %dma_wait3A_115 = tpu.memref_slice %arg7[%dma_wait3A_113, %dma_wait3A_114] : memref<64x512xf32, #tpu.memory_space<vmem>> -> memref<32x512xf32, #tpu.memory_space<vmem>>
        %dma_wait3A_116 = arith.constant 32 : i32
        %dma_wait3A_117 = tpu.memref_slice %arg5[%dma_wait3A_116] : memref<64xi32, #tpu.memory_space<vmem>> -> memref<32xi32, #tpu.memory_space<vmem>>
        %dma_wait3A_118 = arith.constant 0 : i32
        %dma_wait3A_119 = arith.constant 0 : i32
        %dma_wait3A_120 = tpu.memref_slice %arg2[%dma_wait3A_118, %dma_wait3A_119] : memref<2197x512xf32, #tpu.memory_space<hbm>> -> memref<2197x512xf32, #tpu.memory_space<hbm>>
        tpu.wait_indirect_dma semaphore(%arg9 : memref<!tpu.dma_semaphore, #tpu.memory_space<semaphore_mem>>) src(%dma_wait3A_120 : memref<2197x512xf32, #tpu.memory_space<hbm>>) dst(%dma_wait3A_115 : memref<32x512xf32, #tpu.memory_space<vmem>>)
        %sub3A = arith.constant 1 : i32
        %sub3A_121 = arith.subi %add3A_73, %sub3A : i32
        %mul3A_122 = arith.constant 64 : i32
        %mul3A_123 = arith.muli %sub3A_121, %mul3A_122 : i32
        %min3A_124 = arith.constant 408 : i32
        %min3A_125 = arith.minsi %mul3A_123, %min3A_124 : i32
        %add3A_126 = arith.addi %mul3A_2, %min3A_125 : i32
        %dma_start3A_127 = arith.constant 0 : i32
        %dma_start3A_128 = tpu.memref_slice %arg4[%add3A_126, %dma_start3A_127] : memref<15104x512xf32, #tpu.memory_space<hbm>> -> memref<64x512xf32, #tpu.memory_space<hbm>>
        %dma_start3A_129 = arith.constant 0 : i32
        %dma_start3A_130 = tpu.memref_slice %arg4[%add3A_126, %dma_start3A_129] : memref<15104x512xf32, #tpu.memory_space<hbm>> -> memref<64x512xf32, #tpu.memory_space<hbm>>
        tpu.enqueue_dma source(%arg7 : memref<64x512xf32, #tpu.memory_space<vmem>>) target(%dma_start3A_130 : memref<64x512xf32, #tpu.memory_space<hbm>>) target_semaphore(%arg11 : memref<!tpu.dma_semaphore, #tpu.memory_space<semaphore_mem>>)
      } else {
      }
    }
    %scan3A_7 = arith.constant 4 : i32
    %add3A_8 = arith.constant 408 : i32
    %add3A_9 = arith.addi %mul3A_2, %add3A_8 : i32
    %add3A_10 = arith.constant 384 : i32
    %add3A_11 = arith.addi %mul3A_2, %add3A_10 : i32
    %dma_wait3A = arith.constant 0 : i32
    %dma_wait3A_12 = arith.constant 0 : i32
    %dma_wait3A_13 = tpu.memref_slice %arg8[%dma_wait3A, %dma_wait3A_12] : memref<64x512xf32, #tpu.memory_space<vmem>> -> memref<32x512xf32, #tpu.memory_space<vmem>>
    %dma_wait3A_14 = arith.constant 0 : i32
    %dma_wait3A_15 = tpu.memref_slice %arg6[%dma_wait3A_14] : memref<64xi32, #tpu.memory_space<vmem>> -> memref<32xi32, #tpu.memory_space<vmem>>
    %dma_wait3A_16 = arith.constant 0 : i32
    %dma_wait3A_17 = arith.constant 0 : i32
    %dma_wait3A_18 = tpu.memref_slice %arg2[%dma_wait3A_16, %dma_wait3A_17] : memref<2197x512xf32, #tpu.memory_space<hbm>> -> memref<2197x512xf32, #tpu.memory_space<hbm>>
    tpu.wait_indirect_dma semaphore(%arg10 : memref<!tpu.dma_semaphore, #tpu.memory_space<semaphore_mem>>) src(%dma_wait3A_18 : memref<2197x512xf32, #tpu.memory_space<hbm>>) dst(%dma_wait3A_13 : memref<32x512xf32, #tpu.memory_space<vmem>>)
    %dma_wait3A_19 = arith.constant 32 : i32
    %dma_wait3A_20 = arith.constant 0 : i32
    %dma_wait3A_21 = tpu.memref_slice %arg8[%dma_wait3A_19, %dma_wait3A_20] : memref<64x512xf32, #tpu.memory_space<vmem>> -> memref<32x512xf32, #tpu.memory_space<vmem>>
    %dma_wait3A_22 = arith.constant 32 : i32
    %dma_wait3A_23 = tpu.memref_slice %arg6[%dma_wait3A_22] : memref<64xi32, #tpu.memory_space<vmem>> -> memref<32xi32, #tpu.memory_space<vmem>>
    %dma_wait3A_24 = arith.constant 0 : i32
    %dma_wait3A_25 = arith.constant 0 : i32
    %dma_wait3A_26 = tpu.memref_slice %arg2[%dma_wait3A_24, %dma_wait3A_25] : memref<2197x512xf32, #tpu.memory_space<hbm>> -> memref<2197x512xf32, #tpu.memory_space<hbm>>
    tpu.wait_indirect_dma semaphore(%arg10 : memref<!tpu.dma_semaphore, #tpu.memory_space<semaphore_mem>>) src(%dma_wait3A_26 : memref<2197x512xf32, #tpu.memory_space<hbm>>) dst(%dma_wait3A_21 : memref<32x512xf32, #tpu.memory_space<vmem>>)
    %dma_start3A = arith.constant 0 : i32
    %dma_start3A_27 = tpu.memref_slice %arg4[%add3A_9, %dma_start3A] : memref<15104x512xf32, #tpu.memory_space<hbm>> -> memref<64x512xf32, #tpu.memory_space<hbm>>
    %dma_start3A_28 = arith.constant 0 : i32
    %dma_start3A_29 = tpu.memref_slice %arg4[%add3A_9, %dma_start3A_28] : memref<15104x512xf32, #tpu.memory_space<hbm>> -> memref<64x512xf32, #tpu.memory_space<hbm>>
    tpu.enqueue_dma source(%arg8 : memref<64x512xf32, #tpu.memory_space<vmem>>) target(%dma_start3A_29 : memref<64x512xf32, #tpu.memory_space<hbm>>) target_semaphore(%arg12 : memref<!tpu.dma_semaphore, #tpu.memory_space<semaphore_mem>>)
    %dma_wait3A_30 = arith.constant 0 : i32
    %dma_wait3A_31 = tpu.memref_slice %arg4[%add3A_11, %dma_wait3A_30] : memref<15104x512xf32, #tpu.memory_space<hbm>> -> memref<64x512xf32, #tpu.memory_space<hbm>>
    %dma_wait3A_32 = arith.constant 0 : i32
    %dma_wait3A_33 = tpu.memref_slice %arg4[%add3A_11, %dma_wait3A_32] : memref<15104x512xf32, #tpu.memory_space<hbm>> -> memref<64x512xf32, #tpu.memory_space<hbm>>
    tpu.wait_dma2 semaphore(%arg11 : memref<!tpu.dma_semaphore, #tpu.memory_space<semaphore_mem>>) src(%arg7 : memref<64x512xf32, #tpu.memory_space<vmem>>) dst(%dma_wait3A_33 : memref<64x512xf32, #tpu.memory_space<hbm>>)
    %dma_wait3A_34 = arith.constant 0 : i32
    %dma_wait3A_35 = tpu.memref_slice %arg4[%add3A_9, %dma_wait3A_34] : memref<15104x512xf32, #tpu.memory_space<hbm>> -> memref<64x512xf32, #tpu.memory_space<hbm>>
    %dma_wait3A_36 = arith.constant 0 : i32
    %dma_wait3A_37 = tpu.memref_slice %arg4[%add3A_9, %dma_wait3A_36] : memref<15104x512xf32, #tpu.memory_space<hbm>> -> memref<64x512xf32, #tpu.memory_space<hbm>>
    tpu.wait_dma2 semaphore(%arg12 : memref<!tpu.dma_semaphore, #tpu.memory_space<semaphore_mem>>) src(%arg8 : memref<64x512xf32, #tpu.memory_space<vmem>>) dst(%dma_wait3A_37 : memref<64x512xf32, #tpu.memory_space<hbm>>)
    return
  }
}

#map = affine_map<(d0, d1) -> (0, 0)>
#map1 = affine_map<(d0, d1) -> (0)>
module attributes {stable_mosaic.version = 14 : i64} {
  func.func @k(%arg0: i32, %arg1: i32, %arg2: memref<15000x256xf32, #tpu.memory_space<hbm>>, %arg3: memref<50176xi32, #tpu.memory_space<hbm>>, %arg4: memref<50176x256xf32, #tpu.memory_space<hbm>>, %arg5: memref<128xi32, #tpu.memory_space<vmem>>, %arg6: memref<128xi32, #tpu.memory_space<vmem>>, %arg7: memref<128x256xf32, #tpu.memory_space<vmem>>, %arg8: memref<128x256xf32, #tpu.memory_space<vmem>>, %arg9: memref<!tpu.dma_semaphore, #tpu.memory_space<semaphore_mem>>, %arg10: memref<!tpu.dma_semaphore, #tpu.memory_space<semaphore_mem>>, %arg11: memref<!tpu.dma_semaphore, #tpu.memory_space<semaphore_mem>>, %arg12: memref<!tpu.dma_semaphore, #tpu.memory_space<semaphore_mem>>) attributes {dimension_semantics = [#tpu.dimension_semantics<core_parallel>, #tpu.dimension_semantics<subcore_parallel>], iteration_bounds = array<i64: 2, 16>, scalar_prefetch = 0 : i64, scratch_operands = 8 : i64, tpu.core_type = #tpu.core_type<sc_vector_subcore>, window_params = [{transform_indices = #map}, {transform_indices = #map1}, {transform_indices = #map}]} {
    %mul3A = arith.constant 2 : i32
    %mul3A_0 = arith.muli %arg1, %mul3A : i32
    %add3A = arith.addi %mul3A_0, %arg0 : i32
    %mul3A_1 = arith.constant 1568 : i32
    %mul3A_2 = arith.muli %add3A, %mul3A_1 : i32
    %scan3A = arith.constant 0 : i32
    %scan3A_3 = arith.constant 0 : i32
    %scan3A_4 = arith.constant 7 : i32
    %scan3A_5 = arith.addi %scan3A_3, %scan3A_4 : i32
    %scan3A_6 = arith.constant 1 : i32
    scf.for %scan3A_54 = %scan3A_3 to %scan3A_5 step %scan3A_6  : i32 {
      %mul3A_55 = arith.constant 2 : i32
      %mul3A_56 = arith.muli %mul3A_55, %scan3A_54 : i32
      %add3A_57 = arith.constant 0 : i32
      %add3A_58 = arith.addi %mul3A_56, %add3A_57 : i32
      %mul3A_59 = arith.constant 128 : i32
      %mul3A_60 = arith.muli %add3A_58, %mul3A_59 : i32
      %min3A = arith.constant 1440 : i32
      %min3A_61 = arith.minsi %mul3A_60, %min3A : i32
      %add3A_62 = arith.addi %mul3A_2, %min3A_61 : i32
      %ge3A = arith.constant 2 : i32
      %ge3A_63 = arith.cmpi sge, %add3A_58, %ge3A : i32
      %convert_element_type3A = arith.extui %ge3A_63 : i1 to i32
      %cond3A = arith.constant 0 : i32
      %cond3A_64 = arith.cmpi ne, %convert_element_type3A, %cond3A : i32
      scf.if %cond3A_64 {
        %sub3A = arith.constant 2 : i32
        %sub3A_153 = arith.subi %add3A_58, %sub3A : i32
        %mul3A_154 = arith.constant 128 : i32
        %mul3A_155 = arith.muli %sub3A_153, %mul3A_154 : i32
        %min3A_156 = arith.constant 1440 : i32
        %min3A_157 = arith.minsi %mul3A_155, %min3A_156 : i32
        %add3A_158 = arith.addi %mul3A_2, %min3A_157 : i32
        %dma_wait3A_159 = arith.constant 0 : i32
        %dma_wait3A_160 = tpu.memref_slice %arg4[%add3A_158, %dma_wait3A_159] : memref<50176x256xf32, #tpu.memory_space<hbm>> -> memref<128x256xf32, #tpu.memory_space<hbm>>
        %dma_wait3A_161 = arith.constant 0 : i32
        %dma_wait3A_162 = tpu.memref_slice %arg4[%add3A_158, %dma_wait3A_161] : memref<50176x256xf32, #tpu.memory_space<hbm>> -> memref<128x256xf32, #tpu.memory_space<hbm>>
        tpu.wait_dma2 semaphore(%arg11 : memref<!tpu.dma_semaphore, #tpu.memory_space<semaphore_mem>>) src(%arg7 : memref<128x256xf32, #tpu.memory_space<vmem>>) dst(%dma_wait3A_162 : memref<128x256xf32, #tpu.memory_space<hbm>>)
      } else {
      }
      "tpu.region"() ({
        %run_scoped3A = tpu.sem_alloc : memref<!tpu.dma_semaphore, #tpu.memory_space<semaphore_mem>>
        %dma_start3A_153 = tpu.memref_slice %arg3[%add3A_62] : memref<50176xi32, #tpu.memory_space<hbm>> -> memref<128xi32, #tpu.memory_space<hbm>>
        %dma_start3A_154 = tpu.memref_slice %arg3[%add3A_62] : memref<50176xi32, #tpu.memory_space<hbm>> -> memref<128xi32, #tpu.memory_space<hbm>>
        tpu.enqueue_dma source(%dma_start3A_154 : memref<128xi32, #tpu.memory_space<hbm>>) target(%arg5 : memref<128xi32, #tpu.memory_space<vmem>>) target_semaphore(%run_scoped3A : memref<!tpu.dma_semaphore, #tpu.memory_space<semaphore_mem>>)
        %dma_wait3A_155 = tpu.memref_slice %arg3[%add3A_62] : memref<50176xi32, #tpu.memory_space<hbm>> -> memref<128xi32, #tpu.memory_space<hbm>>
        %dma_wait3A_156 = tpu.memref_slice %arg3[%add3A_62] : memref<50176xi32, #tpu.memory_space<hbm>> -> memref<128xi32, #tpu.memory_space<hbm>>
        tpu.wait_dma2 semaphore(%run_scoped3A : memref<!tpu.dma_semaphore, #tpu.memory_space<semaphore_mem>>) src(%dma_wait3A_156 : memref<128xi32, #tpu.memory_space<hbm>>) dst(%arg5 : memref<128xi32, #tpu.memory_space<vmem>>)
        tpu.yield
      }) : () -> ()
      %dma_start3A_65 = arith.constant 0 : i32
      %dma_start3A_66 = arith.constant 0 : i32
      %dma_start3A_67 = tpu.memref_slice %arg7[%dma_start3A_65, %dma_start3A_66] : memref<128x256xf32, #tpu.memory_space<vmem>> -> memref<32x256xf32, #tpu.memory_space<vmem>>
      %dma_start3A_68 = arith.constant 0 : i32
      %dma_start3A_69 = tpu.memref_slice %arg5[%dma_start3A_68] : memref<128xi32, #tpu.memory_space<vmem>> -> memref<32xi32, #tpu.memory_space<vmem>>
      %dma_start3A_70 = arith.constant 0 : i32
      %dma_start3A_71 = arith.constant 0 : i32
      %dma_start3A_72 = tpu.memref_slice %arg2[%dma_start3A_70, %dma_start3A_71] : memref<15000x256xf32, #tpu.memory_space<hbm>> -> memref<15000x256xf32, #tpu.memory_space<hbm>>
      tpu.enqueue_indirect_dma source(%dma_start3A_72 : memref<15000x256xf32, #tpu.memory_space<hbm>>) target(%dma_start3A_67 : memref<32x256xf32, #tpu.memory_space<vmem>>) offsets(%dma_start3A_69 : memref<32xi32, #tpu.memory_space<vmem>>) semaphore(%arg9 : memref<!tpu.dma_semaphore, #tpu.memory_space<semaphore_mem>>)
      %dma_start3A_73 = arith.constant 32 : i32
      %dma_start3A_74 = arith.constant 0 : i32
      %dma_start3A_75 = tpu.memref_slice %arg7[%dma_start3A_73, %dma_start3A_74] : memref<128x256xf32, #tpu.memory_space<vmem>> -> memref<32x256xf32, #tpu.memory_space<vmem>>
      %dma_start3A_76 = arith.constant 32 : i32
      %dma_start3A_77 = tpu.memref_slice %arg5[%dma_start3A_76] : memref<128xi32, #tpu.memory_space<vmem>> -> memref<32xi32, #tpu.memory_space<vmem>>
      %dma_start3A_78 = arith.constant 0 : i32
      %dma_start3A_79 = arith.constant 0 : i32
      %dma_start3A_80 = tpu.memref_slice %arg2[%dma_start3A_78, %dma_start3A_79] : memref<15000x256xf32, #tpu.memory_space<hbm>> -> memref<15000x256xf32, #tpu.memory_space<hbm>>
      tpu.enqueue_indirect_dma source(%dma_start3A_80 : memref<15000x256xf32, #tpu.memory_space<hbm>>) target(%dma_start3A_75 : memref<32x256xf32, #tpu.memory_space<vmem>>) offsets(%dma_start3A_77 : memref<32xi32, #tpu.memory_space<vmem>>) semaphore(%arg9 : memref<!tpu.dma_semaphore, #tpu.memory_space<semaphore_mem>>)
      %dma_start3A_81 = arith.constant 64 : i32
      %dma_start3A_82 = arith.constant 0 : i32
      %dma_start3A_83 = tpu.memref_slice %arg7[%dma_start3A_81, %dma_start3A_82] : memref<128x256xf32, #tpu.memory_space<vmem>> -> memref<32x256xf32, #tpu.memory_space<vmem>>
      %dma_start3A_84 = arith.constant 64 : i32
      %dma_start3A_85 = tpu.memref_slice %arg5[%dma_start3A_84] : memref<128xi32, #tpu.memory_space<vmem>> -> memref<32xi32, #tpu.memory_space<vmem>>
      %dma_start3A_86 = arith.constant 0 : i32
      %dma_start3A_87 = arith.constant 0 : i32
      %dma_start3A_88 = tpu.memref_slice %arg2[%dma_start3A_86, %dma_start3A_87] : memref<15000x256xf32, #tpu.memory_space<hbm>> -> memref<15000x256xf32, #tpu.memory_space<hbm>>
      tpu.enqueue_indirect_dma source(%dma_start3A_88 : memref<15000x256xf32, #tpu.memory_space<hbm>>) target(%dma_start3A_83 : memref<32x256xf32, #tpu.memory_space<vmem>>) offsets(%dma_start3A_85 : memref<32xi32, #tpu.memory_space<vmem>>) semaphore(%arg9 : memref<!tpu.dma_semaphore, #tpu.memory_space<semaphore_mem>>)
      %dma_start3A_89 = arith.constant 96 : i32
      %dma_start3A_90 = arith.constant 0 : i32
      %dma_start3A_91 = tpu.memref_slice %arg7[%dma_start3A_89, %dma_start3A_90] : memref<128x256xf32, #tpu.memory_space<vmem>> -> memref<32x256xf32, #tpu.memory_space<vmem>>
      %dma_start3A_92 = arith.constant 96 : i32
      %dma_start3A_93 = tpu.memref_slice %arg5[%dma_start3A_92] : memref<128xi32, #tpu.memory_space<vmem>> -> memref<32xi32, #tpu.memory_space<vmem>>
      %dma_start3A_94 = arith.constant 0 : i32
      %dma_start3A_95 = arith.constant 0 : i32
      %dma_start3A_96 = tpu.memref_slice %arg2[%dma_start3A_94, %dma_start3A_95] : memref<15000x256xf32, #tpu.memory_space<hbm>> -> memref<15000x256xf32, #tpu.memory_space<hbm>>
      tpu.enqueue_indirect_dma source(%dma_start3A_96 : memref<15000x256xf32, #tpu.memory_space<hbm>>) target(%dma_start3A_91 : memref<32x256xf32, #tpu.memory_space<vmem>>) offsets(%dma_start3A_93 : memref<32xi32, #tpu.memory_space<vmem>>) semaphore(%arg9 : memref<!tpu.dma_semaphore, #tpu.memory_space<semaphore_mem>>)
      %ge3A_97 = arith.constant 1 : i32
      %ge3A_98 = arith.cmpi sge, %add3A_58, %ge3A_97 : i32
      %convert_element_type3A_99 = arith.extui %ge3A_98 : i1 to i32
      %cond3A_100 = arith.constant 0 : i32
      %cond3A_101 = arith.cmpi ne, %convert_element_type3A_99, %cond3A_100 : i32
      scf.if %cond3A_101 {
        %dma_wait3A_153 = arith.constant 0 : i32
        %dma_wait3A_154 = arith.constant 0 : i32
        %dma_wait3A_155 = tpu.memref_slice %arg8[%dma_wait3A_153, %dma_wait3A_154] : memref<128x256xf32, #tpu.memory_space<vmem>> -> memref<32x256xf32, #tpu.memory_space<vmem>>
        %dma_wait3A_156 = arith.constant 0 : i32
        %dma_wait3A_157 = tpu.memref_slice %arg6[%dma_wait3A_156] : memref<128xi32, #tpu.memory_space<vmem>> -> memref<32xi32, #tpu.memory_space<vmem>>
        %dma_wait3A_158 = arith.constant 0 : i32
        %dma_wait3A_159 = arith.constant 0 : i32
        %dma_wait3A_160 = tpu.memref_slice %arg2[%dma_wait3A_158, %dma_wait3A_159] : memref<15000x256xf32, #tpu.memory_space<hbm>> -> memref<15000x256xf32, #tpu.memory_space<hbm>>
        tpu.wait_indirect_dma semaphore(%arg10 : memref<!tpu.dma_semaphore, #tpu.memory_space<semaphore_mem>>) src(%dma_wait3A_160 : memref<15000x256xf32, #tpu.memory_space<hbm>>) dst(%dma_wait3A_155 : memref<32x256xf32, #tpu.memory_space<vmem>>)
        %dma_wait3A_161 = arith.constant 32 : i32
        %dma_wait3A_162 = arith.constant 0 : i32
        %dma_wait3A_163 = tpu.memref_slice %arg8[%dma_wait3A_161, %dma_wait3A_162] : memref<128x256xf32, #tpu.memory_space<vmem>> -> memref<32x256xf32, #tpu.memory_space<vmem>>
        %dma_wait3A_164 = arith.constant 32 : i32
        %dma_wait3A_165 = tpu.memref_slice %arg6[%dma_wait3A_164] : memref<128xi32, #tpu.memory_space<vmem>> -> memref<32xi32, #tpu.memory_space<vmem>>
        %dma_wait3A_166 = arith.constant 0 : i32
        %dma_wait3A_167 = arith.constant 0 : i32
        %dma_wait3A_168 = tpu.memref_slice %arg2[%dma_wait3A_166, %dma_wait3A_167] : memref<15000x256xf32, #tpu.memory_space<hbm>> -> memref<15000x256xf32, #tpu.memory_space<hbm>>
        tpu.wait_indirect_dma semaphore(%arg10 : memref<!tpu.dma_semaphore, #tpu.memory_space<semaphore_mem>>) src(%dma_wait3A_168 : memref<15000x256xf32, #tpu.memory_space<hbm>>) dst(%dma_wait3A_163 : memref<32x256xf32, #tpu.memory_space<vmem>>)
        %dma_wait3A_169 = arith.constant 64 : i32
        %dma_wait3A_170 = arith.constant 0 : i32
        %dma_wait3A_171 = tpu.memref_slice %arg8[%dma_wait3A_169, %dma_wait3A_170] : memref<128x256xf32, #tpu.memory_space<vmem>> -> memref<32x256xf32, #tpu.memory_space<vmem>>
        %dma_wait3A_172 = arith.constant 64 : i32
        %dma_wait3A_173 = tpu.memref_slice %arg6[%dma_wait3A_172] : memref<128xi32, #tpu.memory_space<vmem>> -> memref<32xi32, #tpu.memory_space<vmem>>
        %dma_wait3A_174 = arith.constant 0 : i32
        %dma_wait3A_175 = arith.constant 0 : i32
        %dma_wait3A_176 = tpu.memref_slice %arg2[%dma_wait3A_174, %dma_wait3A_175] : memref<15000x256xf32, #tpu.memory_space<hbm>> -> memref<15000x256xf32, #tpu.memory_space<hbm>>
        tpu.wait_indirect_dma semaphore(%arg10 : memref<!tpu.dma_semaphore, #tpu.memory_space<semaphore_mem>>) src(%dma_wait3A_176 : memref<15000x256xf32, #tpu.memory_space<hbm>>) dst(%dma_wait3A_171 : memref<32x256xf32, #tpu.memory_space<vmem>>)
        %dma_wait3A_177 = arith.constant 96 : i32
        %dma_wait3A_178 = arith.constant 0 : i32
        %dma_wait3A_179 = tpu.memref_slice %arg8[%dma_wait3A_177, %dma_wait3A_178] : memref<128x256xf32, #tpu.memory_space<vmem>> -> memref<32x256xf32, #tpu.memory_space<vmem>>
        %dma_wait3A_180 = arith.constant 96 : i32
        %dma_wait3A_181 = tpu.memref_slice %arg6[%dma_wait3A_180] : memref<128xi32, #tpu.memory_space<vmem>> -> memref<32xi32, #tpu.memory_space<vmem>>
        %dma_wait3A_182 = arith.constant 0 : i32
        %dma_wait3A_183 = arith.constant 0 : i32
        %dma_wait3A_184 = tpu.memref_slice %arg2[%dma_wait3A_182, %dma_wait3A_183] : memref<15000x256xf32, #tpu.memory_space<hbm>> -> memref<15000x256xf32, #tpu.memory_space<hbm>>
        tpu.wait_indirect_dma semaphore(%arg10 : memref<!tpu.dma_semaphore, #tpu.memory_space<semaphore_mem>>) src(%dma_wait3A_184 : memref<15000x256xf32, #tpu.memory_space<hbm>>) dst(%dma_wait3A_179 : memref<32x256xf32, #tpu.memory_space<vmem>>)
        %sub3A = arith.constant 1 : i32
        %sub3A_185 = arith.subi %add3A_58, %sub3A : i32
        %mul3A_186 = arith.constant 128 : i32
        %mul3A_187 = arith.muli %sub3A_185, %mul3A_186 : i32
        %min3A_188 = arith.constant 1440 : i32
        %min3A_189 = arith.minsi %mul3A_187, %min3A_188 : i32
        %add3A_190 = arith.addi %mul3A_2, %min3A_189 : i32
        %dma_start3A_191 = arith.constant 0 : i32
        %dma_start3A_192 = tpu.memref_slice %arg4[%add3A_190, %dma_start3A_191] : memref<50176x256xf32, #tpu.memory_space<hbm>> -> memref<128x256xf32, #tpu.memory_space<hbm>>
        %dma_start3A_193 = arith.constant 0 : i32
        %dma_start3A_194 = tpu.memref_slice %arg4[%add3A_190, %dma_start3A_193] : memref<50176x256xf32, #tpu.memory_space<hbm>> -> memref<128x256xf32, #tpu.memory_space<hbm>>
        tpu.enqueue_dma source(%arg8 : memref<128x256xf32, #tpu.memory_space<vmem>>) target(%dma_start3A_194 : memref<128x256xf32, #tpu.memory_space<hbm>>) target_semaphore(%arg12 : memref<!tpu.dma_semaphore, #tpu.memory_space<semaphore_mem>>)
      } else {
      }
      %mul3A_102 = arith.constant 2 : i32
      %mul3A_103 = arith.muli %mul3A_102, %scan3A_54 : i32
      %add3A_104 = arith.constant 1 : i32
      %add3A_105 = arith.addi %mul3A_103, %add3A_104 : i32
      %mul3A_106 = arith.constant 128 : i32
      %mul3A_107 = arith.muli %add3A_105, %mul3A_106 : i32
      %min3A_108 = arith.constant 1440 : i32
      %min3A_109 = arith.minsi %mul3A_107, %min3A_108 : i32
      %add3A_110 = arith.addi %mul3A_2, %min3A_109 : i32
      %ge3A_111 = arith.constant 2 : i32
      %ge3A_112 = arith.cmpi sge, %add3A_105, %ge3A_111 : i32
      %convert_element_type3A_113 = arith.extui %ge3A_112 : i1 to i32
      %cond3A_114 = arith.constant 0 : i32
      %cond3A_115 = arith.cmpi ne, %convert_element_type3A_113, %cond3A_114 : i32
      scf.if %cond3A_115 {
        %sub3A = arith.constant 2 : i32
        %sub3A_153 = arith.subi %add3A_105, %sub3A : i32
        %mul3A_154 = arith.constant 128 : i32
        %mul3A_155 = arith.muli %sub3A_153, %mul3A_154 : i32
        %min3A_156 = arith.constant 1440 : i32
        %min3A_157 = arith.minsi %mul3A_155, %min3A_156 : i32
        %add3A_158 = arith.addi %mul3A_2, %min3A_157 : i32
        %dma_wait3A_159 = arith.constant 0 : i32
        %dma_wait3A_160 = tpu.memref_slice %arg4[%add3A_158, %dma_wait3A_159] : memref<50176x256xf32, #tpu.memory_space<hbm>> -> memref<128x256xf32, #tpu.memory_space<hbm>>
        %dma_wait3A_161 = arith.constant 0 : i32
        %dma_wait3A_162 = tpu.memref_slice %arg4[%add3A_158, %dma_wait3A_161] : memref<50176x256xf32, #tpu.memory_space<hbm>> -> memref<128x256xf32, #tpu.memory_space<hbm>>
        tpu.wait_dma2 semaphore(%arg12 : memref<!tpu.dma_semaphore, #tpu.memory_space<semaphore_mem>>) src(%arg8 : memref<128x256xf32, #tpu.memory_space<vmem>>) dst(%dma_wait3A_162 : memref<128x256xf32, #tpu.memory_space<hbm>>)
      } else {
      }
      "tpu.region"() ({
        %run_scoped3A = tpu.sem_alloc : memref<!tpu.dma_semaphore, #tpu.memory_space<semaphore_mem>>
        %dma_start3A_153 = tpu.memref_slice %arg3[%add3A_110] : memref<50176xi32, #tpu.memory_space<hbm>> -> memref<128xi32, #tpu.memory_space<hbm>>
        %dma_start3A_154 = tpu.memref_slice %arg3[%add3A_110] : memref<50176xi32, #tpu.memory_space<hbm>> -> memref<128xi32, #tpu.memory_space<hbm>>
        tpu.enqueue_dma source(%dma_start3A_154 : memref<128xi32, #tpu.memory_space<hbm>>) target(%arg6 : memref<128xi32, #tpu.memory_space<vmem>>) target_semaphore(%run_scoped3A : memref<!tpu.dma_semaphore, #tpu.memory_space<semaphore_mem>>)
        %dma_wait3A_155 = tpu.memref_slice %arg3[%add3A_110] : memref<50176xi32, #tpu.memory_space<hbm>> -> memref<128xi32, #tpu.memory_space<hbm>>
        %dma_wait3A_156 = tpu.memref_slice %arg3[%add3A_110] : memref<50176xi32, #tpu.memory_space<hbm>> -> memref<128xi32, #tpu.memory_space<hbm>>
        tpu.wait_dma2 semaphore(%run_scoped3A : memref<!tpu.dma_semaphore, #tpu.memory_space<semaphore_mem>>) src(%dma_wait3A_156 : memref<128xi32, #tpu.memory_space<hbm>>) dst(%arg6 : memref<128xi32, #tpu.memory_space<vmem>>)
        tpu.yield
      }) : () -> ()
      %dma_start3A_116 = arith.constant 0 : i32
      %dma_start3A_117 = arith.constant 0 : i32
      %dma_start3A_118 = tpu.memref_slice %arg8[%dma_start3A_116, %dma_start3A_117] : memref<128x256xf32, #tpu.memory_space<vmem>> -> memref<32x256xf32, #tpu.memory_space<vmem>>
      %dma_start3A_119 = arith.constant 0 : i32
      %dma_start3A_120 = tpu.memref_slice %arg6[%dma_start3A_119] : memref<128xi32, #tpu.memory_space<vmem>> -> memref<32xi32, #tpu.memory_space<vmem>>
      %dma_start3A_121 = arith.constant 0 : i32
      %dma_start3A_122 = arith.constant 0 : i32
      %dma_start3A_123 = tpu.memref_slice %arg2[%dma_start3A_121, %dma_start3A_122] : memref<15000x256xf32, #tpu.memory_space<hbm>> -> memref<15000x256xf32, #tpu.memory_space<hbm>>
      tpu.enqueue_indirect_dma source(%dma_start3A_123 : memref<15000x256xf32, #tpu.memory_space<hbm>>) target(%dma_start3A_118 : memref<32x256xf32, #tpu.memory_space<vmem>>) offsets(%dma_start3A_120 : memref<32xi32, #tpu.memory_space<vmem>>) semaphore(%arg10 : memref<!tpu.dma_semaphore, #tpu.memory_space<semaphore_mem>>)
      %dma_start3A_124 = arith.constant 32 : i32
      %dma_start3A_125 = arith.constant 0 : i32
      %dma_start3A_126 = tpu.memref_slice %arg8[%dma_start3A_124, %dma_start3A_125] : memref<128x256xf32, #tpu.memory_space<vmem>> -> memref<32x256xf32, #tpu.memory_space<vmem>>
      %dma_start3A_127 = arith.constant 32 : i32
      %dma_start3A_128 = tpu.memref_slice %arg6[%dma_start3A_127] : memref<128xi32, #tpu.memory_space<vmem>> -> memref<32xi32, #tpu.memory_space<vmem>>
      %dma_start3A_129 = arith.constant 0 : i32
      %dma_start3A_130 = arith.constant 0 : i32
      %dma_start3A_131 = tpu.memref_slice %arg2[%dma_start3A_129, %dma_start3A_130] : memref<15000x256xf32, #tpu.memory_space<hbm>> -> memref<15000x256xf32, #tpu.memory_space<hbm>>
      tpu.enqueue_indirect_dma source(%dma_start3A_131 : memref<15000x256xf32, #tpu.memory_space<hbm>>) target(%dma_start3A_126 : memref<32x256xf32, #tpu.memory_space<vmem>>) offsets(%dma_start3A_128 : memref<32xi32, #tpu.memory_space<vmem>>) semaphore(%arg10 : memref<!tpu.dma_semaphore, #tpu.memory_space<semaphore_mem>>)
      %dma_start3A_132 = arith.constant 64 : i32
      %dma_start3A_133 = arith.constant 0 : i32
      %dma_start3A_134 = tpu.memref_slice %arg8[%dma_start3A_132, %dma_start3A_133] : memref<128x256xf32, #tpu.memory_space<vmem>> -> memref<32x256xf32, #tpu.memory_space<vmem>>
      %dma_start3A_135 = arith.constant 64 : i32
      %dma_start3A_136 = tpu.memref_slice %arg6[%dma_start3A_135] : memref<128xi32, #tpu.memory_space<vmem>> -> memref<32xi32, #tpu.memory_space<vmem>>
      %dma_start3A_137 = arith.constant 0 : i32
      %dma_start3A_138 = arith.constant 0 : i32
      %dma_start3A_139 = tpu.memref_slice %arg2[%dma_start3A_137, %dma_start3A_138] : memref<15000x256xf32, #tpu.memory_space<hbm>> -> memref<15000x256xf32, #tpu.memory_space<hbm>>
      tpu.enqueue_indirect_dma source(%dma_start3A_139 : memref<15000x256xf32, #tpu.memory_space<hbm>>) target(%dma_start3A_134 : memref<32x256xf32, #tpu.memory_space<vmem>>) offsets(%dma_start3A_136 : memref<32xi32, #tpu.memory_space<vmem>>) semaphore(%arg10 : memref<!tpu.dma_semaphore, #tpu.memory_space<semaphore_mem>>)
      %dma_start3A_140 = arith.constant 96 : i32
      %dma_start3A_141 = arith.constant 0 : i32
      %dma_start3A_142 = tpu.memref_slice %arg8[%dma_start3A_140, %dma_start3A_141] : memref<128x256xf32, #tpu.memory_space<vmem>> -> memref<32x256xf32, #tpu.memory_space<vmem>>
      %dma_start3A_143 = arith.constant 96 : i32
      %dma_start3A_144 = tpu.memref_slice %arg6[%dma_start3A_143] : memref<128xi32, #tpu.memory_space<vmem>> -> memref<32xi32, #tpu.memory_space<vmem>>
      %dma_start3A_145 = arith.constant 0 : i32
      %dma_start3A_146 = arith.constant 0 : i32
      %dma_start3A_147 = tpu.memref_slice %arg2[%dma_start3A_145, %dma_start3A_146] : memref<15000x256xf32, #tpu.memory_space<hbm>> -> memref<15000x256xf32, #tpu.memory_space<hbm>>
      tpu.enqueue_indirect_dma source(%dma_start3A_147 : memref<15000x256xf32, #tpu.memory_space<hbm>>) target(%dma_start3A_142 : memref<32x256xf32, #tpu.memory_space<vmem>>) offsets(%dma_start3A_144 : memref<32xi32, #tpu.memory_space<vmem>>) semaphore(%arg10 : memref<!tpu.dma_semaphore, #tpu.memory_space<semaphore_mem>>)
      %ge3A_148 = arith.constant 1 : i32
      %ge3A_149 = arith.cmpi sge, %add3A_105, %ge3A_148 : i32
      %convert_element_type3A_150 = arith.extui %ge3A_149 : i1 to i32
      %cond3A_151 = arith.constant 0 : i32
      %cond3A_152 = arith.cmpi ne, %convert_element_type3A_150, %cond3A_151 : i32
      scf.if %cond3A_152 {
        %dma_wait3A_153 = arith.constant 0 : i32
        %dma_wait3A_154 = arith.constant 0 : i32
        %dma_wait3A_155 = tpu.memref_slice %arg7[%dma_wait3A_153, %dma_wait3A_154] : memref<128x256xf32, #tpu.memory_space<vmem>> -> memref<32x256xf32, #tpu.memory_space<vmem>>
        %dma_wait3A_156 = arith.constant 0 : i32
        %dma_wait3A_157 = tpu.memref_slice %arg5[%dma_wait3A_156] : memref<128xi32, #tpu.memory_space<vmem>> -> memref<32xi32, #tpu.memory_space<vmem>>
        %dma_wait3A_158 = arith.constant 0 : i32
        %dma_wait3A_159 = arith.constant 0 : i32
        %dma_wait3A_160 = tpu.memref_slice %arg2[%dma_wait3A_158, %dma_wait3A_159] : memref<15000x256xf32, #tpu.memory_space<hbm>> -> memref<15000x256xf32, #tpu.memory_space<hbm>>
        tpu.wait_indirect_dma semaphore(%arg9 : memref<!tpu.dma_semaphore, #tpu.memory_space<semaphore_mem>>) src(%dma_wait3A_160 : memref<15000x256xf32, #tpu.memory_space<hbm>>) dst(%dma_wait3A_155 : memref<32x256xf32, #tpu.memory_space<vmem>>)
        %dma_wait3A_161 = arith.constant 32 : i32
        %dma_wait3A_162 = arith.constant 0 : i32
        %dma_wait3A_163 = tpu.memref_slice %arg7[%dma_wait3A_161, %dma_wait3A_162] : memref<128x256xf32, #tpu.memory_space<vmem>> -> memref<32x256xf32, #tpu.memory_space<vmem>>
        %dma_wait3A_164 = arith.constant 32 : i32
        %dma_wait3A_165 = tpu.memref_slice %arg5[%dma_wait3A_164] : memref<128xi32, #tpu.memory_space<vmem>> -> memref<32xi32, #tpu.memory_space<vmem>>
        %dma_wait3A_166 = arith.constant 0 : i32
        %dma_wait3A_167 = arith.constant 0 : i32
        %dma_wait3A_168 = tpu.memref_slice %arg2[%dma_wait3A_166, %dma_wait3A_167] : memref<15000x256xf32, #tpu.memory_space<hbm>> -> memref<15000x256xf32, #tpu.memory_space<hbm>>
        tpu.wait_indirect_dma semaphore(%arg9 : memref<!tpu.dma_semaphore, #tpu.memory_space<semaphore_mem>>) src(%dma_wait3A_168 : memref<15000x256xf32, #tpu.memory_space<hbm>>) dst(%dma_wait3A_163 : memref<32x256xf32, #tpu.memory_space<vmem>>)
        %dma_wait3A_169 = arith.constant 64 : i32
        %dma_wait3A_170 = arith.constant 0 : i32
        %dma_wait3A_171 = tpu.memref_slice %arg7[%dma_wait3A_169, %dma_wait3A_170] : memref<128x256xf32, #tpu.memory_space<vmem>> -> memref<32x256xf32, #tpu.memory_space<vmem>>
        %dma_wait3A_172 = arith.constant 64 : i32
        %dma_wait3A_173 = tpu.memref_slice %arg5[%dma_wait3A_172] : memref<128xi32, #tpu.memory_space<vmem>> -> memref<32xi32, #tpu.memory_space<vmem>>
        %dma_wait3A_174 = arith.constant 0 : i32
        %dma_wait3A_175 = arith.constant 0 : i32
        %dma_wait3A_176 = tpu.memref_slice %arg2[%dma_wait3A_174, %dma_wait3A_175] : memref<15000x256xf32, #tpu.memory_space<hbm>> -> memref<15000x256xf32, #tpu.memory_space<hbm>>
        tpu.wait_indirect_dma semaphore(%arg9 : memref<!tpu.dma_semaphore, #tpu.memory_space<semaphore_mem>>) src(%dma_wait3A_176 : memref<15000x256xf32, #tpu.memory_space<hbm>>) dst(%dma_wait3A_171 : memref<32x256xf32, #tpu.memory_space<vmem>>)
        %dma_wait3A_177 = arith.constant 96 : i32
        %dma_wait3A_178 = arith.constant 0 : i32
        %dma_wait3A_179 = tpu.memref_slice %arg7[%dma_wait3A_177, %dma_wait3A_178] : memref<128x256xf32, #tpu.memory_space<vmem>> -> memref<32x256xf32, #tpu.memory_space<vmem>>
        %dma_wait3A_180 = arith.constant 96 : i32
        %dma_wait3A_181 = tpu.memref_slice %arg5[%dma_wait3A_180] : memref<128xi32, #tpu.memory_space<vmem>> -> memref<32xi32, #tpu.memory_space<vmem>>
        %dma_wait3A_182 = arith.constant 0 : i32
        %dma_wait3A_183 = arith.constant 0 : i32
        %dma_wait3A_184 = tpu.memref_slice %arg2[%dma_wait3A_182, %dma_wait3A_183] : memref<15000x256xf32, #tpu.memory_space<hbm>> -> memref<15000x256xf32, #tpu.memory_space<hbm>>
        tpu.wait_indirect_dma semaphore(%arg9 : memref<!tpu.dma_semaphore, #tpu.memory_space<semaphore_mem>>) src(%dma_wait3A_184 : memref<15000x256xf32, #tpu.memory_space<hbm>>) dst(%dma_wait3A_179 : memref<32x256xf32, #tpu.memory_space<vmem>>)
        %sub3A = arith.constant 1 : i32
        %sub3A_185 = arith.subi %add3A_105, %sub3A : i32
        %mul3A_186 = arith.constant 128 : i32
        %mul3A_187 = arith.muli %sub3A_185, %mul3A_186 : i32
        %min3A_188 = arith.constant 1440 : i32
        %min3A_189 = arith.minsi %mul3A_187, %min3A_188 : i32
        %add3A_190 = arith.addi %mul3A_2, %min3A_189 : i32
        %dma_start3A_191 = arith.constant 0 : i32
        %dma_start3A_192 = tpu.memref_slice %arg4[%add3A_190, %dma_start3A_191] : memref<50176x256xf32, #tpu.memory_space<hbm>> -> memref<128x256xf32, #tpu.memory_space<hbm>>
        %dma_start3A_193 = arith.constant 0 : i32
        %dma_start3A_194 = tpu.memref_slice %arg4[%add3A_190, %dma_start3A_193] : memref<50176x256xf32, #tpu.memory_space<hbm>> -> memref<128x256xf32, #tpu.memory_space<hbm>>
        tpu.enqueue_dma source(%arg7 : memref<128x256xf32, #tpu.memory_space<vmem>>) target(%dma_start3A_194 : memref<128x256xf32, #tpu.memory_space<hbm>>) target_semaphore(%arg11 : memref<!tpu.dma_semaphore, #tpu.memory_space<semaphore_mem>>)
      } else {
      }
    }
    %scan3A_7 = arith.constant 7 : i32
    %add3A_8 = arith.constant 1440 : i32
    %add3A_9 = arith.addi %mul3A_2, %add3A_8 : i32
    %add3A_10 = arith.constant 1440 : i32
    %add3A_11 = arith.addi %mul3A_2, %add3A_10 : i32
    %dma_wait3A = arith.constant 0 : i32
    %dma_wait3A_12 = arith.constant 0 : i32
    %dma_wait3A_13 = tpu.memref_slice %arg8[%dma_wait3A, %dma_wait3A_12] : memref<128x256xf32, #tpu.memory_space<vmem>> -> memref<32x256xf32, #tpu.memory_space<vmem>>
    %dma_wait3A_14 = arith.constant 0 : i32
    %dma_wait3A_15 = tpu.memref_slice %arg6[%dma_wait3A_14] : memref<128xi32, #tpu.memory_space<vmem>> -> memref<32xi32, #tpu.memory_space<vmem>>
    %dma_wait3A_16 = arith.constant 0 : i32
    %dma_wait3A_17 = arith.constant 0 : i32
    %dma_wait3A_18 = tpu.memref_slice %arg2[%dma_wait3A_16, %dma_wait3A_17] : memref<15000x256xf32, #tpu.memory_space<hbm>> -> memref<15000x256xf32, #tpu.memory_space<hbm>>
    tpu.wait_indirect_dma semaphore(%arg10 : memref<!tpu.dma_semaphore, #tpu.memory_space<semaphore_mem>>) src(%dma_wait3A_18 : memref<15000x256xf32, #tpu.memory_space<hbm>>) dst(%dma_wait3A_13 : memref<32x256xf32, #tpu.memory_space<vmem>>)
    %dma_wait3A_19 = arith.constant 32 : i32
    %dma_wait3A_20 = arith.constant 0 : i32
    %dma_wait3A_21 = tpu.memref_slice %arg8[%dma_wait3A_19, %dma_wait3A_20] : memref<128x256xf32, #tpu.memory_space<vmem>> -> memref<32x256xf32, #tpu.memory_space<vmem>>
    %dma_wait3A_22 = arith.constant 32 : i32
    %dma_wait3A_23 = tpu.memref_slice %arg6[%dma_wait3A_22] : memref<128xi32, #tpu.memory_space<vmem>> -> memref<32xi32, #tpu.memory_space<vmem>>
    %dma_wait3A_24 = arith.constant 0 : i32
    %dma_wait3A_25 = arith.constant 0 : i32
    %dma_wait3A_26 = tpu.memref_slice %arg2[%dma_wait3A_24, %dma_wait3A_25] : memref<15000x256xf32, #tpu.memory_space<hbm>> -> memref<15000x256xf32, #tpu.memory_space<hbm>>
    tpu.wait_indirect_dma semaphore(%arg10 : memref<!tpu.dma_semaphore, #tpu.memory_space<semaphore_mem>>) src(%dma_wait3A_26 : memref<15000x256xf32, #tpu.memory_space<hbm>>) dst(%dma_wait3A_21 : memref<32x256xf32, #tpu.memory_space<vmem>>)
    %dma_wait3A_27 = arith.constant 64 : i32
    %dma_wait3A_28 = arith.constant 0 : i32
    %dma_wait3A_29 = tpu.memref_slice %arg8[%dma_wait3A_27, %dma_wait3A_28] : memref<128x256xf32, #tpu.memory_space<vmem>> -> memref<32x256xf32, #tpu.memory_space<vmem>>
    %dma_wait3A_30 = arith.constant 64 : i32
    %dma_wait3A_31 = tpu.memref_slice %arg6[%dma_wait3A_30] : memref<128xi32, #tpu.memory_space<vmem>> -> memref<32xi32, #tpu.memory_space<vmem>>
    %dma_wait3A_32 = arith.constant 0 : i32
    %dma_wait3A_33 = arith.constant 0 : i32
    %dma_wait3A_34 = tpu.memref_slice %arg2[%dma_wait3A_32, %dma_wait3A_33] : memref<15000x256xf32, #tpu.memory_space<hbm>> -> memref<15000x256xf32, #tpu.memory_space<hbm>>
    tpu.wait_indirect_dma semaphore(%arg10 : memref<!tpu.dma_semaphore, #tpu.memory_space<semaphore_mem>>) src(%dma_wait3A_34 : memref<15000x256xf32, #tpu.memory_space<hbm>>) dst(%dma_wait3A_29 : memref<32x256xf32, #tpu.memory_space<vmem>>)
    %dma_wait3A_35 = arith.constant 96 : i32
    %dma_wait3A_36 = arith.constant 0 : i32
    %dma_wait3A_37 = tpu.memref_slice %arg8[%dma_wait3A_35, %dma_wait3A_36] : memref<128x256xf32, #tpu.memory_space<vmem>> -> memref<32x256xf32, #tpu.memory_space<vmem>>
    %dma_wait3A_38 = arith.constant 96 : i32
    %dma_wait3A_39 = tpu.memref_slice %arg6[%dma_wait3A_38] : memref<128xi32, #tpu.memory_space<vmem>> -> memref<32xi32, #tpu.memory_space<vmem>>
    %dma_wait3A_40 = arith.constant 0 : i32
    %dma_wait3A_41 = arith.constant 0 : i32
    %dma_wait3A_42 = tpu.memref_slice %arg2[%dma_wait3A_40, %dma_wait3A_41] : memref<15000x256xf32, #tpu.memory_space<hbm>> -> memref<15000x256xf32, #tpu.memory_space<hbm>>
    tpu.wait_indirect_dma semaphore(%arg10 : memref<!tpu.dma_semaphore, #tpu.memory_space<semaphore_mem>>) src(%dma_wait3A_42 : memref<15000x256xf32, #tpu.memory_space<hbm>>) dst(%dma_wait3A_37 : memref<32x256xf32, #tpu.memory_space<vmem>>)
    %dma_start3A = arith.constant 0 : i32
    %dma_start3A_43 = tpu.memref_slice %arg4[%add3A_9, %dma_start3A] : memref<50176x256xf32, #tpu.memory_space<hbm>> -> memref<128x256xf32, #tpu.memory_space<hbm>>
    %dma_start3A_44 = arith.constant 0 : i32
    %dma_start3A_45 = tpu.memref_slice %arg4[%add3A_9, %dma_start3A_44] : memref<50176x256xf32, #tpu.memory_space<hbm>> -> memref<128x256xf32, #tpu.memory_space<hbm>>
    tpu.enqueue_dma source(%arg8 : memref<128x256xf32, #tpu.memory_space<vmem>>) target(%dma_start3A_45 : memref<128x256xf32, #tpu.memory_space<hbm>>) target_semaphore(%arg12 : memref<!tpu.dma_semaphore, #tpu.memory_space<semaphore_mem>>)
    %dma_wait3A_46 = arith.constant 0 : i32
    %dma_wait3A_47 = tpu.memref_slice %arg4[%add3A_11, %dma_wait3A_46] : memref<50176x256xf32, #tpu.memory_space<hbm>> -> memref<128x256xf32, #tpu.memory_space<hbm>>
    %dma_wait3A_48 = arith.constant 0 : i32
    %dma_wait3A_49 = tpu.memref_slice %arg4[%add3A_11, %dma_wait3A_48] : memref<50176x256xf32, #tpu.memory_space<hbm>> -> memref<128x256xf32, #tpu.memory_space<hbm>>
    tpu.wait_dma2 semaphore(%arg11 : memref<!tpu.dma_semaphore, #tpu.memory_space<semaphore_mem>>) src(%arg7 : memref<128x256xf32, #tpu.memory_space<vmem>>) dst(%dma_wait3A_49 : memref<128x256xf32, #tpu.memory_space<hbm>>)
    %dma_wait3A_50 = arith.constant 0 : i32
    %dma_wait3A_51 = tpu.memref_slice %arg4[%add3A_9, %dma_wait3A_50] : memref<50176x256xf32, #tpu.memory_space<hbm>> -> memref<128x256xf32, #tpu.memory_space<hbm>>
    %dma_wait3A_52 = arith.constant 0 : i32
    %dma_wait3A_53 = tpu.memref_slice %arg4[%add3A_9, %dma_wait3A_52] : memref<50176x256xf32, #tpu.memory_space<hbm>> -> memref<128x256xf32, #tpu.memory_space<hbm>>
    tpu.wait_dma2 semaphore(%arg12 : memref<!tpu.dma_semaphore, #tpu.memory_space<semaphore_mem>>) src(%arg8 : memref<128x256xf32, #tpu.memory_space<vmem>>) dst(%dma_wait3A_53 : memref<128x256xf32, #tpu.memory_space<hbm>>)
    return
  }
}

#map = affine_map<(d0, d1) -> (0, 0)>
#map1 = affine_map<(d0, d1) -> (0)>
module attributes {stable_mosaic.version = 14 : i64} {
  func.func @k(%arg0: i32, %arg1: i32, %arg2: memref<343x1024xf32, #tpu.memory_space<hbm>>, %arg3: memref<2304xi32, #tpu.memory_space<hbm>>, %arg4: memref<2304x1024xf32, #tpu.memory_space<hbm>>, %arg5: memref<32xi32, #tpu.memory_space<vmem>>, %arg6: memref<32xi32, #tpu.memory_space<vmem>>, %arg7: memref<32x1024xf32, #tpu.memory_space<vmem>>, %arg8: memref<32x1024xf32, #tpu.memory_space<vmem>>, %arg9: memref<!tpu.dma_semaphore, #tpu.memory_space<semaphore_mem>>, %arg10: memref<!tpu.dma_semaphore, #tpu.memory_space<semaphore_mem>>, %arg11: memref<!tpu.dma_semaphore, #tpu.memory_space<semaphore_mem>>, %arg12: memref<!tpu.dma_semaphore, #tpu.memory_space<semaphore_mem>>) attributes {dimension_semantics = [#tpu.dimension_semantics<core_parallel>, #tpu.dimension_semantics<subcore_parallel>], iteration_bounds = array<i64: 2, 16>, scalar_prefetch = 0 : i64, scratch_operands = 8 : i64, tpu.core_type = #tpu.core_type<sc_vector_subcore>, window_params = [{transform_indices = #map}, {transform_indices = #map1}, {transform_indices = #map}]} {
    %mul3A = arith.constant 2 : i32
    %mul3A_0 = arith.muli %arg1, %mul3A : i32
    %add3A = arith.addi %mul3A_0, %arg0 : i32
    %mul3A_1 = arith.constant 72 : i32
    %mul3A_2 = arith.muli %add3A, %mul3A_1 : i32
    %scan3A = arith.constant 0 : i32
    %scan3A_3 = arith.constant 0 : i32
    %scan3A_4 = arith.constant 2 : i32
    %scan3A_5 = arith.addi %scan3A_3, %scan3A_4 : i32
    %scan3A_6 = arith.constant 1 : i32
    scf.for %scan3A_30 = %scan3A_3 to %scan3A_5 step %scan3A_6  : i32 {
      %mul3A_31 = arith.constant 2 : i32
      %mul3A_32 = arith.muli %mul3A_31, %scan3A_30 : i32
      %add3A_33 = arith.constant 0 : i32
      %add3A_34 = arith.addi %mul3A_32, %add3A_33 : i32
      %mul3A_35 = arith.constant 32 : i32
      %mul3A_36 = arith.muli %add3A_34, %mul3A_35 : i32
      %min3A = arith.constant 40 : i32
      %min3A_37 = arith.minsi %mul3A_36, %min3A : i32
      %add3A_38 = arith.addi %mul3A_2, %min3A_37 : i32
      %ge3A = arith.constant 2 : i32
      %ge3A_39 = arith.cmpi sge, %add3A_34, %ge3A : i32
      %convert_element_type3A = arith.extui %ge3A_39 : i1 to i32
      %cond3A = arith.constant 0 : i32
      %cond3A_40 = arith.cmpi ne, %convert_element_type3A, %cond3A : i32
      scf.if %cond3A_40 {
        %sub3A = arith.constant 2 : i32
        %sub3A_81 = arith.subi %add3A_34, %sub3A : i32
        %mul3A_82 = arith.constant 32 : i32
        %mul3A_83 = arith.muli %sub3A_81, %mul3A_82 : i32
        %min3A_84 = arith.constant 40 : i32
        %min3A_85 = arith.minsi %mul3A_83, %min3A_84 : i32
        %add3A_86 = arith.addi %mul3A_2, %min3A_85 : i32
        %dma_wait3A_87 = arith.constant 0 : i32
        %dma_wait3A_88 = tpu.memref_slice %arg4[%add3A_86, %dma_wait3A_87] : memref<2304x1024xf32, #tpu.memory_space<hbm>> -> memref<32x1024xf32, #tpu.memory_space<hbm>>
        %dma_wait3A_89 = arith.constant 0 : i32
        %dma_wait3A_90 = tpu.memref_slice %arg4[%add3A_86, %dma_wait3A_89] : memref<2304x1024xf32, #tpu.memory_space<hbm>> -> memref<32x1024xf32, #tpu.memory_space<hbm>>
        tpu.wait_dma2 semaphore(%arg11 : memref<!tpu.dma_semaphore, #tpu.memory_space<semaphore_mem>>) src(%arg7 : memref<32x1024xf32, #tpu.memory_space<vmem>>) dst(%dma_wait3A_90 : memref<32x1024xf32, #tpu.memory_space<hbm>>)
      } else {
      }
      "tpu.region"() ({
        %run_scoped3A = tpu.sem_alloc : memref<!tpu.dma_semaphore, #tpu.memory_space<semaphore_mem>>
        %dma_start3A_81 = tpu.memref_slice %arg3[%add3A_38] : memref<2304xi32, #tpu.memory_space<hbm>> -> memref<32xi32, #tpu.memory_space<hbm>>
        %dma_start3A_82 = tpu.memref_slice %arg3[%add3A_38] : memref<2304xi32, #tpu.memory_space<hbm>> -> memref<32xi32, #tpu.memory_space<hbm>>
        tpu.enqueue_dma source(%dma_start3A_82 : memref<32xi32, #tpu.memory_space<hbm>>) target(%arg5 : memref<32xi32, #tpu.memory_space<vmem>>) target_semaphore(%run_scoped3A : memref<!tpu.dma_semaphore, #tpu.memory_space<semaphore_mem>>)
        %dma_wait3A_83 = tpu.memref_slice %arg3[%add3A_38] : memref<2304xi32, #tpu.memory_space<hbm>> -> memref<32xi32, #tpu.memory_space<hbm>>
        %dma_wait3A_84 = tpu.memref_slice %arg3[%add3A_38] : memref<2304xi32, #tpu.memory_space<hbm>> -> memref<32xi32, #tpu.memory_space<hbm>>
        tpu.wait_dma2 semaphore(%run_scoped3A : memref<!tpu.dma_semaphore, #tpu.memory_space<semaphore_mem>>) src(%dma_wait3A_84 : memref<32xi32, #tpu.memory_space<hbm>>) dst(%arg5 : memref<32xi32, #tpu.memory_space<vmem>>)
        tpu.yield
      }) : () -> ()
      %dma_start3A_41 = arith.constant 0 : i32
      %dma_start3A_42 = arith.constant 0 : i32
      %dma_start3A_43 = tpu.memref_slice %arg7[%dma_start3A_41, %dma_start3A_42] : memref<32x1024xf32, #tpu.memory_space<vmem>> -> memref<32x1024xf32, #tpu.memory_space<vmem>>
      %dma_start3A_44 = arith.constant 0 : i32
      %dma_start3A_45 = tpu.memref_slice %arg5[%dma_start3A_44] : memref<32xi32, #tpu.memory_space<vmem>> -> memref<32xi32, #tpu.memory_space<vmem>>
      %dma_start3A_46 = arith.constant 0 : i32
      %dma_start3A_47 = arith.constant 0 : i32
      %dma_start3A_48 = tpu.memref_slice %arg2[%dma_start3A_46, %dma_start3A_47] : memref<343x1024xf32, #tpu.memory_space<hbm>> -> memref<343x1024xf32, #tpu.memory_space<hbm>>
      tpu.enqueue_indirect_dma source(%dma_start3A_48 : memref<343x1024xf32, #tpu.memory_space<hbm>>) target(%dma_start3A_43 : memref<32x1024xf32, #tpu.memory_space<vmem>>) offsets(%dma_start3A_45 : memref<32xi32, #tpu.memory_space<vmem>>) semaphore(%arg9 : memref<!tpu.dma_semaphore, #tpu.memory_space<semaphore_mem>>)
      %ge3A_49 = arith.constant 1 : i32
      %ge3A_50 = arith.cmpi sge, %add3A_34, %ge3A_49 : i32
      %convert_element_type3A_51 = arith.extui %ge3A_50 : i1 to i32
      %cond3A_52 = arith.constant 0 : i32
      %cond3A_53 = arith.cmpi ne, %convert_element_type3A_51, %cond3A_52 : i32
      scf.if %cond3A_53 {
        %dma_wait3A_81 = arith.constant 0 : i32
        %dma_wait3A_82 = arith.constant 0 : i32
        %dma_wait3A_83 = tpu.memref_slice %arg8[%dma_wait3A_81, %dma_wait3A_82] : memref<32x1024xf32, #tpu.memory_space<vmem>> -> memref<32x1024xf32, #tpu.memory_space<vmem>>
        %dma_wait3A_84 = arith.constant 0 : i32
        %dma_wait3A_85 = tpu.memref_slice %arg6[%dma_wait3A_84] : memref<32xi32, #tpu.memory_space<vmem>> -> memref<32xi32, #tpu.memory_space<vmem>>
        %dma_wait3A_86 = arith.constant 0 : i32
        %dma_wait3A_87 = arith.constant 0 : i32
        %dma_wait3A_88 = tpu.memref_slice %arg2[%dma_wait3A_86, %dma_wait3A_87] : memref<343x1024xf32, #tpu.memory_space<hbm>> -> memref<343x1024xf32, #tpu.memory_space<hbm>>
        tpu.wait_indirect_dma semaphore(%arg10 : memref<!tpu.dma_semaphore, #tpu.memory_space<semaphore_mem>>) src(%dma_wait3A_88 : memref<343x1024xf32, #tpu.memory_space<hbm>>) dst(%dma_wait3A_83 : memref<32x1024xf32, #tpu.memory_space<vmem>>)
        %sub3A = arith.constant 1 : i32
        %sub3A_89 = arith.subi %add3A_34, %sub3A : i32
        %mul3A_90 = arith.constant 32 : i32
        %mul3A_91 = arith.muli %sub3A_89, %mul3A_90 : i32
        %min3A_92 = arith.constant 40 : i32
        %min3A_93 = arith.minsi %mul3A_91, %min3A_92 : i32
        %add3A_94 = arith.addi %mul3A_2, %min3A_93 : i32
        %dma_start3A_95 = arith.constant 0 : i32
        %dma_start3A_96 = tpu.memref_slice %arg4[%add3A_94, %dma_start3A_95] : memref<2304x1024xf32, #tpu.memory_space<hbm>> -> memref<32x1024xf32, #tpu.memory_space<hbm>>
        %dma_start3A_97 = arith.constant 0 : i32
        %dma_start3A_98 = tpu.memref_slice %arg4[%add3A_94, %dma_start3A_97] : memref<2304x1024xf32, #tpu.memory_space<hbm>> -> memref<32x1024xf32, #tpu.memory_space<hbm>>
        tpu.enqueue_dma source(%arg8 : memref<32x1024xf32, #tpu.memory_space<vmem>>) target(%dma_start3A_98 : memref<32x1024xf32, #tpu.memory_space<hbm>>) target_semaphore(%arg12 : memref<!tpu.dma_semaphore, #tpu.memory_space<semaphore_mem>>)
      } else {
      }
      %mul3A_54 = arith.constant 2 : i32
      %mul3A_55 = arith.muli %mul3A_54, %scan3A_30 : i32
      %add3A_56 = arith.constant 1 : i32
      %add3A_57 = arith.addi %mul3A_55, %add3A_56 : i32
      %mul3A_58 = arith.constant 32 : i32
      %mul3A_59 = arith.muli %add3A_57, %mul3A_58 : i32
      %min3A_60 = arith.constant 40 : i32
      %min3A_61 = arith.minsi %mul3A_59, %min3A_60 : i32
      %add3A_62 = arith.addi %mul3A_2, %min3A_61 : i32
      %ge3A_63 = arith.constant 2 : i32
      %ge3A_64 = arith.cmpi sge, %add3A_57, %ge3A_63 : i32
      %convert_element_type3A_65 = arith.extui %ge3A_64 : i1 to i32
      %cond3A_66 = arith.constant 0 : i32
      %cond3A_67 = arith.cmpi ne, %convert_element_type3A_65, %cond3A_66 : i32
      scf.if %cond3A_67 {
        %sub3A = arith.constant 2 : i32
        %sub3A_81 = arith.subi %add3A_57, %sub3A : i32
        %mul3A_82 = arith.constant 32 : i32
        %mul3A_83 = arith.muli %sub3A_81, %mul3A_82 : i32
        %min3A_84 = arith.constant 40 : i32
        %min3A_85 = arith.minsi %mul3A_83, %min3A_84 : i32
        %add3A_86 = arith.addi %mul3A_2, %min3A_85 : i32
        %dma_wait3A_87 = arith.constant 0 : i32
        %dma_wait3A_88 = tpu.memref_slice %arg4[%add3A_86, %dma_wait3A_87] : memref<2304x1024xf32, #tpu.memory_space<hbm>> -> memref<32x1024xf32, #tpu.memory_space<hbm>>
        %dma_wait3A_89 = arith.constant 0 : i32
        %dma_wait3A_90 = tpu.memref_slice %arg4[%add3A_86, %dma_wait3A_89] : memref<2304x1024xf32, #tpu.memory_space<hbm>> -> memref<32x1024xf32, #tpu.memory_space<hbm>>
        tpu.wait_dma2 semaphore(%arg12 : memref<!tpu.dma_semaphore, #tpu.memory_space<semaphore_mem>>) src(%arg8 : memref<32x1024xf32, #tpu.memory_space<vmem>>) dst(%dma_wait3A_90 : memref<32x1024xf32, #tpu.memory_space<hbm>>)
      } else {
      }
      "tpu.region"() ({
        %run_scoped3A = tpu.sem_alloc : memref<!tpu.dma_semaphore, #tpu.memory_space<semaphore_mem>>
        %dma_start3A_81 = tpu.memref_slice %arg3[%add3A_62] : memref<2304xi32, #tpu.memory_space<hbm>> -> memref<32xi32, #tpu.memory_space<hbm>>
        %dma_start3A_82 = tpu.memref_slice %arg3[%add3A_62] : memref<2304xi32, #tpu.memory_space<hbm>> -> memref<32xi32, #tpu.memory_space<hbm>>
        tpu.enqueue_dma source(%dma_start3A_82 : memref<32xi32, #tpu.memory_space<hbm>>) target(%arg6 : memref<32xi32, #tpu.memory_space<vmem>>) target_semaphore(%run_scoped3A : memref<!tpu.dma_semaphore, #tpu.memory_space<semaphore_mem>>)
        %dma_wait3A_83 = tpu.memref_slice %arg3[%add3A_62] : memref<2304xi32, #tpu.memory_space<hbm>> -> memref<32xi32, #tpu.memory_space<hbm>>
        %dma_wait3A_84 = tpu.memref_slice %arg3[%add3A_62] : memref<2304xi32, #tpu.memory_space<hbm>> -> memref<32xi32, #tpu.memory_space<hbm>>
        tpu.wait_dma2 semaphore(%run_scoped3A : memref<!tpu.dma_semaphore, #tpu.memory_space<semaphore_mem>>) src(%dma_wait3A_84 : memref<32xi32, #tpu.memory_space<hbm>>) dst(%arg6 : memref<32xi32, #tpu.memory_space<vmem>>)
        tpu.yield
      }) : () -> ()
      %dma_start3A_68 = arith.constant 0 : i32
      %dma_start3A_69 = arith.constant 0 : i32
      %dma_start3A_70 = tpu.memref_slice %arg8[%dma_start3A_68, %dma_start3A_69] : memref<32x1024xf32, #tpu.memory_space<vmem>> -> memref<32x1024xf32, #tpu.memory_space<vmem>>
      %dma_start3A_71 = arith.constant 0 : i32
      %dma_start3A_72 = tpu.memref_slice %arg6[%dma_start3A_71] : memref<32xi32, #tpu.memory_space<vmem>> -> memref<32xi32, #tpu.memory_space<vmem>>
      %dma_start3A_73 = arith.constant 0 : i32
      %dma_start3A_74 = arith.constant 0 : i32
      %dma_start3A_75 = tpu.memref_slice %arg2[%dma_start3A_73, %dma_start3A_74] : memref<343x1024xf32, #tpu.memory_space<hbm>> -> memref<343x1024xf32, #tpu.memory_space<hbm>>
      tpu.enqueue_indirect_dma source(%dma_start3A_75 : memref<343x1024xf32, #tpu.memory_space<hbm>>) target(%dma_start3A_70 : memref<32x1024xf32, #tpu.memory_space<vmem>>) offsets(%dma_start3A_72 : memref<32xi32, #tpu.memory_space<vmem>>) semaphore(%arg10 : memref<!tpu.dma_semaphore, #tpu.memory_space<semaphore_mem>>)
      %ge3A_76 = arith.constant 1 : i32
      %ge3A_77 = arith.cmpi sge, %add3A_57, %ge3A_76 : i32
      %convert_element_type3A_78 = arith.extui %ge3A_77 : i1 to i32
      %cond3A_79 = arith.constant 0 : i32
      %cond3A_80 = arith.cmpi ne, %convert_element_type3A_78, %cond3A_79 : i32
      scf.if %cond3A_80 {
        %dma_wait3A_81 = arith.constant 0 : i32
        %dma_wait3A_82 = arith.constant 0 : i32
        %dma_wait3A_83 = tpu.memref_slice %arg7[%dma_wait3A_81, %dma_wait3A_82] : memref<32x1024xf32, #tpu.memory_space<vmem>> -> memref<32x1024xf32, #tpu.memory_space<vmem>>
        %dma_wait3A_84 = arith.constant 0 : i32
        %dma_wait3A_85 = tpu.memref_slice %arg5[%dma_wait3A_84] : memref<32xi32, #tpu.memory_space<vmem>> -> memref<32xi32, #tpu.memory_space<vmem>>
        %dma_wait3A_86 = arith.constant 0 : i32
        %dma_wait3A_87 = arith.constant 0 : i32
        %dma_wait3A_88 = tpu.memref_slice %arg2[%dma_wait3A_86, %dma_wait3A_87] : memref<343x1024xf32, #tpu.memory_space<hbm>> -> memref<343x1024xf32, #tpu.memory_space<hbm>>
        tpu.wait_indirect_dma semaphore(%arg9 : memref<!tpu.dma_semaphore, #tpu.memory_space<semaphore_mem>>) src(%dma_wait3A_88 : memref<343x1024xf32, #tpu.memory_space<hbm>>) dst(%dma_wait3A_83 : memref<32x1024xf32, #tpu.memory_space<vmem>>)
        %sub3A = arith.constant 1 : i32
        %sub3A_89 = arith.subi %add3A_57, %sub3A : i32
        %mul3A_90 = arith.constant 32 : i32
        %mul3A_91 = arith.muli %sub3A_89, %mul3A_90 : i32
        %min3A_92 = arith.constant 40 : i32
        %min3A_93 = arith.minsi %mul3A_91, %min3A_92 : i32
        %add3A_94 = arith.addi %mul3A_2, %min3A_93 : i32
        %dma_start3A_95 = arith.constant 0 : i32
        %dma_start3A_96 = tpu.memref_slice %arg4[%add3A_94, %dma_start3A_95] : memref<2304x1024xf32, #tpu.memory_space<hbm>> -> memref<32x1024xf32, #tpu.memory_space<hbm>>
        %dma_start3A_97 = arith.constant 0 : i32
        %dma_start3A_98 = tpu.memref_slice %arg4[%add3A_94, %dma_start3A_97] : memref<2304x1024xf32, #tpu.memory_space<hbm>> -> memref<32x1024xf32, #tpu.memory_space<hbm>>
        tpu.enqueue_dma source(%arg7 : memref<32x1024xf32, #tpu.memory_space<vmem>>) target(%dma_start3A_98 : memref<32x1024xf32, #tpu.memory_space<hbm>>) target_semaphore(%arg11 : memref<!tpu.dma_semaphore, #tpu.memory_space<semaphore_mem>>)
      } else {
      }
    }
    %scan3A_7 = arith.constant 2 : i32
    %add3A_8 = arith.constant 40 : i32
    %add3A_9 = arith.addi %mul3A_2, %add3A_8 : i32
    %add3A_10 = arith.constant 40 : i32
    %add3A_11 = arith.addi %mul3A_2, %add3A_10 : i32
    %dma_wait3A = arith.constant 0 : i32
    %dma_wait3A_12 = arith.constant 0 : i32
    %dma_wait3A_13 = tpu.memref_slice %arg8[%dma_wait3A, %dma_wait3A_12] : memref<32x1024xf32, #tpu.memory_space<vmem>> -> memref<32x1024xf32, #tpu.memory_space<vmem>>
    %dma_wait3A_14 = arith.constant 0 : i32
    %dma_wait3A_15 = tpu.memref_slice %arg6[%dma_wait3A_14] : memref<32xi32, #tpu.memory_space<vmem>> -> memref<32xi32, #tpu.memory_space<vmem>>
    %dma_wait3A_16 = arith.constant 0 : i32
    %dma_wait3A_17 = arith.constant 0 : i32
    %dma_wait3A_18 = tpu.memref_slice %arg2[%dma_wait3A_16, %dma_wait3A_17] : memref<343x1024xf32, #tpu.memory_space<hbm>> -> memref<343x1024xf32, #tpu.memory_space<hbm>>
    tpu.wait_indirect_dma semaphore(%arg10 : memref<!tpu.dma_semaphore, #tpu.memory_space<semaphore_mem>>) src(%dma_wait3A_18 : memref<343x1024xf32, #tpu.memory_space<hbm>>) dst(%dma_wait3A_13 : memref<32x1024xf32, #tpu.memory_space<vmem>>)
    %dma_start3A = arith.constant 0 : i32
    %dma_start3A_19 = tpu.memref_slice %arg4[%add3A_9, %dma_start3A] : memref<2304x1024xf32, #tpu.memory_space<hbm>> -> memref<32x1024xf32, #tpu.memory_space<hbm>>
    %dma_start3A_20 = arith.constant 0 : i32
    %dma_start3A_21 = tpu.memref_slice %arg4[%add3A_9, %dma_start3A_20] : memref<2304x1024xf32, #tpu.memory_space<hbm>> -> memref<32x1024xf32, #tpu.memory_space<hbm>>
    tpu.enqueue_dma source(%arg8 : memref<32x1024xf32, #tpu.memory_space<vmem>>) target(%dma_start3A_21 : memref<32x1024xf32, #tpu.memory_space<hbm>>) target_semaphore(%arg12 : memref<!tpu.dma_semaphore, #tpu.memory_space<semaphore_mem>>)
    %dma_wait3A_22 = arith.constant 0 : i32
    %dma_wait3A_23 = tpu.memref_slice %arg4[%add3A_11, %dma_wait3A_22] : memref<2304x1024xf32, #tpu.memory_space<hbm>> -> memref<32x1024xf32, #tpu.memory_space<hbm>>
    %dma_wait3A_24 = arith.constant 0 : i32
    %dma_wait3A_25 = tpu.memref_slice %arg4[%add3A_11, %dma_wait3A_24] : memref<2304x1024xf32, #tpu.memory_space<hbm>> -> memref<32x1024xf32, #tpu.memory_space<hbm>>
    tpu.wait_dma2 semaphore(%arg11 : memref<!tpu.dma_semaphore, #tpu.memory_space<semaphore_mem>>) src(%arg7 : memref<32x1024xf32, #tpu.memory_space<vmem>>) dst(%dma_wait3A_25 : memref<32x1024xf32, #tpu.memory_space<hbm>>)
    %dma_wait3A_26 = arith.constant 0 : i32
    %dma_wait3A_27 = tpu.memref_slice %arg4[%add3A_9, %dma_wait3A_26] : memref<2304x1024xf32, #tpu.memory_space<hbm>> -> memref<32x1024xf32, #tpu.memory_space<hbm>>
    %dma_wait3A_28 = arith.constant 0 : i32
    %dma_wait3A_29 = tpu.memref_slice %arg4[%add3A_9, %dma_wait3A_28] : memref<2304x1024xf32, #tpu.memory_space<hbm>> -> memref<32x1024xf32, #tpu.memory_space<hbm>>
    tpu.wait_dma2 semaphore(%arg12 : memref<!tpu.dma_semaphore, #tpu.memory_space<semaphore_mem>>) src(%arg8 : memref<32x1024xf32, #tpu.memory_space<vmem>>) dst(%dma_wait3A_29 : memref<32x1024xf32, #tpu.memory_space<hbm>>)
    return
  }
}

#map = affine_map<(d0, d1) -> (0, 0)>
#map1 = affine_map<(d0, d1) -> (0)>
module attributes {stable_mosaic.version = 14 : i64} {
  func.func @k(%arg0: i32, %arg1: i32, %arg2: memref<64x2048xf32, #tpu.memory_space<hbm>>, %arg3: memref<512xi32, #tpu.memory_space<hbm>>, %arg4: memref<512x2048xf32, #tpu.memory_space<hbm>>, %arg5: memref<16xi32, #tpu.memory_space<vmem>>, %arg6: memref<16xi32, #tpu.memory_space<vmem>>, %arg7: memref<16x2048xf32, #tpu.memory_space<vmem>>, %arg8: memref<16x2048xf32, #tpu.memory_space<vmem>>, %arg9: memref<!tpu.dma_semaphore, #tpu.memory_space<semaphore_mem>>, %arg10: memref<!tpu.dma_semaphore, #tpu.memory_space<semaphore_mem>>, %arg11: memref<!tpu.dma_semaphore, #tpu.memory_space<semaphore_mem>>, %arg12: memref<!tpu.dma_semaphore, #tpu.memory_space<semaphore_mem>>) attributes {dimension_semantics = [#tpu.dimension_semantics<core_parallel>, #tpu.dimension_semantics<subcore_parallel>], iteration_bounds = array<i64: 2, 16>, scalar_prefetch = 0 : i64, scratch_operands = 8 : i64, tpu.core_type = #tpu.core_type<sc_vector_subcore>, window_params = [{transform_indices = #map}, {transform_indices = #map1}, {transform_indices = #map}]} {
    %mul3A = arith.constant 2 : i32
    %mul3A_0 = arith.muli %arg1, %mul3A : i32
    %add3A = arith.addi %mul3A_0, %arg0 : i32
    %mul3A_1 = arith.constant 16 : i32
    %mul3A_2 = arith.muli %add3A, %mul3A_1 : i32
    %add3A_3 = arith.constant 0 : i32
    %add3A_4 = arith.addi %mul3A_2, %add3A_3 : i32
    "tpu.region"() ({
      %run_scoped3A = tpu.sem_alloc : memref<!tpu.dma_semaphore, #tpu.memory_space<semaphore_mem>>
      %dma_start3A_19 = tpu.memref_slice %arg3[%add3A_4] : memref<512xi32, #tpu.memory_space<hbm>> -> memref<16xi32, #tpu.memory_space<hbm>>
      %dma_start3A_20 = tpu.memref_slice %arg3[%add3A_4] : memref<512xi32, #tpu.memory_space<hbm>> -> memref<16xi32, #tpu.memory_space<hbm>>
      tpu.enqueue_dma source(%dma_start3A_20 : memref<16xi32, #tpu.memory_space<hbm>>) target(%arg5 : memref<16xi32, #tpu.memory_space<vmem>>) target_semaphore(%run_scoped3A : memref<!tpu.dma_semaphore, #tpu.memory_space<semaphore_mem>>)
      %dma_wait3A_21 = tpu.memref_slice %arg3[%add3A_4] : memref<512xi32, #tpu.memory_space<hbm>> -> memref<16xi32, #tpu.memory_space<hbm>>
      %dma_wait3A_22 = tpu.memref_slice %arg3[%add3A_4] : memref<512xi32, #tpu.memory_space<hbm>> -> memref<16xi32, #tpu.memory_space<hbm>>
      tpu.wait_dma2 semaphore(%run_scoped3A : memref<!tpu.dma_semaphore, #tpu.memory_space<semaphore_mem>>) src(%dma_wait3A_22 : memref<16xi32, #tpu.memory_space<hbm>>) dst(%arg5 : memref<16xi32, #tpu.memory_space<vmem>>)
      tpu.yield
    }) : () -> ()
    %dma_start3A = arith.constant 0 : i32
    %dma_start3A_5 = arith.constant 0 : i32
    %dma_start3A_6 = tpu.memref_slice %arg7[%dma_start3A, %dma_start3A_5] : memref<16x2048xf32, #tpu.memory_space<vmem>> -> memref<16x2048xf32, #tpu.memory_space<vmem>>
    %dma_start3A_7 = arith.constant 0 : i32
    %dma_start3A_8 = tpu.memref_slice %arg5[%dma_start3A_7] : memref<16xi32, #tpu.memory_space<vmem>> -> memref<16xi32, #tpu.memory_space<vmem>>
    %dma_start3A_9 = arith.constant 0 : i32
    %dma_start3A_10 = arith.constant 0 : i32
    %dma_start3A_11 = tpu.memref_slice %arg2[%dma_start3A_9, %dma_start3A_10] : memref<64x2048xf32, #tpu.memory_space<hbm>> -> memref<64x2048xf32, #tpu.memory_space<hbm>>
    tpu.enqueue_indirect_dma source(%dma_start3A_11 : memref<64x2048xf32, #tpu.memory_space<hbm>>) target(%dma_start3A_6 : memref<16x2048xf32, #tpu.memory_space<vmem>>) offsets(%dma_start3A_8 : memref<16xi32, #tpu.memory_space<vmem>>) semaphore(%arg9 : memref<!tpu.dma_semaphore, #tpu.memory_space<semaphore_mem>>)
    %dma_wait3A = arith.constant 0 : i32
    %dma_wait3A_12 = arith.constant 0 : i32
    %dma_wait3A_13 = tpu.memref_slice %arg7[%dma_wait3A, %dma_wait3A_12] : memref<16x2048xf32, #tpu.memory_space<vmem>> -> memref<16x2048xf32, #tpu.memory_space<vmem>>
    %dma_wait3A_14 = arith.constant 0 : i32
    %dma_wait3A_15 = tpu.memref_slice %arg5[%dma_wait3A_14] : memref<16xi32, #tpu.memory_space<vmem>> -> memref<16xi32, #tpu.memory_space<vmem>>
    %dma_wait3A_16 = arith.constant 0 : i32
    %dma_wait3A_17 = arith.constant 0 : i32
    %dma_wait3A_18 = tpu.memref_slice %arg2[%dma_wait3A_16, %dma_wait3A_17] : memref<64x2048xf32, #tpu.memory_space<hbm>> -> memref<64x2048xf32, #tpu.memory_space<hbm>>
    tpu.wait_indirect_dma semaphore(%arg9 : memref<!tpu.dma_semaphore, #tpu.memory_space<semaphore_mem>>) src(%dma_wait3A_18 : memref<64x2048xf32, #tpu.memory_space<hbm>>) dst(%dma_wait3A_13 : memref<16x2048xf32, #tpu.memory_space<vmem>>)
    "tpu.region"() ({
      %run_scoped3A = tpu.sem_alloc : memref<!tpu.dma_semaphore, #tpu.memory_space<semaphore_mem>>
      %dma_start3A_19 = arith.constant 0 : i32
      %dma_start3A_20 = tpu.memref_slice %arg4[%add3A_4, %dma_start3A_19] : memref<512x2048xf32, #tpu.memory_space<hbm>> -> memref<16x2048xf32, #tpu.memory_space<hbm>>
      %dma_start3A_21 = arith.constant 0 : i32
      %dma_start3A_22 = tpu.memref_slice %arg4[%add3A_4, %dma_start3A_21] : memref<512x2048xf32, #tpu.memory_space<hbm>> -> memref<16x2048xf32, #tpu.memory_space<hbm>>
      tpu.enqueue_dma source(%arg7 : memref<16x2048xf32, #tpu.memory_space<vmem>>) target(%dma_start3A_22 : memref<16x2048xf32, #tpu.memory_space<hbm>>) target_semaphore(%run_scoped3A : memref<!tpu.dma_semaphore, #tpu.memory_space<semaphore_mem>>)
      %dma_wait3A_23 = arith.constant 0 : i32
      %dma_wait3A_24 = tpu.memref_slice %arg4[%add3A_4, %dma_wait3A_23] : memref<512x2048xf32, #tpu.memory_space<hbm>> -> memref<16x2048xf32, #tpu.memory_space<hbm>>
      %dma_wait3A_25 = arith.constant 0 : i32
      %dma_wait3A_26 = tpu.memref_slice %arg4[%add3A_4, %dma_wait3A_25] : memref<512x2048xf32, #tpu.memory_space<hbm>> -> memref<16x2048xf32, #tpu.memory_space<hbm>>
      tpu.wait_dma2 semaphore(%run_scoped3A : memref<!tpu.dma_semaphore, #tpu.memory_space<semaphore_mem>>) src(%arg7 : memref<16x2048xf32, #tpu.memory_space<vmem>>) dst(%dma_wait3A_26 : memref<16x2048xf32, #tpu.memory_space<hbm>>)
      tpu.yield
    }) : () -> ()
    return
  }
}

</mosaic_0001>

<sc_bundles>
// kernel: kernel.12.cloned.1.call-start
scs
__scs_entry_jumppad:
0x0: {  	(pc) =	sbr.rel $0x88, $3  }
0x1: {  	(tag) =	ssettag $0x0;
	lr =	simm.s32 $0x1  }
0x2: {  	[smem:$0x3EED] =	sst lr;
	_ =	strace $0xD0000000  }
0x3: {  	_ = 	snop  }
0x4: {  	_ = 	snop  }
0x5: {  	_ = 	snop  }
0x6: {  	_ = 	snop  }
0x7: {  	_ = 	snop  }
__scs_overlays_trampoline_lowered:
0x8: {  	[smem:$0x3EFC] =	sst s0  }
0x9: {  	[smem:$0x3EFD] =	sst s1  }
0xa: {  	[smem:$0x3EFE] =	sst s2  }
0xb: {  	[smem:$0x3EFF] =	sst s3  }
0xc: {  	[smem:$0x3F00] =	sst s4  }
0xd: {  	[smem:$0x3F01] =	sst s5  }
0xe: {  	[smem:$0x3F02] =	sst s6  }
0xf: {  	[smem:$0x3F03] =	sst s7  }
0x10: {  	[smem:$0x3F04] =	sst s8  }
0x11: {  	[smem:$0x3F05] =	sst s9;
	s0 =	simm.s32 @!p0 $0x0  }
0x12: {  	s1 =	sld [smem:$0x3EEB];
	s0 =	simm.s32 @p0 $0x1  }
0x13: {  	[smem:$0x3F06] =	sst s0;
	s0 =	simm.s32 @!p1 $0x0  }
0x14: {  	s2 =	sld [smem:$0x3EEA];
	s0 =	simm.s32 @p1 $0x1  }
0x15: {  	[smem:$0x3F07] =	sst s0;
	s0 =	simm.s32 @!p2 $0x0  }
0x16: {  	s3 =	sld [smem:$0x3FDB];
	s0 =	simm.s32 @p2 $0x1  }
0x17: {  	s4 =	simm.s32 $0x1BF5;
	[smem:$0x3F09] =	sst s0  }
0x18: {  	s0 =	sld [smem:$0x3EEC];
	_ =	swait.ge [sflag:s4], $0x0  }
0x19: {  	s7 =	sld [smem:$0x3EED]  }
0x1a: {  	s8 =	sadd.s32 $0xFFFFE003, lr  }
0x1b: {  	s9 =	sadd.s32 $0xFFFFFEF7, lr;
	s5 =	simm.s32 $0xFFFFFFFF;
	p2 =	slt.u32 s8, $0xFFFFF086  }
0x1c: {  	p1 =	slt.u32 s9, $0xF7A;
	s5 =	simm.s32 @!p2 $0x0  }
0x1d: {  	s5 =	simm.s32 @p1 $0x1;
	p0 =	seq.s32 s7, s2  }
0x1e: {  	s7 =	smul.u32 @!p0 $0xF7A, s2;
	p2 =	seq.s32 @!p0 s5, $0x0  }
0x1f: {  	s9 =	smul.u32 $0xF7A, s1;
	s8 =	simm.s32 @!p0 $0x1BF5;
	p2 =	por !p2, p0  }
0x20: {  	[sflag:s8] =	ssyncset.s32 @!p0 $0xFFFFF086;
	s6 =	sadd.s32 @!p0 s3, s7;
	s7 =	simm.s32 @!p0 $0x108  }
0x21: {  	s3 =	sadd.s32 s3, s9;
	s6 =	sadd.s32 @!p0 $0x88, s6;
	s7 =	simm.s32 @p2 $0x1082  }
0x22: {  	[simem:s7], [sflag:s8] =	dma.local @!p0 [hbm:s6], $0xF7A  }
0x23: {  	s9 =	sor.u32 $0xD0000000, s2;
	s6 =	simm.s32 $0x108;
	_ =	swait.ge @!p0 [sflag:s8], $0x0  }
0x24: {  	s3 =	sadd.s32 $0x88, s3;
	s6 =	simm.s32 @!p1 $0x1082;
	[sflag:s4] =	ssyncset.s32 $0xFFFFF086  }
0x25: {  	[simem:s6], [sflag:s4] =	dma.local [hbm:s3], $0xF7A  }
0x26: {  	[smem:$0x3EED] =	sst s1;
	(tag) =	ssettag s2;
	_ =	strace s9  }
0x27: {  	s1 =	sld [smem:$0x3EFD]  }
0x28: {  	s2 =	sld [smem:$0x3EFE]  }
0x29: {  	s4 =	sld [smem:$0x3F00]  }
0x2a: {  	p0 =	seq.s32 s5, $0x0;
	s5 =	sld [smem:$0x3F01]  }
0x2b: {  	s6 =	sld [smem:$0x3F02]  }
0x2c: {  	s7 =	sld [smem:$0x3F03]  }
0x2d: {  	s3 =	simm.s32 $0x108;
	s8 =	sld [smem:$0x3F04]  }
0x2e: {  	s3 =	simm.s32 @!p0 $0x1082;
	s9 =	sld [smem:$0x3F05]  }
0x2f: {  	lr =	sadd.s32 s0, s3;
	s0 =	sld [smem:$0x3EFC]  }
0x30: {  	s3 =	sld [smem:$0x3EFF]  }
0x31: {  	[smem:$0x3F08] =	sst s10  }
0x32: {  	s10 =	sld [smem:$0x3F06];
	_ =	sdelay $0x3  }
0x33: {  	p0 =	seq.s32 s10, $0x1;
	s10 =	sld [smem:$0x3F08];
	_ =	sdelay $0x3  }
0x34: {  	[smem:$0x3F08] =	sst s10  }
0x35: {  	s10 =	sld [smem:$0x3F07];
	_ =	sdelay $0x3  }
0x36: {  	p1 =	seq.s32 s10, $0x1;
	s10 =	sld [smem:$0x3F08];
	_ =	sdelay $0x3  }
0x37: {  	[smem:$0x3F08] =	sst s10  }
0x38: {  	s10 =	sld [smem:$0x3F09]  }
0x39: {  	_ = 	snop;
	(pc) =	sbr.ind lr, $3  }
0x3a: {  	_ = 	snop  }
0x3b: {  	_ = 	snop  }
0x3c: {  	p2 =	seq.s32 s10, $0x1;
	s10 =	sld [smem:$0x3F08]  }
0x3d: {  	_ =	shalt  }
0x3e: {  	_ =	shalt  }
0x3f: {  	_ =	shalt  }
0x40: {  	_ =	shalt  }
0x41: {  	_ =	shalt  }
0x42: {  	_ =	shalt  }
0x43: {  	_ =	shalt  }
0x44: {  	_ =	shalt  }
0x45: {  	_ =	shalt  }
0x46: {  	_ =	shalt  }
0x47: {  	_ =	shalt  }
0x48: {  	_ =	shalt  }
0x49: {  	_ =	shalt  }
0x4a: {  	_ =	shalt  }
0x4b: {  	_ =	shalt  }
0x4c: {  	_ =	shalt  }
0x4d: {  	_ =	shalt  }
0x4e: {  	_ =	shalt  }
0x4f: {  	_ =	shalt  }
0x50: {  	_ =	shalt  }
0x51: {  	_ =	shalt  }
0x52: {  	_ =	shalt  }
0x53: {  	_ =	shalt  }
0x54: {  	_ =	shalt  }
0x55: {  	_ =	shalt  }
0x56: {  	_ =	shalt  }
0x57: {  	_ =	shalt  }
0x58: {  	_ =	shalt  }
0x59: {  	_ =	shalt  }
0x5a: {  	_ =	shalt  }
0x5b: {  	_ =	shalt  }
0x5c: {  	_ =	shalt  }
0x5d: {  	_ =	shalt  }
0x5e: {  	_ =	shalt  }
0x5f: {  	_ =	shalt  }
0x60: {  	_ =	shalt  }
0x61: {  	_ =	shalt  }
0x62: {  	_ =	shalt  }
0x63: {  	_ =	shalt  }
0x64: {  	_ =	shalt  }
0x65: {  	_ =	shalt  }
0x66: {  	_ =	shalt  }
0x67: {  	_ =	shalt  }
0x68: {  	_ =	shalt  }
0x69: {  	_ =	shalt  }
0x6a: {  	_ =	shalt  }
0x6b: {  	_ =	shalt  }
0x6c: {  	_ =	shalt  }
0x6d: {  	_ =	shalt  }
0x6e: {  	_ =	shalt  }
0x6f: {  	_ =	shalt  }
0x70: {  	_ =	shalt  }
0x71: {  	_ =	shalt  }
0x72: {  	_ =	shalt  }
0x73: {  	_ =	shalt  }
0x74: {  	_ =	shalt  }
0x75: {  	_ =	shalt  }
0x76: {  	_ =	shalt  }
0x77: {  	_ =	shalt  }
0x78: {  	_ =	shalt  }
0x79: {  	_ =	shalt  }
0x7a: {  	_ =	shalt  }
0x7b: {  	_ =	shalt  }
0x7c: {  	_ =	shalt  }
0x7d: {  	_ =	shalt  }
0x7e: {  	_ =	shalt  }
0x7f: {  	_ =	shalt  }
0x80: {  	_ =	shalt  }
0x81: {  	_ =	shalt  }
0x82: {  	_ =	shalt  }
0x83: {  	_ =	shalt  }
0x84: {  	_ =	shalt  }
0x85: {  	_ =	shalt  }
0x86: {  	_ =	shalt  }
0x87: {  	_ =	shalt  }
.Lfunc_end0:
.L_simem_size_0:
called_computation.3_lowered:
.L_overlay_start_0:
0x88: {  	s2 =	sld [smem:$0x3FD9]  }
0x89: {  	s3 =	sld [smem:$0x3FFE];
	_ =	sdelay $0x1  }
0x8a: {  	s1 =	srdreg.scid  }
0x8b: {  	s0 =	sand.u32 $0x1, s1  }
0x8c: {  	s16 =	sshll.u32 s0, $0xA;
	s2 =	sadd.s32 s3, s2  }
0x8d: {  	s2 =	sadd.s32 s2, s16  }
0x8e: {  	[smem:$0x3F14] =	sst s2  }
0x8f: {  	_ = 	snop  }
0x90: {  	(tm) =	ssettm $0x1  }
0x91: {  	s17 =	sld [smem:$0x3FFB];
	_ =	sdelay $0x3  }
0x92: {  	_ =	strace s17  }
0x93: {  	s2 =	sld [smem:$0x3FFC];
	_ =	sdelay $0x3  }
0x94: {  	_ =	strace s2  }
0x95: {  	s2 =	sld [smem:$0x3FFD];
	_ =	sdelay $0x3  }
0x96: {  	_ =	strace s2  }
0x97: {  	_ =	strace $0x8FFFFFFF  }
0x98: {  	s18 =	sld [smem:$0x3FDB];
	_ =	sdelay $0x1  }
0x99: {  	s19 =	simm.s32 $_scs_section_size  }
0x9a: {  	s4 =	simm.s32 $_size__tile_overlayer_lowered;
	s5 =	simm.s32 $_tile_overlayer_lowered  }
0x9b: {  	s22 =	simm.s32 $0x1BFF;
	s21 =	sshll.u32 s5, $0x1;
	s2 =	sadd.s32 s19, s18  }
0x9c: {  	s6 =	simm.s32 $0x0;
	s20 =	sshll.u32 s4, $0x1;
	s4 =	sadd.s32 s21, s2  }
0x9d: {  	[timem:s6], [sflag:s22] =	dma.local [hbm:s4], s20  }
0x9e: {  	_ =	swait.ge [sflag:s22], s20  }
0x9f: {  	s3 =	ssub.s32 $0x0, s20;
	[sflag:s22] =	ssyncset.done $0x0  }
0xa0: {  	[sflag:s22] =	ssyncadd.s32 s3;
	_ =	sdelay $0x1  }
0xa1: {  	s23 =	simm.s32 $0x1B8B  }
0xa2: {  	_ =	swait.ge [sflag:s23], $0x1  }
0xa3: {  	[sflag:s23] =	ssyncset.done $0x0  }
0xa4: {  	s25 =	simm.s32 $0x1B8E;
	s24 =	sld [smem:$0x3FFE];
	[sflag:s23] =	ssyncadd.s32 $0xFFFFFFFF  }
0xa5: {  	s26 =	simm.s32 $execute0_lowered;
	[smem:$0x3FD2] =	sst s25  }
0xa6: {  	s4 =	sshll.u32 s26, $0x1;
	_ =	strace $0x8000004F;
	[dreg:$0x1] =	wrdreg $0xFFFFFFFF  }
0xa7: {  	s28 =	simm.s32 $_size_execute0_lowered;
	s2 =	sadd.s32 s2, s4;
	[dreg:$0x0] =	wrdreg $0x0  }
0xa8: {  	s4 =	sshll.u32 s28, $0x1;
	[dreg:$0x2] =	wrdreg s2  }
0xa9: {  	[dreg:$0x3] =	wrdreg s4  }
0xaa: {  	[dreg:$0x4] =	wrdreg $0xC0  }
0xab: {  	_ =	task [dreg:s6], $0x5FFFF  }
0xac: {  	[dreg:$0x1] =	wrdreg $0xFFFFFFFF  }
0xad: {  	[dreg:$0x0] =	wrdreg $0x60  }
0xae: {  	[dreg:$0x2] =	wrdreg s24  }
0xaf: {  	[dreg:$0x3] =	wrdreg $0x9  }
0xb0: {  	_ =	task.clear_ibuf [dreg:s6], $0x4FFFF;
	_ =	strace $0x9000004F  }
0xb1: {  	s29 =	simm.s32 $0x9;
	_ =	strace $0x80000051  }
0xb2: {  	_ =	swait.ge [sflag:s29], $0x1  }
0xb3: {  	[sflag:s29] =	ssyncadd.s32 $0xFFFFFFFF  }
0xb4: {  	_ =	strace $0x90000051  }
0xb5: {  	_ =	sfence  }
0xb6: {  	s30 =	sld [smem:$0x0];
	_ =	sdelay $0x2  }
0xb7: {  	s31 =	sshll.u32 s1, $0xD;
	s1 =	sshrl.u32 s1, $0x2  }
0xb8: {  	s3 =	sand.u32 $0x4000, s31;
	s1 =	sadd.s32 s1, s30  }
0xb9: {  	s0 =	sor.u32 s3, s0;
	s1 =	sshll.u32 s1, $0x11  }
0xba: {  	s0 =	sor.u32 s1, s0  }
0xbb: {  	s0 =	sadd.s32 $0x8F2B, s0  }
0xbc: {  	[sflag:s0] =	ssyncadd.remote.s32 $0x1  }
0xbd: {  	_ =	sfence.sel $0xFFFF  }
0xbe: {  	[dreg:$0x0] =	wrdreg $0xFFFFFFFF;
	(pc) =	sbr.abs _section_cstart, $3  }
0xbf: {  	[dreg:$0x1] =	wrdreg $0xFFFFFFFF  }
0xc0: {  	_ =	task.clear_ibuf [dreg:s6], $0x2FFFF;
	_ =	strace $0x9FFFFFFF  }
0xc1: {  	(tm) =	ssettm $0x7FFFFFFF  }
tec
execute0_lowered:
.L_overlay_start_1:
0x0: {  	(tag) =	ssettag $0x1  }
0x1: {  	s0 =	rddreg [dreg:$0x0]  }
0x2: {  	s1 =	srdreg.scid;
	s16 =	stileid.u32  }
0x3: {  	s2 =	simm.s32 $0x0;
	s28 =	simm.s32 $0x3;
	s29 =	simm.s32 $0x2  }
0x4: {  	s30 =	simm.s32 $0x4;
	s31 =	simm.s32 $0x0;
	s1 =	sand.u32 $0x1, s1  }
0x5: {  	s3 =	sshll.u32 s16, $0x1;
	[smem:$0x7FF] =	sst s2;
	s13 =	smul.u32 $0x3B0, s16  }
0x6: {  	s4 =	sadd.s32 $0x32800, s0;
	s21 =	smul.u32 $0xEC00, s16;
	s6 =	sor.u32 s1, s3  }
0x7: {  	_ =	strace $0x80000050;
	s3 =	sadd.s32 $0x10200, s0;
	s10 =	smul.u32 $0x1D8, s6  }
0x8: {  	s5 =	ssub.s32 $0x2, s1;
	s0 =	sadd.s32 $0x33000, s0;
	s7 =	smul.u32 $0x3B000, s6  }
0x9: {  	s8 =	sshrl.u32 s5, $0x1;
	s6 =	smul.u32 $0x7600, s6;
	s25 =	sadd.s32 s21, s0  }
0xa: {  	s21 =	simm.s32 $0x4080;
	s8 =	ssub.s32 s5, s8;
	s14 =	sshrl.u32 s7, $0x3  }
0xb: {  	s15 =	sshrl.u32 s10, $0x3;
	s18 =	smax.u32 s8, $0x1;
	s19 =	sadd.s32 $0x180, s10  }
0xc: {  	s12 =	sadd.s32 $0x198, s10;
	s9 =	sadd.s32 s0, s14;
	s5 =	sadd.s32 s4, s15  }
0xd: {  	[dreg:$0x3] =	wrdreg s18;
	s11 =	sshrl.u32 s19, $0x3;
	s14 =	smul.u32 $0x1D8, s1  }
0xe: {  	s12 =	sshrl.u32 s12, $0x3;
	s18 =	simm.s32 $0x5;
	s17 =	sadd.s32 $0x6600, s9  }
0xf: {  	s8 =	sadd.s32 $0x8, s5;
	s9 =	sadd.s32 s0, s6;
	s10 =	sadd.s32 s4, s11  }
0x10: {  	s12 =	sadd.s32 s4, s12;
	s6 =	sshll.u32 s19, $0x6;
	s19 =	simm.s32 $0x20  }
0x11: {  	[dreg:$0x2] =	wrdreg s17;
	s11 =	sadd.s32 $0x5000, s9;
	s15 =	sadd.s32 s14, s13  }
0x12: {  	s17 =	smul.u32 $0x7600, s1;
	s20 =	sshll.u32 s15, $0x6;
	s22 =	sadd.s32 $0xC0, s15  }
0x13: {  	s13 =	sadd.s32 s0, s6;
	s6 =	sadd.s32 $0x20001000, s20;
	s24 =	sshrl.u32 s22, $0x3  }
0x14: {  	s26 =	sadd.s32 s17, s25;
	s20 =	simm.s32 $0x80;
	s22 =	simm.s32 $0x40  }
0x15: {  	s25 =	simm.s32 $0xC080;
	s23 =	sand.u32 $0x3FFE00, s6;
	s1 =	sadd.s32 s24, s4  }
0x16: {  	s16 =	sadd.s32 $0x2000, s26;
	s24 =	simm.s32 $0x60;
	s26 =	simm.s32 $0x1  }
0x17: {  	s14 =	sadd.s32 s23, s0;
	s0 =	sadd.s32 $0x80, s15;
	s23 =	simm.s32 $0x8080  }
.LBB2_1:
0x18: {  	[tilespmem:s2], [sflag:$0x5] =	stream.linear.gather [hbm4b:s5+s2], $0x40, $0x38;
	[tilespmem:$0x10080] =	vst v63  }
0x19: {  	_ =	swait.ge [sflag:s18], $0x40  }
0x1a: {  	[sflag:s18] =	ssyncset.done $0x0  }
0x1b: {  	[sflag:s18] =	ssyncadd.s32 $0xFFFFFFC0  }
0x1c: {  	[tilespmem:s20], [sflag:$0x1] =	stream.indirect.gather [hbm4b:s3+s19], $0x200, s2, s19, $0xb8;
	[tilespmem:$0x10080] =	vst v63  }
0x1d: {  	_ = 	snop  }
0x1e: {  	[tilespmem:s21], [sflag:$0x1] =	stream.indirect.gather [hbm4b:s3+s19], $0x200, s19, s19, $0xb8;
	[tilespmem:$0x10080] =	vst v63  }
0x1f: {  	_ = 	snop  }
0x20: {  	[tilespmem:s22], [sflag:$0x5] =	stream.linear.gather [hbm4b:s8+s2], $0x40, $0x38;
	[tilespmem:$0x10080] =	vst v63  }
0x21: {  	_ =	swait.ge [sflag:s18], $0x40  }
0x22: {  	[sflag:s18] =	ssyncset.done $0x0  }
0x23: {  	[sflag:s18] =	ssyncadd.s32 $0xFFFFFFC0  }
0x24: {  	[tilespmem:s23], [sflag:$0x2] =	stream.indirect.gather [hbm4b:s3+s19], $0x200, s22, s19, $0xb8;
	[tilespmem:$0x10080] =	vst v63  }
0x25: {  	_ = 	snop  }
0x26: {  	[tilespmem:s25], [sflag:$0x2] =	stream.indirect.gather [hbm4b:s3+s19], $0x200, s24, s19, $0xb8;
	[tilespmem:$0x10080] =	vst v63  }
0x27: {  	_ =	swait.ge [sflag:s26], $0x4000  }
0x28: {  	[sflag:s26] =	ssyncset.done $0x0  }
0x29: {  	[sflag:s26] =	ssyncadd.s32 $0xFFFFC000  }
0x2a: {  	_ =	swait.ge [sflag:s26], $0x4000  }
0x2b: {  	s17 =	smov.u32 s0;
	[sflag:s26] =	ssyncset.done $0x0  }
0x2c: {  	s15 =	smov.u32 s1;
	s6 =	simm.s32 $0x0;
	[sflag:s26] =	ssyncadd.s32 $0xFFFFC000  }
0x2d: {  	[hbm4b:s9+s2] =	stream.linear.scatter [tilespmem:s20], [sflag:$0x3], $0x8000, $0x38;
	[tilespmem:$0x10080] =	vst v63  }
.LBB2_2:
0x2e: {  	_ =	swait.ge [sflag:s28], $0x8000  }
0x2f: {  	s7 =	sshrl.u32 s17, $0x3;
	[sflag:s28] =	ssyncset.done $0x0  }
0x30: {  	s7 =	sadd.s32 s4, s7;
	[sflag:s28] =	ssyncadd.s32 $0xFFFF8000  }
0x31: {  	[tilespmem:s2], [sflag:$0x5] =	stream.linear.gather [hbm4b:s7+s2], $0x40, $0x38;
	[tilespmem:$0x10080] =	vst v63  }
0x32: {  	_ =	swait.ge [sflag:s18], $0x40  }
0x33: {  	[sflag:s18] =	ssyncset.done $0x0  }
0x34: {  	[sflag:s18] =	ssyncadd.s32 $0xFFFFFFC0  }
0x35: {  	[tilespmem:s20], [sflag:$0x1] =	stream.indirect.gather [hbm4b:s3+s19], $0x200, s2, s19, $0xb8;
	[tilespmem:$0x10080] =	vst v63  }
0x36: {  	_ = 	snop  }
0x37: {  	[tilespmem:s21], [sflag:$0x1] =	stream.indirect.gather [hbm4b:s3+s19], $0x200, s19, s19, $0xb8;
	[tilespmem:$0x10080] =	vst v63  }
0x38: {  	_ =	swait.ge [sflag:s29], $0x4000  }
0x39: {  	[sflag:s29] =	ssyncset.done $0x0  }
0x3a: {  	[sflag:s29] =	ssyncadd.s32 $0xFFFFC000  }
0x3b: {  	_ =	swait.ge [sflag:s29], $0x4000  }
0x3c: {  	[sflag:s29] =	ssyncset.done $0x0  }
0x3d: {  	s7 =	sadd.s32 s6, s14;
	[sflag:s29] =	ssyncadd.s32 $0xFFFFC000  }
0x3e: {  	[hbm4b:s7+s2] =	stream.linear.scatter [tilespmem:s23], [sflag:$0x4], $0x8000, $0x38;
	[tilespmem:$0x10080] =	vst v63  }
0x3f: {  	_ =	swait.ge [sflag:s30], $0x8000  }
0x40: {  	[sflag:s30] =	ssyncset.done $0x0  }
0x41: {  	[sflag:s30] =	ssyncadd.s32 $0xFFFF8000  }
0x42: {  	[tilespmem:s22], [sflag:$0x5] =	stream.linear.gather [hbm4b:s15+s2], $0x40, $0x38;
	[tilespmem:$0x10080] =	vst v63  }
0x43: {  	_ =	swait.ge [sflag:s18], $0x40  }
0x44: {  	[sflag:s18] =	ssyncset.done $0x0  }
0x45: {  	[sflag:s18] =	ssyncadd.s32 $0xFFFFFFC0  }
0x46: {  	[tilespmem:s23], [sflag:$0x2] =	stream.indirect.gather [hbm4b:s3+s19], $0x200, s22, s19, $0xb8;
	[tilespmem:$0x10080] =	vst v63  }
0x47: {  	_ = 	snop  }
0x48: {  	[tilespmem:s25], [sflag:$0x2] =	stream.indirect.gather [hbm4b:s3+s19], $0x200, s24, s19, $0xb8;
	[tilespmem:$0x10080] =	vst v63  }
0x49: {  	_ =	swait.ge [sflag:s26], $0x4000  }
0x4a: {  	p0 =	sne.s32 s6, $0x2000;
	[sflag:s26] =	ssyncset.done $0x0  }
.Ltmp0:
0x4b: {  	[sflag:s26] =	ssyncadd.s32 $0xFFFFC000;
	(pc) =	sbr.rel @p0 .LBB2_2-.Ltmp0, $4  }
0x4c: {  	_ =	swait.ge [sflag:s26], $0x4000  }
0x4d: {  	s17 =	sadd.s32 $0x80, s17;
	s7 =	sadd.s32 s6, s16;
	[sflag:s26] =	ssyncset.done $0x0  }
0x4e: {  	s6 =	sadd.s32 $0x2000, s6;
	s15 =	sadd.s32 $0x10, s15;
	[sflag:s26] =	ssyncadd.s32 $0xFFFFC000  }
0x4f: {  	[hbm4b:s7+s2] =	stream.linear.scatter [tilespmem:s20], [sflag:$0x3], $0x8000, $0x38;
	[tilespmem:$0x10080] =	vst v63  }
0x50: {  	_ =	swait.ge [sflag:s28], $0x8000  }
0x51: {  	[sflag:s28] =	ssyncset.done $0x0  }
0x52: {  	[sflag:s28] =	ssyncadd.s32 $0xFFFF8000  }
0x53: {  	[tilespmem:s2], [sflag:$0x5] =	stream.linear.gather [hbm4b:s10+s2], $0x40, $0x38;
	[tilespmem:$0x10080] =	vst v63  }
0x54: {  	_ =	swait.ge [sflag:s18], $0x40  }
0x55: {  	[sflag:s18] =	ssyncset.done $0x0  }
0x56: {  	[sflag:s18] =	ssyncadd.s32 $0xFFFFFFC0  }
0x57: {  	[tilespmem:s20], [sflag:$0x1] =	stream.indirect.gather [hbm4b:s3+s19], $0x200, s2, s19, $0xb8;
	[tilespmem:$0x10080] =	vst v63  }
0x58: {  	_ = 	snop  }
0x59: {  	[tilespmem:s21], [sflag:$0x1] =	stream.indirect.gather [hbm4b:s3+s19], $0x200, s19, s19, $0xb8;
	[tilespmem:$0x10080] =	vst v63  }
0x5a: {  	_ =	swait.ge [sflag:s29], $0x4000  }
0x5b: {  	[sflag:s29] =	ssyncset.done $0x0  }
0x5c: {  	[sflag:s29] =	ssyncadd.s32 $0xFFFFC000  }
0x5d: {  	_ =	swait.ge [sflag:s29], $0x4000  }
0x5e: {  	[sflag:s29] =	ssyncset.done $0x0  }
0x5f: {  	[sflag:s29] =	ssyncadd.s32 $0xFFFFC000  }
0x60: {  	[hbm4b:s11+s2] =	stream.linear.scatter [tilespmem:s23], [sflag:$0x4], $0x8000, $0x38;
	[tilespmem:$0x10080] =	vst v63  }
0x61: {  	_ =	swait.ge [sflag:s30], $0x8000  }
0x62: {  	[sflag:s30] =	ssyncset.done $0x0  }
0x63: {  	[sflag:s30] =	ssyncadd.s32 $0xFFFF8000  }
0x64: {  	[tilespmem:s22], [sflag:$0x5] =	stream.linear.gather [hbm4b:s12+s2], $0x40, $0x38;
	[tilespmem:$0x10080] =	vst v63  }
0x65: {  	_ =	swait.ge [sflag:s18], $0x40  }
0x66: {  	[sflag:s18] =	ssyncset.done $0x0  }
0x67: {  	[sflag:s18] =	ssyncadd.s32 $0xFFFFFFC0  }
0x68: {  	[tilespmem:s23], [sflag:$0x2] =	stream.indirect.gather [hbm4b:s3+s19], $0x200, s22, s19, $0xb8;
	[tilespmem:$0x10080] =	vst v63  }
0x69: {  	_ = 	snop  }
0x6a: {  	[tilespmem:s25], [sflag:$0x2] =	stream.indirect.gather [hbm4b:s3+s19], $0x200, s24, s19, $0xb8;
	[tilespmem:$0x10080] =	vst v63  }
0x6b: {  	_ =	swait.ge [sflag:s26], $0x4000  }
0x6c: {  	[sflag:s26] =	ssyncset.done $0x0  }
0x6d: {  	[sflag:s26] =	ssyncadd.s32 $0xFFFFC000  }
0x6e: {  	_ =	swait.ge [sflag:s26], $0x4000  }
0x6f: {  	[sflag:s26] =	ssyncset.done $0x0  }
0x70: {  	[sflag:s26] =	ssyncadd.s32 $0xFFFFC000  }
0x71: {  	[hbm4b:s13+s2] =	stream.linear.scatter [tilespmem:s20], [sflag:$0x3], $0x8000, $0x38;
	[tilespmem:$0x10080] =	vst v63  }
0x72: {  	_ =	swait.ge [sflag:s29], $0x4000  }
0x73: {  	[sflag:s29] =	ssyncset.done $0x0  }
0x74: {  	[sflag:s29] =	ssyncadd.s32 $0xFFFFC000  }
0x75: {  	_ =	swait.ge [sflag:s29], $0x4000  }
0x76: {  	[sflag:s29] =	ssyncset.done $0x0  }
0x77: {  	s6 =	rddreg [dreg:$0x2];
	[sflag:s29] =	ssyncadd.s32 $0xFFFFC000  }
0x78: {  	[hbm4b:s6+s2] =	stream.linear.scatter [tilespmem:s23], [sflag:$0x4], $0x8000, $0x38;
	[tilespmem:$0x10080] =	vst v63  }
0x79: {  	_ =	swait.ge [sflag:s28], $0x8000  }
0x7a: {  	[sflag:s28] =	ssyncset.done $0x0  }
0x7b: {  	[sflag:s28] =	ssyncadd.s32 $0xFFFF8000  }
0x7c: {  	_ =	swait.ge [sflag:s30], $0x8000  }
0x7d: {  	s31 =	sadd.s32 $0x1, s31;
	s17 =	rddreg [dreg:$0x3]  }
0x7e: {  	p0 =	sne.s32 s31, s17  }
.Ltmp1:
0x7f: {  	_ = 	snop;
	(pc) =	sbr.rel @p0 .LBB2_1-.Ltmp1, $3  }
0x80: {  	_ =	sdelay $0x1  }
0x81: {  	[sflag:s30] =	ssyncset.done $0x0  }
0x82: {  	[sflag:s30] =	ssyncadd.s32 $0xFFFF8000  }
0x83: {  	_ =	sfence.sel $0x180000  }
0x84: {  	[bflag:$0x0] =	sbarrier.arrive $0xFFFF  }
0x85: {  	_ =	strace $0x90000050  }
0x86: {  	s0 =	stileid.u32;
	[bflag:$0x2] =	sbarrier.arrive $0xFFFF  }
0x87: {  	p0 =	sne.s32 s0, $0x0;
	s0 =	rddreg [dreg:$0x1]  }
0x88: {  	s0 =	sadd.s32 @!p0 $0x100000, s0  }
0x89: {  	[sflag:s0] =	ssyncadd.tile.s32 @!p0 $0x1;
	_ =	shalt  }
.Lfunc_end2:
_tile_overlayer_lowered:
.L_overlay_start_2:
0x8a: {  	(tag) =	ssettag $0x2  }
0x8b: {  	s0 =	rddreg [dreg:$0x0];
	s2 =	stileid.u32  }
0x8c: {  	s1 =	rddreg [dreg:$0x1];
	p0 =	sne.s32 s2, $0x0  }
0x8d: {  	s3 =	rddreg [dreg:$0x2];
	[bflag:$0x3] =	sbarrier.arrive $0xFFFF;
	s2 =	simm.s32 @!p0 $0x1C05  }
0x8e: {  	[timem:s3], [sflag:s2] =	dma.local @!p0 [hbm:s0], s1  }
0x8f: {  	s0 =	simm.s32 @!p0 $0x5  }
0x90: {  	_ =	swait.ge @!p0 [sflag:s0], s1  }
0x91: {  	s1 =	ssub.s32 @!p0 $0x0, s1;
	[sflag:s0] =	ssyncset.done @!p0 $0x0  }
0x92: {  	[sflag:s0] =	ssyncadd.s32 @!p0 s1  }
0x93: {  	[bflag:$0x3] =	sbarrier.arrive $0xFFFF  }
0x94: {  	_ =	shalt  }

// kernel: kernel.15.cloned.1.call-start
scs
__scs_entry_jumppad:
0x0: {  	(pc) =	sbr.rel $0x88, $3  }
0x1: {  	(tag) =	ssettag $0x0;
	lr =	simm.s32 $0x1  }
0x2: {  	[smem:$0x3EED] =	sst lr;
	_ =	strace $0xD0000000  }
0x3: {  	_ = 	snop  }
0x4: {  	_ = 	snop  }
0x5: {  	_ = 	snop  }
0x6: {  	_ = 	snop  }
0x7: {  	_ = 	snop  }
__scs_overlays_trampoline_lowered:
0x8: {  	[smem:$0x3EFC] =	sst s0  }
0x9: {  	[smem:$0x3EFD] =	sst s1  }
0xa: {  	[smem:$0x3EFE] =	sst s2  }
0xb: {  	[smem:$0x3EFF] =	sst s3  }
0xc: {  	[smem:$0x3F00] =	sst s4  }
0xd: {  	[smem:$0x3F01] =	sst s5  }
0xe: {  	[smem:$0x3F02] =	sst s6  }
0xf: {  	[smem:$0x3F03] =	sst s7  }
0x10: {  	[smem:$0x3F04] =	sst s8  }
0x11: {  	[smem:$0x3F05] =	sst s9;
	s0 =	simm.s32 @!p0 $0x0  }
0x12: {  	s1 =	sld [smem:$0x3EEB];
	s0 =	simm.s32 @p0 $0x1  }
0x13: {  	[smem:$0x3F06] =	sst s0;
	s0 =	simm.s32 @!p1 $0x0  }
0x14: {  	s2 =	sld [smem:$0x3EEA];
	s0 =	simm.s32 @p1 $0x1  }
0x15: {  	[smem:$0x3F07] =	sst s0;
	s0 =	simm.s32 @!p2 $0x0  }
0x16: {  	s3 =	sld [smem:$0x3FDB];
	s0 =	simm.s32 @p2 $0x1  }
0x17: {  	s4 =	simm.s32 $0x1BF5;
	[smem:$0x3F09] =	sst s0  }
0x18: {  	s0 =	sld [smem:$0x3EEC];
	_ =	swait.ge [sflag:s4], $0x0  }
0x19: {  	s7 =	sld [smem:$0x3EED]  }
0x1a: {  	s8 =	sadd.s32 $0xFFFFE003, lr  }
0x1b: {  	s9 =	sadd.s32 $0xFFFFFEF7, lr;
	s5 =	simm.s32 $0xFFFFFFFF;
	p2 =	slt.u32 s8, $0xFFFFF086  }
0x1c: {  	p1 =	slt.u32 s9, $0xF7A;
	s5 =	simm.s32 @!p2 $0x0  }
0x1d: {  	s5 =	simm.s32 @p1 $0x1;
	p0 =	seq.s32 s7, s2  }
0x1e: {  	s7 =	smul.u32 @!p0 $0xF7A, s2;
	p2 =	seq.s32 @!p0 s5, $0x0  }
0x1f: {  	s9 =	smul.u32 $0xF7A, s1;
	s8 =	simm.s32 @!p0 $0x1BF5;
	p2 =	por !p2, p0  }
0x20: {  	[sflag:s8] =	ssyncset.s32 @!p0 $0xFFFFF086;
	s6 =	sadd.s32 @!p0 s3, s7;
	s7 =	simm.s32 @!p0 $0x108  }
0x21: {  	s3 =	sadd.s32 s3, s9;
	s6 =	sadd.s32 @!p0 $0x88, s6;
	s7 =	simm.s32 @p2 $0x1082  }
0x22: {  	[simem:s7], [sflag:s8] =	dma.local @!p0 [hbm:s6], $0xF7A  }
0x23: {  	s9 =	sor.u32 $0xD0000000, s2;
	s6 =	simm.s32 $0x108;
	_ =	swait.ge @!p0 [sflag:s8], $0x0  }
0x24: {  	s3 =	sadd.s32 $0x88, s3;
	s6 =	simm.s32 @!p1 $0x1082;
	[sflag:s4] =	ssyncset.s32 $0xFFFFF086  }
0x25: {  	[simem:s6], [sflag:s4] =	dma.local [hbm:s3], $0xF7A  }
0x26: {  	[smem:$0x3EED] =	sst s1;
	(tag) =	ssettag s2;
	_ =	strace s9  }
0x27: {  	s1 =	sld [smem:$0x3EFD]  }
0x28: {  	s2 =	sld [smem:$0x3EFE]  }
0x29: {  	s4 =	sld [smem:$0x3F00]  }
0x2a: {  	p0 =	seq.s32 s5, $0x0;
	s5 =	sld [smem:$0x3F01]  }
0x2b: {  	s6 =	sld [smem:$0x3F02]  }
0x2c: {  	s7 =	sld [smem:$0x3F03]  }
0x2d: {  	s3 =	simm.s32 $0x108;
	s8 =	sld [smem:$0x3F04]  }
0x2e: {  	s3 =	simm.s32 @!p0 $0x1082;
	s9 =	sld [smem:$0x3F05]  }
0x2f: {  	lr =	sadd.s32 s0, s3;
	s0 =	sld [smem:$0x3EFC]  }
0x30: {  	s3 =	sld [smem:$0x3EFF]  }
0x31: {  	[smem:$0x3F08] =	sst s10  }
0x32: {  	s10 =	sld [smem:$0x3F06];
	_ =	sdelay $0x3  }
0x33: {  	p0 =	seq.s32 s10, $0x1;
	s10 =	sld [smem:$0x3F08];
	_ =	sdelay $0x3  }
0x34: {  	[smem:$0x3F08] =	sst s10  }
0x35: {  	s10 =	sld [smem:$0x3F07];
	_ =	sdelay $0x3  }
0x36: {  	p1 =	seq.s32 s10, $0x1;
	s10 =	sld [smem:$0x3F08];
	_ =	sdelay $0x3  }
0x37: {  	[smem:$0x3F08] =	sst s10  }
0x38: {  	s10 =	sld [smem:$0x3F09]  }
0x39: {  	_ = 	snop;
	(pc) =	sbr.ind lr, $3  }
0x3a: {  	_ = 	snop  }
0x3b: {  	_ = 	snop  }
0x3c: {  	p2 =	seq.s32 s10, $0x1;
	s10 =	sld [smem:$0x3F08]  }
0x3d: {  	_ =	shalt  }
0x3e: {  	_ =	shalt  }
0x3f: {  	_ =	shalt  }
0x40: {  	_ =	shalt  }
0x41: {  	_ =	shalt  }
0x42: {  	_ =	shalt  }
0x43: {  	_ =	shalt  }
0x44: {  	_ =	shalt  }
0x45: {  	_ =	shalt  }
0x46: {  	_ =	shalt  }
0x47: {  	_ =	shalt  }
0x48: {  	_ =	shalt  }
0x49: {  	_ =	shalt  }
0x4a: {  	_ =	shalt  }
0x4b: {  	_ =	shalt  }
0x4c: {  	_ =	shalt  }
0x4d: {  	_ =	shalt  }
0x4e: {  	_ =	shalt  }
0x4f: {  	_ =	shalt  }
0x50: {  	_ =	shalt  }
0x51: {  	_ =	shalt  }
0x52: {  	_ =	shalt  }
0x53: {  	_ =	shalt  }
0x54: {  	_ =	shalt  }
0x55: {  	_ =	shalt  }
0x56: {  	_ =	shalt  }
0x57: {  	_ =	shalt  }
0x58: {  	_ =	shalt  }
0x59: {  	_ =	shalt  }
0x5a: {  	_ =	shalt  }
0x5b: {  	_ =	shalt  }
0x5c: {  	_ =	shalt  }
0x5d: {  	_ =	shalt  }
0x5e: {  	_ =	shalt  }
0x5f: {  	_ =	shalt  }
0x60: {  	_ =	shalt  }
0x61: {  	_ =	shalt  }
0x62: {  	_ =	shalt  }
0x63: {  	_ =	shalt  }
0x64: {  	_ =	shalt  }
0x65: {  	_ =	shalt  }
0x66: {  	_ =	shalt  }
0x67: {  	_ =	shalt  }
0x68: {  	_ =	shalt  }
0x69: {  	_ =	shalt  }
0x6a: {  	_ =	shalt  }
0x6b: {  	_ =	shalt  }
0x6c: {  	_ =	shalt  }
0x6d: {  	_ =	shalt  }
0x6e: {  	_ =	shalt  }
0x6f: {  	_ =	shalt  }
0x70: {  	_ =	shalt  }
0x71: {  	_ =	shalt  }
0x72: {  	_ =	shalt  }
0x73: {  	_ =	shalt  }
0x74: {  	_ =	shalt  }
0x75: {  	_ =	shalt  }
0x76: {  	_ =	shalt  }
0x77: {  	_ =	shalt  }
0x78: {  	_ =	shalt  }
0x79: {  	_ =	shalt  }
0x7a: {  	_ =	shalt  }
0x7b: {  	_ =	shalt  }
0x7c: {  	_ =	shalt  }
0x7d: {  	_ =	shalt  }
0x7e: {  	_ =	shalt  }
0x7f: {  	_ =	shalt  }
0x80: {  	_ =	shalt  }
0x81: {  	_ =	shalt  }
0x82: {  	_ =	shalt  }
0x83: {  	_ =	shalt  }
0x84: {  	_ =	shalt  }
0x85: {  	_ =	shalt  }
0x86: {  	_ =	shalt  }
0x87: {  	_ =	shalt  }
.Lfunc_end0:
.L_simem_size_0:
called_computation.4_lowered:
.L_overlay_start_0:
0x88: {  	s2 =	sld [smem:$0x3FD9]  }
0x89: {  	s3 =	sld [smem:$0x3FFE];
	_ =	sdelay $0x1  }
0x8a: {  	s1 =	srdreg.scid  }
0x8b: {  	s0 =	sand.u32 $0x1, s1  }
0x8c: {  	s17 =	sshll.u32 s0, $0xA;
	s2 =	sadd.s32 s3, s2  }
0x8d: {  	s2 =	sadd.s32 s2, s17  }
0x8e: {  	[smem:$0x3F14] =	sst s2  }
0x8f: {  	_ = 	snop  }
0x90: {  	s2 =	sld [smem:$0x3FD0];
	(tm) =	ssettm $0x1  }
0x91: {  	s18 =	sld [smem:$0x3FFB];
	_ =	sdelay $0x3  }
0x92: {  	_ =	strace s18  }
0x93: {  	s3 =	sld [smem:$0x3FFC];
	_ =	sdelay $0x3  }
0x94: {  	_ =	strace s3  }
0x95: {  	s3 =	sld [smem:$0x3FFD];
	_ =	sdelay $0x3  }
0x96: {  	_ =	strace s3  }
0x97: {  	_ =	strace $0x8FFFFFFF  }
0x98: {  	s19 =	sld [smem:$0x3FDB];
	_ =	sdelay $0x1  }
0x99: {  	s4 =	simm.s32 $_scs_section_size  }
0x9a: {  	s5 =	simm.s32 $_size__tile_overlayer_lowered;
	s6 =	simm.s32 $_tile_overlayer_lowered  }
0x9b: {  	s22 =	simm.s32 $0x1BFF;
	s21 =	sshll.u32 s6, $0x1;
	s3 =	sadd.s32 s4, s19  }
0x9c: {  	s7 =	simm.s32 $0x0;
	s20 =	sshll.u32 s5, $0x1;
	s5 =	sadd.s32 s21, s3  }
0x9d: {  	[timem:s7], [sflag:s22] =	dma.local [hbm:s5], s20  }
0x9e: {  	_ =	swait.ge [sflag:s22], s20  }
0x9f: {  	s4 =	ssub.s32 $0x0, s20;
	[sflag:s22] =	ssyncset.done $0x0  }
0xa0: {  	[sflag:s22] =	ssyncadd.s32 s4;
	_ =	sdelay $0x1  }
0xa1: {  	s23 =	simm.s32 $0x1B8B  }
0xa2: {  	_ =	swait.ge [sflag:s23], $0x1  }
0xa3: {  	[sflag:s23] =	ssyncset.done $0x0  }
0xa4: {  	s25 =	simm.s32 $0x1B8E;
	s24 =	sld [smem:$0x3FFE];
	[sflag:s23] =	ssyncadd.s32 $0xFFFFFFFF  }
0xa5: {  	s26 =	simm.s32 $execute0_lowered;
	[smem:$0x3FD2] =	sst s25  }
0xa6: {  	s5 =	sshll.u32 s26, $0x1;
	_ =	strace $0x80000052;
	[dreg:$0x1] =	wrdreg $0xFFFFFFFF  }
0xa7: {  	s28 =	simm.s32 $_size_execute0_lowered;
	s3 =	sadd.s32 s3, s5;
	[dreg:$0x0] =	wrdreg $0x0  }
0xa8: {  	s5 =	sshll.u32 s28, $0x1;
	[dreg:$0x2] =	wrdreg s3  }
0xa9: {  	[dreg:$0x3] =	wrdreg s5  }
0xaa: {  	[dreg:$0x4] =	wrdreg $0xC0  }
0xab: {  	_ =	task [dreg:s7], $0x5FFFF  }
0xac: {  	[dreg:$0x1] =	wrdreg $0xFFFFFFFF  }
0xad: {  	[dreg:$0x0] =	wrdreg $0x60  }
0xae: {  	[dreg:$0x2] =	wrdreg s24  }
0xaf: {  	[dreg:$0x3] =	wrdreg s2  }
0xb0: {  	[dreg:$0x4] =	wrdreg $0x9  }
0xb1: {  	_ =	task.clear_ibuf [dreg:s7], $0x5FFFF;
	_ =	strace $0x90000052  }
0xb2: {  	s29 =	simm.s32 $0x9;
	_ =	strace $0x80000054  }
0xb3: {  	_ =	swait.ge [sflag:s29], $0x1  }
0xb4: {  	[sflag:s29] =	ssyncadd.s32 $0xFFFFFFFF  }
0xb5: {  	_ =	strace $0x90000054  }
0xb6: {  	_ =	sfence  }
0xb7: {  	s30 =	sld [smem:$0x0];
	_ =	sdelay $0x2  }
0xb8: {  	s31 =	sshll.u32 s1, $0xD;
	s1 =	sshrl.u32 s1, $0x2  }
0xb9: {  	s3 =	sand.u32 $0x4000, s31;
	s1 =	sadd.s32 s1, s30  }
0xba: {  	s0 =	sor.u32 s3, s0;
	s1 =	sshll.u32 s1, $0x11  }
0xbb: {  	s0 =	sor.u32 s1, s0  }
0xbc: {  	s0 =	sadd.s32 $0x8F2B, s0  }
0xbd: {  	[sflag:s0] =	ssyncadd.remote.s32 $0x1  }
0xbe: {  	_ =	sfence.sel $0xFFFF  }
0xbf: {  	[dreg:$0x0] =	wrdreg $0xFFFFFFFF;
	(pc) =	sbr.abs _section_cstart, $3  }
0xc0: {  	[dreg:$0x1] =	wrdreg $0xFFFFFFFF  }
0xc1: {  	_ =	task.clear_ibuf [dreg:s7], $0x2FFFF;
	_ =	strace $0x9FFFFFFF  }
0xc2: {  	(tm) =	ssettm $0x7FFFFFFF  }
0xc3: {  	_ =	shalt  }
tec
execute0_lowered:
.L_overlay_start_1:
0x0: {  	(tag) =	ssettag $0x1  }
0x1: {  	s6 =	rddreg [dreg:$0x0];
	s1 =	srdreg.scid  }
0x2: {  	s0 =	stileid.u32;
	s2 =	rddreg [dreg:$0x1]  }
0x3: {  	s3 =	simm.s32 $0x0;
	s8 =	sand.u32 $0x1, s1;
	s1 =	rddreg [dreg:$0x2]  }
0x4: {  	s23 =	simm.s32 $0x2100;
	s24 =	simm.s32 $0x40;
	[smem:$0x7FF] =	sst s3  }
0x5: {  	s25 =	simm.s32 $0x4100;
	_ =	strace $0x80000053;
	[dreg:$0x4] =	wrdreg s23  }
0x6: {  	s26 =	simm.s32 $0x60;
	s28 =	simm.s32 $0x6100;
	[dreg:$0x5] =	wrdreg s24  }
0x7: {  	s29 =	simm.s32 $0xA0;
	s30 =	simm.s32 $0xA100;
	[dreg:$0x6] =	wrdreg s25  }
0x8: {  	s13 =	simm.s32 $0xC0;
	s14 =	simm.s32 $0xC100;
	[dreg:$0x7] =	wrdreg s26  }
0x9: {  	s15 =	simm.s32 $0xE0;
	s31 =	simm.s32 $0xE100;
	[dreg:$0x8] =	wrdreg s28  }
0xa: {  	s16 =	simm.s32 $0x2;
	s17 =	simm.s32 $0x3;
	[dreg:$0x9] =	wrdreg s29  }
0xb: {  	s18 =	simm.s32 $0x4;
	s19 =	simm.s32 $0x0;
	[dreg:$0xa] =	wrdreg s30  }
0xc: {  	s4 =	sshll.u32 s0, $0x1;
	s22 =	smul.u32 $0xC40, s0;
	[dreg:$0xb] =	wrdreg s13  }
0xd: {  	s5 =	sor.u32 s8, s4;
	s9 =	ssub.s32 $0x2, s8;
	[dreg:$0xc] =	wrdreg s14  }
0xe: {  	s12 =	smul.u32 $0x620, s8;
	s13 =	simm.s32 $0x80;
	[dreg:$0xd] =	wrdreg s15  }
0xf: {  	s14 =	simm.s32 $0x8100;
	[dreg:$0xe] =	wrdreg s31;
	s4 =	smul.u32 $0x620, s5  }
0x10: {  	s15 =	simm.s32 $0x1;
	s7 =	smul.u32 $0x62000, s5;
	s10 =	sshrl.u32 s9, $0x1  }
0x11: {  	s5 =	sadd.s32 $0x10200, s6;
	s6 =	sadd.s32 $0x85600, s6;
	s9 =	ssub.s32 s9, s10  }
0x12: {  	s10 =	sadd.s32 s12, s22;
	s12 =	simm.s32 $0x100;
	s11 =	sadd.s32 $0x80, s4  }
0x13: {  	s7 =	sshrl.u32 s7, $0x3;
	s8 =	smax.u32 s9, $0x1;
	s10 =	sshll.u32 s10, $0x5  }
0x14: {  	[dreg:$0x3] =	wrdreg s11;
	s7 =	sadd.s32 s6, s7;
	s9 =	sadd.s32 $0x1FFFF000, s10  }
0x15: {  	s10 =	simm.s32 $0x5;
	s11 =	simm.s32 $0x20;
	s7 =	sadd.s32 $0xB400, s7  }
.LBB2_1:
0x16: {  	p0 =	por $0x1, $0x1  }
0x17: {  	s20 =	smin.u32 s3, $0x5A0;
	s21 =	simm.s32 @!p0 $0x3  }
0x18: {  	s20 =	sadd.s32 s4, s20;
	_ =	swait.ge @!p0 [sflag:s21], $0x8000  }
0x19: {  	s22 =	sshrl.u32 s20, $0x3;
	[sflag:s21] =	ssyncset.done @!p0 $0x0  }
0x1a: {  	s26 =	sadd.s32 s2, s22;
	[sflag:s21] =	ssyncadd.s32 @!p0 $0xFFFF8000  }
0x1b: {  	[tilespmem:s3], [sflag:$0x5] =	stream.linear.gather [hbm4b:s26+s3], $0x80, $0x38;
	[tilespmem:$0x10100] =	vst v63  }
0x1c: {  	_ =	swait.ge [sflag:s10], $0x80  }
0x1d: {  	s28 =	rddreg [dreg:$0x5];
	[sflag:s10] =	ssyncset.done $0x0  }
0x1e: {  	s29 =	rddreg [dreg:$0x4];
	[sflag:s10] =	ssyncadd.s32 $0xFFFFFF80  }
0x1f: {  	[tilespmem:s12], [sflag:$0x1] =	stream.indirect.gather [hbm4b:s5+s11], $0x100, s3, s11, $0xb8;
	[tilespmem:$0x10100] =	vst v63  }
0x20: {  	s23 =	rddreg [dreg:$0x6]  }
0x21: {  	[tilespmem:s29], [sflag:$0x1] =	stream.indirect.gather [hbm4b:s5+s11], $0x100, s11, s11, $0xb8;
	[tilespmem:$0x10100] =	vst v63  }
0x22: {  	s24 =	rddreg [dreg:$0x8]  }
0x23: {  	[tilespmem:s23], [sflag:$0x1] =	stream.indirect.gather [hbm4b:s5+s11], $0x100, s28, s11, $0xb8;
	[tilespmem:$0x10100] =	vst v63  }
0x24: {  	s21 =	simm.s32 @!p0 $0x2;
	s30 =	rddreg [dreg:$0x7]  }
0x25: {  	[tilespmem:s24], [sflag:$0x1] =	stream.indirect.gather [hbm4b:s5+s11], $0x100, s30, s11, $0xb8;
	[tilespmem:$0x10100] =	vst v63  }
0x26: {  	_ =	swait.ge @!p0 [sflag:s21], $0x2000  }
0x27: {  	[sflag:s21] =	ssyncset.done @!p0 $0x0  }
0x28: {  	[sflag:s21] =	ssyncadd.s32 @!p0 $0xFFFFE000  }
0x29: {  	_ =	swait.ge @!p0 [sflag:s21], $0x2000  }
0x2a: {  	[sflag:s21] =	ssyncset.done @!p0 $0x0  }
0x2b: {  	[sflag:s21] =	ssyncadd.s32 @!p0 $0xFFFFE000  }
0x2c: {  	_ =	swait.ge @!p0 [sflag:s21], $0x2000  }
0x2d: {  	[sflag:s21] =	ssyncset.done @!p0 $0x0  }
0x2e: {  	[sflag:s21] =	ssyncadd.s32 @!p0 $0xFFFFE000  }
0x2f: {  	s22 =	sand.u32 @!p0 $0x1FFFFC00, s9;
	_ =	swait.ge @!p0 [sflag:s21], $0x2000  }
0x30: {  	s22 =	sadd.s32 @!p0 s6, s22;
	[sflag:s21] =	ssyncset.done @!p0 $0x0  }
0x31: {  	s24 =	simm.s32 @!p0 $0x8100;
	[sflag:s21] =	ssyncadd.s32 @!p0 $0xFFFFE000;
	s21 =	simm.s32 @!p0 $0x0  }
0x32: {  	[hbm4b:s22+s21] =	stream.linear.scatter @!p0 [tilespmem:s24], [sflag:$0x4], $0x8000, $0x38;
	[tilespmem:$0x10100] =	vst v63  }
0x33: {  	s23 =	simm.s32 @!p0 $0x4;
	s21 =	simm.s32 @!p0 $0x80  }
0x34: {  	_ =	swait.ge @!p0 [sflag:s23], $0x8000;
	s21 =	smin.u32 @!p0 s21, $0x5A0  }
0x35: {  	s22 =	rddreg [dreg:$0x3];
	s21 =	sadd.s32 @!p0 s4, s21  }
0x36: {  	s21 =	smov.u32 @p0 s22  }
0x37: {  	[sflag:s23] =	ssyncset.done @!p0 $0x0;
	s21 =	sshrl.u32 s21, $0x3  }
0x38: {  	[sflag:s23] =	ssyncadd.s32 @!p0 $0xFFFF8000;
	s21 =	sadd.s32 s2, s21  }
0x39: {  	[tilespmem:s13], [sflag:$0x5] =	stream.linear.gather [hbm4b:s21+s3], $0x80, $0x38;
	[tilespmem:$0x10100] =	vst v63  }
0x3a: {  	_ =	swait.ge [sflag:s10], $0x80  }
0x3b: {  	s31 =	rddreg [dreg:$0xd]  }
0x3c: {  	s26 =	rddreg [dreg:$0x9];
	[sflag:s10] =	ssyncset.done $0x0  }
0x3d: {  	s28 =	rddreg [dreg:$0xb];
	[sflag:s10] =	ssyncadd.s32 $0xFFFFFF80  }
0x3e: {  	[tilespmem:s14], [sflag:$0x2] =	stream.indirect.gather [hbm4b:s5+s11], $0x100, s13, s11, $0xb8;
	[tilespmem:$0x10100] =	vst v63  }
0x3f: {  	s29 =	rddreg [dreg:$0xa]  }
0x40: {  	[tilespmem:s29], [sflag:$0x2] =	stream.indirect.gather [hbm4b:s5+s11], $0x100, s26, s11, $0xb8;
	[tilespmem:$0x10100] =	vst v63  }
0x41: {  	s25 =	rddreg [dreg:$0xc]  }
0x42: {  	[tilespmem:s25], [sflag:$0x2] =	stream.indirect.gather [hbm4b:s5+s11], $0x100, s28, s11, $0xb8;
	[tilespmem:$0x10100] =	vst v63  }
0x43: {  	s30 =	rddreg [dreg:$0xe]  }
0x44: {  	[tilespmem:s30], [sflag:$0x2] =	stream.indirect.gather [hbm4b:s5+s11], $0x100, s31, s11, $0xb8;
	[tilespmem:$0x10100] =	vst v63  }
0x45: {  	_ =	swait.ge [sflag:s15], $0x2000  }
0x46: {  	[sflag:s15] =	ssyncset.done $0x0  }
0x47: {  	[sflag:s15] =	ssyncadd.s32 $0xFFFFE000  }
0x48: {  	_ =	swait.ge [sflag:s15], $0x2000  }
0x49: {  	[sflag:s15] =	ssyncset.done $0x0  }
0x4a: {  	[sflag:s15] =	ssyncadd.s32 $0xFFFFE000  }
0x4b: {  	_ =	swait.ge [sflag:s15], $0x2000  }
0x4c: {  	s21 =	smov.u32 s9;
	s31 =	sshll.u32 s20, $0x5;
	[sflag:s15] =	ssyncset.done $0x0  }
0x4d: {  	s20 =	simm.s32 $0x100;
	s22 =	sand.u32 $0x3FFC00, s31;
	[sflag:s15] =	ssyncadd.s32 $0xFFFFE000  }
.LBB2_2:
0x4e: {  	_ =	swait.ge [sflag:s15], $0x2000;
	s24 =	smov.u32 s20  }
0x4f: {  	s22 =	sadd.s32 s6, s22;
	p1 =	seq.s32 s24, $0x0;
	[sflag:s15] =	ssyncset.done $0x0  }
0x50: {  	s23 =	smin.u32 s24, $0x5A0;
	s25 =	simm.s32 @!p1 $0x3;
	[sflag:s15] =	ssyncadd.s32 $0xFFFFE000  }
0x51: {  	[hbm4b:s22+s3] =	stream.linear.scatter [tilespmem:s12], [sflag:$0x3], $0x8000, $0x38;
	[tilespmem:$0x10100] =	vst v63  }
0x52: {  	s28 =	sadd.s32 s4, s23;
	_ =	swait.ge @!p1 [sflag:s25], $0x8000  }
0x53: {  	s26 =	sshrl.u32 s28, $0x3;
	[sflag:s25] =	ssyncset.done @!p1 $0x0  }
0x54: {  	s29 =	sadd.s32 s2, s26;
	[sflag:s25] =	ssyncadd.s32 @!p1 $0xFFFF8000  }
0x55: {  	[tilespmem:s3], [sflag:$0x5] =	stream.linear.gather [hbm4b:s29+s3], $0x80, $0x38;
	[tilespmem:$0x10100] =	vst v63  }
0x56: {  	_ =	swait.ge [sflag:s10], $0x80  }
0x57: {  	[sflag:s10] =	ssyncset.done $0x0;
	s25 =	rddreg [dreg:$0x5]  }
0x58: {  	s30 =	rddreg [dreg:$0x4];
	[sflag:s10] =	ssyncadd.s32 $0xFFFFFF80  }
0x59: {  	[tilespmem:s12], [sflag:$0x1] =	stream.indirect.gather [hbm4b:s5+s11], $0x100, s3, s11, $0xb8;
	[tilespmem:$0x10100] =	vst v63  }
0x5a: {  	s22 =	sshll.u32 s28, $0x5;
	s28 =	rddreg [dreg:$0x6]  }
0x5b: {  	[tilespmem:s30], [sflag:$0x1] =	stream.indirect.gather [hbm4b:s5+s11], $0x100, s11, s11, $0xb8;
	[tilespmem:$0x10100] =	vst v63  }
0x5c: {  	s29 =	rddreg [dreg:$0x8]  }
0x5d: {  	[tilespmem:s28], [sflag:$0x1] =	stream.indirect.gather [hbm4b:s5+s11], $0x100, s25, s11, $0xb8;
	[tilespmem:$0x10100] =	vst v63  }
0x5e: {  	s31 =	rddreg [dreg:$0x7];
	s25 =	simm.s32 @!p1 $0x2  }
0x5f: {  	[tilespmem:s29], [sflag:$0x1] =	stream.indirect.gather [hbm4b:s5+s11], $0x100, s31, s11, $0xb8;
	[tilespmem:$0x10100] =	vst v63  }
0x60: {  	_ =	swait.ge @!p1 [sflag:s25], $0x2000  }
0x61: {  	[sflag:s25] =	ssyncset.done @!p1 $0x0  }
0x62: {  	[sflag:s25] =	ssyncadd.s32 @!p1 $0xFFFFE000  }
0x63: {  	_ =	swait.ge @!p1 [sflag:s25], $0x2000  }
0x64: {  	[sflag:s25] =	ssyncset.done @!p1 $0x0  }
0x65: {  	[sflag:s25] =	ssyncadd.s32 @!p1 $0xFFFFE000  }
0x66: {  	_ =	swait.ge @!p1 [sflag:s25], $0x2000  }
0x67: {  	[sflag:s25] =	ssyncset.done @!p1 $0x0  }
0x68: {  	s21 =	sadd.s32 $0x2000, s21;
	[sflag:s25] =	ssyncadd.s32 @!p1 $0xFFFFE000  }
0x69: {  	s23 =	sand.u32 @!p1 $0x1FFFFC00, s21;
	s24 =	sadd.s32 @!p1 $0x80, s24;
	_ =	swait.ge @!p1 [sflag:s25], $0x2000  }
0x6a: {  	s23 =	sadd.s32 @!p1 s6, s23;
	s26 =	simm.s32 @!p1 $0x4;
	[sflag:s25] =	ssyncset.done @!p1 $0x0  }
0x6b: {  	s28 =	simm.s32 @!p1 $0x8100;
	[sflag:s25] =	ssyncadd.s32 @!p1 $0xFFFFE000;
	s25 =	simm.s32 @!p1 $0x0  }
0x6c: {  	[hbm4b:s23+s25] =	stream.linear.scatter @!p1 [tilespmem:s28], [sflag:$0x4], $0x8000, $0x38;
	[tilespmem:$0x10100] =	vst v63  }
0x6d: {  	s24 =	smin.u32 @!p1 s24, $0x5A0;
	_ =	swait.ge @!p1 [sflag:s26], $0x8000  }
0x6e: {  	s24 =	sadd.s32 @!p1 s4, s24;
	s23 =	rddreg [dreg:$0x3]  }
0x6f: {  	s24 =	smov.u32 @p1 s23  }
0x70: {  	[sflag:s26] =	ssyncset.done @!p1 $0x0;
	s23 =	sshrl.u32 s24, $0x3  }
0x71: {  	[sflag:s26] =	ssyncadd.s32 @!p1 $0xFFFF8000;
	s23 =	sadd.s32 s2, s23  }
0x72: {  	[tilespmem:s13], [sflag:$0x5] =	stream.linear.gather [hbm4b:s23+s3], $0x80, $0x38;
	[tilespmem:$0x10100] =	vst v63  }
0x73: {  	_ =	swait.ge [sflag:s10], $0x80  }
0x74: {  	s23 =	rddreg [dreg:$0xd]  }
0x75: {  	[sflag:s10] =	ssyncset.done $0x0;
	s26 =	rddreg [dreg:$0x9]  }
0x76: {  	s25 =	rddreg [dreg:$0xb];
	[sflag:s10] =	ssyncadd.s32 $0xFFFFFF80  }
0x77: {  	[tilespmem:s14], [sflag:$0x2] =	stream.indirect.gather [hbm4b:s5+s11], $0x100, s13, s11, $0xb8;
	[tilespmem:$0x10100] =	vst v63  }
0x78: {  	s29 =	rddreg [dreg:$0xa]  }
0x79: {  	[tilespmem:s29], [sflag:$0x2] =	stream.indirect.gather [hbm4b:s5+s11], $0x100, s26, s11, $0xb8;
	[tilespmem:$0x10100] =	vst v63  }
0x7a: {  	s30 =	rddreg [dreg:$0xc]  }
0x7b: {  	[tilespmem:s30], [sflag:$0x2] =	stream.indirect.gather [hbm4b:s5+s11], $0x100, s25, s11, $0xb8;
	[tilespmem:$0x10100] =	vst v63  }
0x7c: {  	s31 =	rddreg [dreg:$0xe]  }
0x7d: {  	[tilespmem:s31], [sflag:$0x2] =	stream.indirect.gather [hbm4b:s5+s11], $0x100, s23, s11, $0xb8;
	[tilespmem:$0x10100] =	vst v63  }
0x7e: {  	_ =	swait.ge [sflag:s15], $0x2000  }
0x7f: {  	[sflag:s15] =	ssyncset.done $0x0  }
0x80: {  	s20 =	sadd.s32 $0x100, s20;
	[sflag:s15] =	ssyncadd.s32 $0xFFFFE000  }
0x81: {  	p0 =	sne.s32 s20, $0x700;
	_ =	swait.ge [sflag:s15], $0x2000  }
.Ltmp0:
0x82: {  	[sflag:s15] =	ssyncset.done $0x0;
	(pc) =	sbr.rel @p0 .LBB2_2-.Ltmp0, $4  }
0x83: {  	[sflag:s15] =	ssyncadd.s32 $0xFFFFE000  }
0x84: {  	_ =	swait.ge [sflag:s15], $0x2000  }
0x85: {  	[sflag:s15] =	ssyncset.done $0x0  }
0x86: {  	s22 =	sand.u32 $0x3FFC00, s22;
	[sflag:s15] =	ssyncadd.s32 $0xFFFFE000  }
0x87: {  	_ =	swait.ge [sflag:s15], $0x2000  }
0x88: {  	[sflag:s15] =	ssyncset.done $0x0  }
0x89: {  	s20 =	sadd.s32 s6, s22;
	[sflag:s15] =	ssyncadd.s32 $0xFFFFE000  }
0x8a: {  	[hbm4b:s20+s3] =	stream.linear.scatter [tilespmem:s12], [sflag:$0x3], $0x8000, $0x38;
	[tilespmem:$0x10100] =	vst v63  }
0x8b: {  	_ =	swait.ge [sflag:s16], $0x2000  }
0x8c: {  	[sflag:s16] =	ssyncset.done $0x0  }
0x8d: {  	[sflag:s16] =	ssyncadd.s32 $0xFFFFE000  }
0x8e: {  	_ =	swait.ge [sflag:s16], $0x2000  }
0x8f: {  	[sflag:s16] =	ssyncset.done $0x0  }
0x90: {  	[sflag:s16] =	ssyncadd.s32 $0xFFFFE000  }
0x91: {  	_ =	swait.ge [sflag:s16], $0x2000  }
0x92: {  	[sflag:s16] =	ssyncset.done $0x0  }
0x93: {  	[sflag:s16] =	ssyncadd.s32 $0xFFFFE000  }
0x94: {  	_ =	swait.ge [sflag:s16], $0x2000  }
0x95: {  	[sflag:s16] =	ssyncset.done $0x0  }
0x96: {  	s19 =	sadd.s32 $0x1, s19;
	[sflag:s16] =	ssyncadd.s32 $0xFFFFE000  }
0x97: {  	[hbm4b:s7+s3] =	stream.linear.scatter [tilespmem:s14], [sflag:$0x4], $0x8000, $0x38;
	[tilespmem:$0x10100] =	vst v63  }
0x98: {  	p0 =	sne.s32 s19, s8;
	_ =	swait.ge [sflag:s17], $0x8000  }
.Ltmp1:
0x99: {  	[sflag:s17] =	ssyncset.done $0x0;
	(pc) =	sbr.rel @p0 .LBB2_1-.Ltmp1, $4  }
0x9a: {  	[sflag:s17] =	ssyncadd.s32 $0xFFFF8000  }
0x9b: {  	_ =	swait.ge [sflag:s18], $0x8000  }
0x9c: {  	[sflag:s18] =	ssyncset.done $0x0  }
0x9d: {  	[sflag:s18] =	ssyncadd.s32 $0xFFFF8000  }
0x9e: {  	_ =	sfence.sel $0x180000  }
0x9f: {  	[bflag:$0x0] =	sbarrier.arrive $0xFFFF  }
0xa0: {  	p0 =	sne.s32 s0, $0x0;
	_ =	strace $0x90000053  }
0xa1: {  	s0 =	sadd.s32 @!p0 $0x100000, s1;
	[bflag:$0x2] =	sbarrier.arrive $0xFFFF  }
0xa2: {  	[sflag:s0] =	ssyncadd.tile.s32 @!p0 $0x1;
	_ =	shalt  }
.Lfunc_end2:
_tile_overlayer_lowered:
.L_overlay_start_2:
0xa3: {  	(tag) =	ssettag $0x2  }
0xa4: {  	s0 =	rddreg [dreg:$0x0];
	s2 =	stileid.u32  }
0xa5: {  	s1 =	rddreg [dreg:$0x1];
	p0 =	sne.s32 s2, $0x0  }
0xa6: {  	s3 =	rddreg [dreg:$0x2];
	[bflag:$0x3] =	sbarrier.arrive $0xFFFF;
	s2 =	simm.s32 @!p0 $0x1C05  }
0xa7: {  	[timem:s3], [sflag:s2] =	dma.local @!p0 [hbm:s0], s1  }
0xa8: {  	s0 =	simm.s32 @!p0 $0x5  }
0xa9: {  	_ =	swait.ge @!p0 [sflag:s0], s1  }
0xaa: {  	s1 =	ssub.s32 @!p0 $0x0, s1;
	[sflag:s0] =	ssyncset.done @!p0 $0x0  }
0xab: {  	[sflag:s0] =	ssyncadd.s32 @!p0 s1  }
0xac: {  	[bflag:$0x3] =	sbarrier.arrive $0xFFFF  }
0xad: {  	_ =	shalt  }

// kernel: kernel.6.cloned.1.call-start
scs
__scs_entry_jumppad:
0x0: {  	(pc) =	sbr.rel $0x88, $3  }
0x1: {  	(tag) =	ssettag $0x0;
	lr =	simm.s32 $0x1  }
0x2: {  	[smem:$0x3EED] =	sst lr;
	_ =	strace $0xD0000000  }
0x3: {  	_ = 	snop  }
0x4: {  	_ = 	snop  }
0x5: {  	_ = 	snop  }
0x6: {  	_ = 	snop  }
0x7: {  	_ = 	snop  }
__scs_overlays_trampoline_lowered:
0x8: {  	[smem:$0x3EFC] =	sst s0  }
0x9: {  	[smem:$0x3EFD] =	sst s1  }
0xa: {  	[smem:$0x3EFE] =	sst s2  }
0xb: {  	[smem:$0x3EFF] =	sst s3  }
0xc: {  	[smem:$0x3F00] =	sst s4  }
0xd: {  	[smem:$0x3F01] =	sst s5  }
0xe: {  	[smem:$0x3F02] =	sst s6  }
0xf: {  	[smem:$0x3F03] =	sst s7  }
0x10: {  	[smem:$0x3F04] =	sst s8  }
0x11: {  	[smem:$0x3F05] =	sst s9;
	s0 =	simm.s32 @!p0 $0x0  }
0x12: {  	s1 =	sld [smem:$0x3EEB];
	s0 =	simm.s32 @p0 $0x1  }
0x13: {  	[smem:$0x3F06] =	sst s0;
	s0 =	simm.s32 @!p1 $0x0  }
0x14: {  	s2 =	sld [smem:$0x3EEA];
	s0 =	simm.s32 @p1 $0x1  }
0x15: {  	[smem:$0x3F07] =	sst s0;
	s0 =	simm.s32 @!p2 $0x0  }
0x16: {  	s3 =	sld [smem:$0x3FDB];
	s0 =	simm.s32 @p2 $0x1  }
0x17: {  	s4 =	simm.s32 $0x1BF5;
	[smem:$0x3F09] =	sst s0  }
0x18: {  	s0 =	sld [smem:$0x3EEC];
	_ =	swait.ge [sflag:s4], $0x0  }
0x19: {  	s7 =	sld [smem:$0x3EED]  }
0x1a: {  	s8 =	sadd.s32 $0xFFFFE003, lr  }
0x1b: {  	s9 =	sadd.s32 $0xFFFFFEF7, lr;
	s5 =	simm.s32 $0xFFFFFFFF;
	p2 =	slt.u32 s8, $0xFFFFF086  }
0x1c: {  	p1 =	slt.u32 s9, $0xF7A;
	s5 =	simm.s32 @!p2 $0x0  }
0x1d: {  	s5 =	simm.s32 @p1 $0x1;
	p0 =	seq.s32 s7, s2  }
0x1e: {  	s7 =	smul.u32 @!p0 $0xF7A, s2;
	p2 =	seq.s32 @!p0 s5, $0x0  }
0x1f: {  	s9 =	smul.u32 $0xF7A, s1;
	s8 =	simm.s32 @!p0 $0x1BF5;
	p2 =	por !p2, p0  }
0x20: {  	[sflag:s8] =	ssyncset.s32 @!p0 $0xFFFFF086;
	s6 =	sadd.s32 @!p0 s3, s7;
	s7 =	simm.s32 @!p0 $0x108  }
0x21: {  	s3 =	sadd.s32 s3, s9;
	s6 =	sadd.s32 @!p0 $0x88, s6;
	s7 =	simm.s32 @p2 $0x1082  }
0x22: {  	[simem:s7], [sflag:s8] =	dma.local @!p0 [hbm:s6], $0xF7A  }
0x23: {  	s9 =	sor.u32 $0xD0000000, s2;
	s6 =	simm.s32 $0x108;
	_ =	swait.ge @!p0 [sflag:s8], $0x0  }
0x24: {  	s3 =	sadd.s32 $0x88, s3;
	s6 =	simm.s32 @!p1 $0x1082;
	[sflag:s4] =	ssyncset.s32 $0xFFFFF086  }
0x25: {  	[simem:s6], [sflag:s4] =	dma.local [hbm:s3], $0xF7A  }
0x26: {  	[smem:$0x3EED] =	sst s1;
	(tag) =	ssettag s2;
	_ =	strace s9  }
0x27: {  	s1 =	sld [smem:$0x3EFD]  }
0x28: {  	s2 =	sld [smem:$0x3EFE]  }
0x29: {  	s4 =	sld [smem:$0x3F00]  }
0x2a: {  	p0 =	seq.s32 s5, $0x0;
	s5 =	sld [smem:$0x3F01]  }
0x2b: {  	s6 =	sld [smem:$0x3F02]  }
0x2c: {  	s7 =	sld [smem:$0x3F03]  }
0x2d: {  	s3 =	simm.s32 $0x108;
	s8 =	sld [smem:$0x3F04]  }
0x2e: {  	s3 =	simm.s32 @!p0 $0x1082;
	s9 =	sld [smem:$0x3F05]  }
0x2f: {  	lr =	sadd.s32 s0, s3;
	s0 =	sld [smem:$0x3EFC]  }
0x30: {  	s3 =	sld [smem:$0x3EFF]  }
0x31: {  	[smem:$0x3F08] =	sst s10  }
0x32: {  	s10 =	sld [smem:$0x3F06];
	_ =	sdelay $0x3  }
0x33: {  	p0 =	seq.s32 s10, $0x1;
	s10 =	sld [smem:$0x3F08];
	_ =	sdelay $0x3  }
0x34: {  	[smem:$0x3F08] =	sst s10  }
0x35: {  	s10 =	sld [smem:$0x3F07];
	_ =	sdelay $0x3  }
0x36: {  	p1 =	seq.s32 s10, $0x1;
	s10 =	sld [smem:$0x3F08];
	_ =	sdelay $0x3  }
0x37: {  	[smem:$0x3F08] =	sst s10  }
0x38: {  	s10 =	sld [smem:$0x3F09]  }
0x39: {  	_ = 	snop;
	(pc) =	sbr.ind lr, $3  }
0x3a: {  	_ = 	snop  }
0x3b: {  	_ = 	snop  }
0x3c: {  	p2 =	seq.s32 s10, $0x1;
	s10 =	sld [smem:$0x3F08]  }
0x3d: {  	_ =	shalt  }
0x3e: {  	_ =	shalt  }
0x3f: {  	_ =	shalt  }
0x40: {  	_ =	shalt  }
0x41: {  	_ =	shalt  }
0x42: {  	_ =	shalt  }
0x43: {  	_ =	shalt  }
0x44: {  	_ =	shalt  }
0x45: {  	_ =	shalt  }
0x46: {  	_ =	shalt  }
0x47: {  	_ =	shalt  }
0x48: {  	_ =	shalt  }
0x49: {  	_ =	shalt  }
0x4a: {  	_ =	shalt  }
0x4b: {  	_ =	shalt  }
0x4c: {  	_ =	shalt  }
0x4d: {  	_ =	shalt  }
0x4e: {  	_ =	shalt  }
0x4f: {  	_ =	shalt  }
0x50: {  	_ =	shalt  }
0x51: {  	_ =	shalt  }
0x52: {  	_ =	shalt  }
0x53: {  	_ =	shalt  }
0x54: {  	_ =	shalt  }
0x55: {  	_ =	shalt  }
0x56: {  	_ =	shalt  }
0x57: {  	_ =	shalt  }
0x58: {  	_ =	shalt  }
0x59: {  	_ =	shalt  }
0x5a: {  	_ =	shalt  }
0x5b: {  	_ =	shalt  }
0x5c: {  	_ =	shalt  }
0x5d: {  	_ =	shalt  }
0x5e: {  	_ =	shalt  }
0x5f: {  	_ =	shalt  }
0x60: {  	_ =	shalt  }
0x61: {  	_ =	shalt  }
0x62: {  	_ =	shalt  }
0x63: {  	_ =	shalt  }
0x64: {  	_ =	shalt  }
0x65: {  	_ =	shalt  }
0x66: {  	_ =	shalt  }
0x67: {  	_ =	shalt  }
0x68: {  	_ =	shalt  }
0x69: {  	_ =	shalt  }
0x6a: {  	_ =	shalt  }
0x6b: {  	_ =	shalt  }
0x6c: {  	_ =	shalt  }
0x6d: {  	_ =	shalt  }
0x6e: {  	_ =	shalt  }
0x6f: {  	_ =	shalt  }
0x70: {  	_ =	shalt  }
0x71: {  	_ =	shalt  }
0x72: {  	_ =	shalt  }
0x73: {  	_ =	shalt  }
0x74: {  	_ =	shalt  }
0x75: {  	_ =	shalt  }
0x76: {  	_ =	shalt  }
0x77: {  	_ =	shalt  }
0x78: {  	_ =	shalt  }
0x79: {  	_ =	shalt  }
0x7a: {  	_ =	shalt  }
0x7b: {  	_ =	shalt  }
0x7c: {  	_ =	shalt  }
0x7d: {  	_ =	shalt  }
0x7e: {  	_ =	shalt  }
0x7f: {  	_ =	shalt  }
0x80: {  	_ =	shalt  }
0x81: {  	_ =	shalt  }
0x82: {  	_ =	shalt  }
0x83: {  	_ =	shalt  }
0x84: {  	_ =	shalt  }
0x85: {  	_ =	shalt  }
0x86: {  	_ =	shalt  }
0x87: {  	_ =	shalt  }
.Lfunc_end0:
.L_simem_size_0:
called_computation.1_lowered:
.L_overlay_start_0:
0x88: {  	s2 =	sld [smem:$0x3FD9]  }
0x89: {  	s3 =	sld [smem:$0x3FFE];
	_ =	sdelay $0x1  }
0x8a: {  	s1 =	srdreg.scid  }
0x8b: {  	s0 =	sand.u32 $0x1, s1  }
0x8c: {  	s17 =	sshll.u32 s0, $0xA;
	s2 =	sadd.s32 s3, s2  }
0x8d: {  	s2 =	sadd.s32 s2, s17  }
0x8e: {  	[smem:$0x3F14] =	sst s2  }
0x8f: {  	_ = 	snop  }
0x90: {  	s2 =	sld [smem:$0x3FD0];
	(tm) =	ssettm $0x1  }
0x91: {  	s18 =	sld [smem:$0x3FFB];
	_ =	sdelay $0x3  }
0x92: {  	_ =	strace s18  }
0x93: {  	s3 =	sld [smem:$0x3FFC];
	_ =	sdelay $0x3  }
0x94: {  	_ =	strace s3  }
0x95: {  	s3 =	sld [smem:$0x3FFD];
	_ =	sdelay $0x3  }
0x96: {  	_ =	strace s3  }
0x97: {  	_ =	strace $0x8FFFFFFF  }
0x98: {  	s19 =	sld [smem:$0x3FDB];
	_ =	sdelay $0x1  }
0x99: {  	s4 =	simm.s32 $_scs_section_size  }
0x9a: {  	s5 =	simm.s32 $_size__tile_overlayer_lowered;
	s6 =	simm.s32 $_tile_overlayer_lowered  }
0x9b: {  	s22 =	simm.s32 $0x1BFF;
	s21 =	sshll.u32 s6, $0x1;
	s3 =	sadd.s32 s4, s19  }
0x9c: {  	s7 =	simm.s32 $0x0;
	s20 =	sshll.u32 s5, $0x1;
	s5 =	sadd.s32 s21, s3  }
0x9d: {  	[timem:s7], [sflag:s22] =	dma.local [hbm:s5], s20  }
0x9e: {  	_ =	swait.ge [sflag:s22], s20  }
0x9f: {  	s4 =	ssub.s32 $0x0, s20;
	[sflag:s22] =	ssyncset.done $0x0  }
0xa0: {  	[sflag:s22] =	ssyncadd.s32 s4;
	_ =	sdelay $0x1  }
0xa1: {  	s23 =	simm.s32 $0x1B8B  }
0xa2: {  	_ =	swait.ge [sflag:s23], $0x1  }
0xa3: {  	[sflag:s23] =	ssyncset.done $0x0  }
0xa4: {  	s25 =	simm.s32 $0x1B8E;
	s24 =	sld [smem:$0x3FFE];
	[sflag:s23] =	ssyncadd.s32 $0xFFFFFFFF  }
0xa5: {  	s26 =	simm.s32 $execute0_lowered;
	[smem:$0x3FD2] =	sst s25  }
0xa6: {  	s5 =	sshll.u32 s26, $0x1;
	_ =	strace $0x80000049;
	[dreg:$0x1] =	wrdreg $0xFFFFFFFF  }
0xa7: {  	s28 =	simm.s32 $_size_execute0_lowered;
	s3 =	sadd.s32 s3, s5;
	[dreg:$0x0] =	wrdreg $0x0  }
0xa8: {  	s5 =	sshll.u32 s28, $0x1;
	[dreg:$0x2] =	wrdreg s3  }
0xa9: {  	[dreg:$0x3] =	wrdreg s5  }
0xaa: {  	[dreg:$0x4] =	wrdreg $0xC0  }
0xab: {  	_ =	task [dreg:s7], $0x5FFFF  }
0xac: {  	[dreg:$0x1] =	wrdreg $0xFFFFFFFF  }
0xad: {  	[dreg:$0x0] =	wrdreg $0x60  }
0xae: {  	[dreg:$0x2] =	wrdreg s2  }
0xaf: {  	[dreg:$0x3] =	wrdreg s24  }
0xb0: {  	[dreg:$0x4] =	wrdreg $0x9  }
0xb1: {  	_ =	task.clear_ibuf [dreg:s7], $0x5FFFF;
	_ =	strace $0x90000049  }
0xb2: {  	s29 =	simm.s32 $0x9;
	_ =	strace $0x8000004B  }
0xb3: {  	_ =	swait.ge [sflag:s29], $0x1  }
0xb4: {  	[sflag:s29] =	ssyncadd.s32 $0xFFFFFFFF  }
0xb5: {  	_ =	strace $0x9000004B  }
0xb6: {  	_ =	sfence  }
0xb7: {  	s30 =	sld [smem:$0x0];
	_ =	sdelay $0x2  }
0xb8: {  	s31 =	sshll.u32 s1, $0xD;
	s1 =	sshrl.u32 s1, $0x2  }
0xb9: {  	s3 =	sand.u32 $0x4000, s31;
	s1 =	sadd.s32 s1, s30  }
0xba: {  	s0 =	sor.u32 s3, s0;
	s1 =	sshll.u32 s1, $0x11  }
0xbb: {  	s0 =	sor.u32 s1, s0  }
0xbc: {  	s0 =	sadd.s32 $0x8F2B, s0  }
0xbd: {  	[sflag:s0] =	ssyncadd.remote.s32 $0x1  }
0xbe: {  	_ =	sfence.sel $0xFFFF  }
0xbf: {  	[dreg:$0x0] =	wrdreg $0xFFFFFFFF;
	(pc) =	sbr.abs _section_cstart, $3  }
0xc0: {  	[dreg:$0x1] =	wrdreg $0xFFFFFFFF  }
0xc1: {  	_ =	task.clear_ibuf [dreg:s7], $0x2FFFF;
	_ =	strace $0x9FFFFFFF  }
0xc2: {  	(tm) =	ssettm $0x7FFFFFFF  }
0xc3: {  	_ =	shalt  }
tec
execute0_lowered:
.L_overlay_start_1:
0x0: {  	(tag) =	ssettag $0x1  }
0x1: {  	s1 =	srdreg.scid  }
0x2: {  	s0 =	stileid.u32;
	s6 =	sand.u32 $0x1, s1  }
0x3: {  	s2 =	rddreg [dreg:$0x0];
	s30 =	sshll.u32 s0, $0x5;
	s3 =	sshll.u32 s6, $0x4  }
0x4: {  	s8 =	rddreg [dreg:$0x1];
	s7 =	simm.s32 $0x1;
	s9 =	sor.u32 s3, s30  }
0x5: {  	s1 =	rddreg [dreg:$0x2];
	s3 =	simm.s32 $0x0;
	s4 =	sshrl.u32 s9, $0x3  }
0x6: {  	s10 =	ssub.s32 $0x2, s6;
	[smem:$0x7FF] =	sst s3;
	s4 =	sadd.s32 s4, s8  }
0x7: {  	_ =	strace $0x8000004A;
	s5 =	sadd.s32 $0xAEC00, s4;
	s4 =	simm.s32 $0x2  }
0x8: {  	[tilespmem:s3], [sflag:$0x2] =	stream.linear.gather [hbm4b:s5+s3], $0x10, $0x38;
	[tilespmem:$0x8010] =	vst v63  }
0x9: {  	s6 =	simm.s32 $0x10;
	s11 =	sshrl.u32 s10, $0x1;
	_ =	swait.ge [sflag:s4], $0x10  }
0xa: {  	s9 =	sshll.u32 s9, $0x8;
	s31 =	ssub.s32 s10, s11;
	[sflag:s4] =	ssyncset.done $0x0  }
0xb: {  	s8 =	sadd.s32 s9, s8;
	s9 =	smax.u32 s31, $0x1;
	[sflag:s4] =	ssyncadd.s32 $0xFFFFFFF0  }
0xc: {  	[tilespmem:s6], [sflag:$0x1] =	stream.indirect.gather [hbm4b:s2+s6], $0x800, s3, s6, $0xb8;
	[tilespmem:$0x8010] =	vst v63  }
0xd: {  	p0 =	sne.s32 s9, $0x1;
	_ =	swait.ge [sflag:s7], $0x8000  }
.Ltmp0:
0xe: {  	[sflag:s7] =	ssyncset.done $0x0;
	(pc) =	sbr.rel @!p0 .LBB2_2-.Ltmp0, $4  }
0xf: {  	s8 =	sadd.s32 $0x32800, s8;
	[sflag:s7] =	ssyncadd.s32 $0xFFFF8000  }
0x10: {  	[hbm4b:s8+s3] =	stream.linear.scatter [tilespmem:s6], [sflag:$0x2], $0x8000, $0x38;
	[tilespmem:$0x8010] =	vst v63  }
0x11: {  	_ =	swait.ge [sflag:s4], $0x8000  }
0x12: {  	s9 =	sadd.s32 $0xFFFFFFFF, s9;
	[sflag:s4] =	ssyncset.done $0x0  }
.LBB2_1:
0x13: {  	p0 =	sne.s32 s9, $0x1;
	s9 =	sadd.s32 $0xFFFFFFFF, s9;
	[sflag:s4] =	ssyncadd.s32 $0xFFFF8000  }
0x14: {  	[tilespmem:s3], [sflag:$0x2] =	stream.linear.gather [hbm4b:s5+s3], $0x10, $0x38;
	[tilespmem:$0x8010] =	vst v63  }
0x15: {  	_ =	swait.ge [sflag:s4], $0x10  }
0x16: {  	[sflag:s4] =	ssyncset.done $0x0  }
0x17: {  	[sflag:s4] =	ssyncadd.s32 $0xFFFFFFF0  }
0x18: {  	[tilespmem:s6], [sflag:$0x1] =	stream.indirect.gather [hbm4b:s2+s6], $0x800, s3, s6, $0xb8;
	[tilespmem:$0x8010] =	vst v63  }
0x19: {  	_ =	swait.ge [sflag:s7], $0x8000  }
.Ltmp1:
0x1a: {  	[sflag:s7] =	ssyncset.done $0x0;
	(pc) =	sbr.rel @p0 .LBB2_1-.Ltmp1, $4  }
0x1b: {  	[sflag:s7] =	ssyncadd.s32 $0xFFFF8000  }
0x1c: {  	[hbm4b:s8+s3] =	stream.linear.scatter [tilespmem:s6], [sflag:$0x2], $0x8000, $0x38;
	[tilespmem:$0x8010] =	vst v63  }
0x1d: {  	_ =	swait.ge [sflag:s4], $0x8000  }
0x1e: {  	[sflag:s4] =	ssyncset.done $0x0  }
.LBB2_2:
0x1f: {  	[sflag:s4] =	ssyncadd.s32 $0xFFFF8000  }
0x20: {  	_ =	sfence.sel $0x180000  }
0x21: {  	[bflag:$0x0] =	sbarrier.arrive $0xFFFF  }
0x22: {  	p0 =	sne.s32 s0, $0x0;
	_ =	strace $0x9000004A  }
0x23: {  	s0 =	sadd.s32 @!p0 $0x100000, s1;
	[bflag:$0x2] =	sbarrier.arrive $0xFFFF  }
0x24: {  	[sflag:s0] =	ssyncadd.tile.s32 @!p0 $0x1;
	_ =	shalt  }
.Lfunc_end2:
_tile_overlayer_lowered:
.L_overlay_start_2:
0x25: {  	(tag) =	ssettag $0x2  }
0x26: {  	s0 =	rddreg [dreg:$0x0];
	s2 =	stileid.u32  }
0x27: {  	s1 =	rddreg [dreg:$0x1];
	p0 =	sne.s32 s2, $0x0  }
0x28: {  	s3 =	rddreg [dreg:$0x2];
	[bflag:$0x3] =	sbarrier.arrive $0xFFFF;
	s2 =	simm.s32 @!p0 $0x1C02  }
0x29: {  	[timem:s3], [sflag:s2] =	dma.local @!p0 [hbm:s0], s1  }
0x2a: {  	s0 =	simm.s32 @!p0 $0x2  }
0x2b: {  	_ =	swait.ge @!p0 [sflag:s0], s1  }
0x2c: {  	s1 =	ssub.s32 @!p0 $0x0, s1;
	[sflag:s0] =	ssyncset.done @!p0 $0x0  }
0x2d: {  	[sflag:s0] =	ssyncadd.s32 @!p0 s1  }
0x2e: {  	[bflag:$0x3] =	sbarrier.arrive $0xFFFF  }
0x2f: {  	_ =	shalt  }

// kernel: kernel.9.cloned.1.call-start
scs
__scs_entry_jumppad:
0x0: {  	(pc) =	sbr.rel $0x88, $3  }
0x1: {  	(tag) =	ssettag $0x0;
	lr =	simm.s32 $0x1  }
0x2: {  	[smem:$0x3EED] =	sst lr;
	_ =	strace $0xD0000000  }
0x3: {  	_ = 	snop  }
0x4: {  	_ = 	snop  }
0x5: {  	_ = 	snop  }
0x6: {  	_ = 	snop  }
0x7: {  	_ = 	snop  }
__scs_overlays_trampoline_lowered:
0x8: {  	[smem:$0x3EFC] =	sst s0  }
0x9: {  	[smem:$0x3EFD] =	sst s1  }
0xa: {  	[smem:$0x3EFE] =	sst s2  }
0xb: {  	[smem:$0x3EFF] =	sst s3  }
0xc: {  	[smem:$0x3F00] =	sst s4  }
0xd: {  	[smem:$0x3F01] =	sst s5  }
0xe: {  	[smem:$0x3F02] =	sst s6  }
0xf: {  	[smem:$0x3F03] =	sst s7  }
0x10: {  	[smem:$0x3F04] =	sst s8  }
0x11: {  	[smem:$0x3F05] =	sst s9;
	s0 =	simm.s32 @!p0 $0x0  }
0x12: {  	s1 =	sld [smem:$0x3EEB];
	s0 =	simm.s32 @p0 $0x1  }
0x13: {  	[smem:$0x3F06] =	sst s0;
	s0 =	simm.s32 @!p1 $0x0  }
0x14: {  	s2 =	sld [smem:$0x3EEA];
	s0 =	simm.s32 @p1 $0x1  }
0x15: {  	[smem:$0x3F07] =	sst s0;
	s0 =	simm.s32 @!p2 $0x0  }
0x16: {  	s3 =	sld [smem:$0x3FDB];
	s0 =	simm.s32 @p2 $0x1  }
0x17: {  	s4 =	simm.s32 $0x1BF5;
	[smem:$0x3F09] =	sst s0  }
0x18: {  	s0 =	sld [smem:$0x3EEC];
	_ =	swait.ge [sflag:s4], $0x0  }
0x19: {  	s7 =	sld [smem:$0x3EED]  }
0x1a: {  	s8 =	sadd.s32 $0xFFFFE003, lr  }
0x1b: {  	s9 =	sadd.s32 $0xFFFFFEF7, lr;
	s5 =	simm.s32 $0xFFFFFFFF;
	p2 =	slt.u32 s8, $0xFFFFF086  }
0x1c: {  	p1 =	slt.u32 s9, $0xF7A;
	s5 =	simm.s32 @!p2 $0x0  }
0x1d: {  	s5 =	simm.s32 @p1 $0x1;
	p0 =	seq.s32 s7, s2  }
0x1e: {  	s7 =	smul.u32 @!p0 $0xF7A, s2;
	p2 =	seq.s32 @!p0 s5, $0x0  }
0x1f: {  	s9 =	smul.u32 $0xF7A, s1;
	s8 =	simm.s32 @!p0 $0x1BF5;
	p2 =	por !p2, p0  }
0x20: {  	[sflag:s8] =	ssyncset.s32 @!p0 $0xFFFFF086;
	s6 =	sadd.s32 @!p0 s3, s7;
	s7 =	simm.s32 @!p0 $0x108  }
0x21: {  	s3 =	sadd.s32 s3, s9;
	s6 =	sadd.s32 @!p0 $0x88, s6;
	s7 =	simm.s32 @p2 $0x1082  }
0x22: {  	[simem:s7], [sflag:s8] =	dma.local @!p0 [hbm:s6], $0xF7A  }
0x23: {  	s9 =	sor.u32 $0xD0000000, s2;
	s6 =	simm.s32 $0x108;
	_ =	swait.ge @!p0 [sflag:s8], $0x0  }
0x24: {  	s3 =	sadd.s32 $0x88, s3;
	s6 =	simm.s32 @!p1 $0x1082;
	[sflag:s4] =	ssyncset.s32 $0xFFFFF086  }
0x25: {  	[simem:s6], [sflag:s4] =	dma.local [hbm:s3], $0xF7A  }
0x26: {  	[smem:$0x3EED] =	sst s1;
	(tag) =	ssettag s2;
	_ =	strace s9  }
0x27: {  	s1 =	sld [smem:$0x3EFD]  }
0x28: {  	s2 =	sld [smem:$0x3EFE]  }
0x29: {  	s4 =	sld [smem:$0x3F00]  }
0x2a: {  	p0 =	seq.s32 s5, $0x0;
	s5 =	sld [smem:$0x3F01]  }
0x2b: {  	s6 =	sld [smem:$0x3F02]  }
0x2c: {  	s7 =	sld [smem:$0x3F03]  }
0x2d: {  	s3 =	simm.s32 $0x108;
	s8 =	sld [smem:$0x3F04]  }
0x2e: {  	s3 =	simm.s32 @!p0 $0x1082;
	s9 =	sld [smem:$0x3F05]  }
0x2f: {  	lr =	sadd.s32 s0, s3;
	s0 =	sld [smem:$0x3EFC]  }
0x30: {  	s3 =	sld [smem:$0x3EFF]  }
0x31: {  	[smem:$0x3F08] =	sst s10  }
0x32: {  	s10 =	sld [smem:$0x3F06];
	_ =	sdelay $0x3  }
0x33: {  	p0 =	seq.s32 s10, $0x1;
	s10 =	sld [smem:$0x3F08];
	_ =	sdelay $0x3  }
0x34: {  	[smem:$0x3F08] =	sst s10  }
0x35: {  	s10 =	sld [smem:$0x3F07];
	_ =	sdelay $0x3  }
0x36: {  	p1 =	seq.s32 s10, $0x1;
	s10 =	sld [smem:$0x3F08];
	_ =	sdelay $0x3  }
0x37: {  	[smem:$0x3F08] =	sst s10  }
0x38: {  	s10 =	sld [smem:$0x3F09]  }
0x39: {  	_ = 	snop;
	(pc) =	sbr.ind lr, $3  }
0x3a: {  	_ = 	snop  }
0x3b: {  	_ = 	snop  }
0x3c: {  	p2 =	seq.s32 s10, $0x1;
	s10 =	sld [smem:$0x3F08]  }
0x3d: {  	_ =	shalt  }
0x3e: {  	_ =	shalt  }
0x3f: {  	_ =	shalt  }
0x40: {  	_ =	shalt  }
0x41: {  	_ =	shalt  }
0x42: {  	_ =	shalt  }
0x43: {  	_ =	shalt  }
0x44: {  	_ =	shalt  }
0x45: {  	_ =	shalt  }
0x46: {  	_ =	shalt  }
0x47: {  	_ =	shalt  }
0x48: {  	_ =	shalt  }
0x49: {  	_ =	shalt  }
0x4a: {  	_ =	shalt  }
0x4b: {  	_ =	shalt  }
0x4c: {  	_ =	shalt  }
0x4d: {  	_ =	shalt  }
0x4e: {  	_ =	shalt  }
0x4f: {  	_ =	shalt  }
0x50: {  	_ =	shalt  }
0x51: {  	_ =	shalt  }
0x52: {  	_ =	shalt  }
0x53: {  	_ =	shalt  }
0x54: {  	_ =	shalt  }
0x55: {  	_ =	shalt  }
0x56: {  	_ =	shalt  }
0x57: {  	_ =	shalt  }
0x58: {  	_ =	shalt  }
0x59: {  	_ =	shalt  }
0x5a: {  	_ =	shalt  }
0x5b: {  	_ =	shalt  }
0x5c: {  	_ =	shalt  }
0x5d: {  	_ =	shalt  }
0x5e: {  	_ =	shalt  }
0x5f: {  	_ =	shalt  }
0x60: {  	_ =	shalt  }
0x61: {  	_ =	shalt  }
0x62: {  	_ =	shalt  }
0x63: {  	_ =	shalt  }
0x64: {  	_ =	shalt  }
0x65: {  	_ =	shalt  }
0x66: {  	_ =	shalt  }
0x67: {  	_ =	shalt  }
0x68: {  	_ =	shalt  }
0x69: {  	_ =	shalt  }
0x6a: {  	_ =	shalt  }
0x6b: {  	_ =	shalt  }
0x6c: {  	_ =	shalt  }
0x6d: {  	_ =	shalt  }
0x6e: {  	_ =	shalt  }
0x6f: {  	_ =	shalt  }
0x70: {  	_ =	shalt  }
0x71: {  	_ =	shalt  }
0x72: {  	_ =	shalt  }
0x73: {  	_ =	shalt  }
0x74: {  	_ =	shalt  }
0x75: {  	_ =	shalt  }
0x76: {  	_ =	shalt  }
0x77: {  	_ =	shalt  }
0x78: {  	_ =	shalt  }
0x79: {  	_ =	shalt  }
0x7a: {  	_ =	shalt  }
0x7b: {  	_ =	shalt  }
0x7c: {  	_ =	shalt  }
0x7d: {  	_ =	shalt  }
0x7e: {  	_ =	shalt  }
0x7f: {  	_ =	shalt  }
0x80: {  	_ =	shalt  }
0x81: {  	_ =	shalt  }
0x82: {  	_ =	shalt  }
0x83: {  	_ =	shalt  }
0x84: {  	_ =	shalt  }
0x85: {  	_ =	shalt  }
0x86: {  	_ =	shalt  }
0x87: {  	_ =	shalt  }
.Lfunc_end0:
.L_simem_size_0:
called_computation.2_lowered:
.L_overlay_start_0:
0x88: {  	s2 =	sld [smem:$0x3FD9]  }
0x89: {  	s3 =	sld [smem:$0x3FFE];
	_ =	sdelay $0x1  }
0x8a: {  	s1 =	srdreg.scid  }
0x8b: {  	s0 =	sand.u32 $0x1, s1  }
0x8c: {  	s17 =	sshll.u32 s0, $0xA;
	s2 =	sadd.s32 s3, s2  }
0x8d: {  	s2 =	sadd.s32 s2, s17  }
0x8e: {  	[smem:$0x3F14] =	sst s2  }
0x8f: {  	_ = 	snop  }
0x90: {  	s2 =	sld [smem:$0x3FD0];
	(tm) =	ssettm $0x1  }
0x91: {  	s18 =	sld [smem:$0x3FFB];
	_ =	sdelay $0x3  }
0x92: {  	_ =	strace s18  }
0x93: {  	s3 =	sld [smem:$0x3FFC];
	_ =	sdelay $0x3  }
0x94: {  	_ =	strace s3  }
0x95: {  	s3 =	sld [smem:$0x3FFD];
	_ =	sdelay $0x3  }
0x96: {  	_ =	strace s3  }
0x97: {  	_ =	strace $0x8FFFFFFF  }
0x98: {  	s19 =	sld [smem:$0x3FDB];
	_ =	sdelay $0x1  }
0x99: {  	s4 =	simm.s32 $_scs_section_size  }
0x9a: {  	s5 =	simm.s32 $_size__tile_overlayer_lowered;
	s6 =	simm.s32 $_tile_overlayer_lowered  }
0x9b: {  	s22 =	simm.s32 $0x1BFF;
	s21 =	sshll.u32 s6, $0x1;
	s3 =	sadd.s32 s4, s19  }
0x9c: {  	s7 =	simm.s32 $0x0;
	s20 =	sshll.u32 s5, $0x1;
	s5 =	sadd.s32 s21, s3  }
0x9d: {  	[timem:s7], [sflag:s22] =	dma.local [hbm:s5], s20  }
0x9e: {  	_ =	swait.ge [sflag:s22], s20  }
0x9f: {  	s4 =	ssub.s32 $0x0, s20;
	[sflag:s22] =	ssyncset.done $0x0  }
0xa0: {  	[sflag:s22] =	ssyncadd.s32 s4;
	_ =	sdelay $0x1  }
0xa1: {  	s23 =	simm.s32 $0x1B8B  }
0xa2: {  	_ =	swait.ge [sflag:s23], $0x1  }
0xa3: {  	[sflag:s23] =	ssyncset.done $0x0  }
0xa4: {  	s25 =	simm.s32 $0x1B8E;
	s24 =	sld [smem:$0x3FFE];
	[sflag:s23] =	ssyncadd.s32 $0xFFFFFFFF  }
0xa5: {  	s26 =	simm.s32 $execute0_lowered;
	[smem:$0x3FD2] =	sst s25  }
0xa6: {  	s5 =	sshll.u32 s26, $0x1;
	_ =	strace $0x8000004C;
	[dreg:$0x1] =	wrdreg $0xFFFFFFFF  }
0xa7: {  	s28 =	simm.s32 $_size_execute0_lowered;
	s3 =	sadd.s32 s3, s5;
	[dreg:$0x0] =	wrdreg $0x0  }
0xa8: {  	s5 =	sshll.u32 s28, $0x1;
	[dreg:$0x2] =	wrdreg s3  }
0xa9: {  	[dreg:$0x3] =	wrdreg s5  }
0xaa: {  	[dreg:$0x4] =	wrdreg $0xC0  }
0xab: {  	_ =	task [dreg:s7], $0x5FFFF  }
0xac: {  	[dreg:$0x1] =	wrdreg $0xFFFFFFFF  }
0xad: {  	[dreg:$0x0] =	wrdreg $0x60  }
0xae: {  	[dreg:$0x2] =	wrdreg s2  }
0xaf: {  	[dreg:$0x3] =	wrdreg s24  }
0xb0: {  	[dreg:$0x4] =	wrdreg $0x9  }
0xb1: {  	_ =	task.clear_ibuf [dreg:s7], $0x5FFFF;
	_ =	strace $0x9000004C  }
0xb2: {  	s29 =	simm.s32 $0x9;
	_ =	strace $0x8000004E  }
0xb3: {  	_ =	swait.ge [sflag:s29], $0x1  }
0xb4: {  	[sflag:s29] =	ssyncadd.s32 $0xFFFFFFFF  }
0xb5: {  	_ =	strace $0x9000004E  }
0xb6: {  	_ =	sfence  }
0xb7: {  	s30 =	sld [smem:$0x0];
	_ =	sdelay $0x2  }
0xb8: {  	s31 =	sshll.u32 s1, $0xD;
	s1 =	sshrl.u32 s1, $0x2  }
0xb9: {  	s3 =	sand.u32 $0x4000, s31;
	s1 =	sadd.s32 s1, s30  }
0xba: {  	s0 =	sor.u32 s3, s0;
	s1 =	sshll.u32 s1, $0x11  }
0xbb: {  	s0 =	sor.u32 s1, s0  }
0xbc: {  	s0 =	sadd.s32 $0x8F2B, s0  }
0xbd: {  	[sflag:s0] =	ssyncadd.remote.s32 $0x1  }
0xbe: {  	_ =	sfence.sel $0xFFFF  }
0xbf: {  	[dreg:$0x0] =	wrdreg $0xFFFFFFFF;
	(pc) =	sbr.abs _section_cstart, $3  }
0xc0: {  	[dreg:$0x1] =	wrdreg $0xFFFFFFFF  }
0xc1: {  	_ =	task.clear_ibuf [dreg:s7], $0x2FFFF;
	_ =	strace $0x9FFFFFFF  }
0xc2: {  	(tm) =	ssettm $0x7FFFFFFF  }
0xc3: {  	_ =	shalt  }
tec
execute0_lowered:
.L_overlay_start_1:
0x0: {  	(tag) =	ssettag $0x1  }
0x1: {  	s1 =	srdreg.scid;
	s0 =	stileid.u32  }
0x2: {  	s18 =	sand.u32 $0x1, s1;
	s28 =	sshll.u32 s0, $0x1  }
0x3: {  	s17 =	sor.u32 s18, s28  }
0x4: {  	s2 =	rddreg [dreg:$0x0];
	s13 =	smul.u32 $0x48, s17  }
0x5: {  	s11 =	rddreg [dreg:$0x1];
	s3 =	simm.s32 $0x0;
	s5 =	simm.s32 $0x5  }
0x6: {  	[smem:$0x7FF] =	sst s3;
	s14 =	sadd.s32 $0x52800, s11;
	s4 =	sshrl.u32 s13, $0x3  }
0x7: {  	s1 =	rddreg [dreg:$0x2];
	_ =	strace $0x8000004D;
	s4 =	sadd.s32 s14, s4  }
0x8: {  	[tilespmem:s3], [sflag:$0x5] =	stream.linear.gather [hbm4b:s4+s3], $0x20, $0x38;
	[tilespmem:$0x10040] =	vst v63  }
0x9: {  	_ =	swait.ge [sflag:s5], $0x20  }
0xa: {  	s6 =	simm.s32 $0x20;
	s15 =	sadd.s32 $0x20, s13;
	[sflag:s5] =	ssyncset.done $0x0  }
0xb: {  	s7 =	simm.s32 $0x40;
	s8 =	sshrl.u32 s15, $0x3;
	[sflag:s5] =	ssyncadd.s32 $0xFFFFFFE0  }
0xc: {  	[tilespmem:s7], [sflag:$0x1] =	stream.indirect.gather [hbm4b:s2+s6], $0x400, s3, s6, $0xb8;
	[tilespmem:$0x10040] =	vst v63  }
0xd: {  	s8 =	sadd.s32 s14, s8  }
0xe: {  	[tilespmem:s6], [sflag:$0x5] =	stream.linear.gather [hbm4b:s8+s3], $0x20, $0x38;
	[tilespmem:$0x10040] =	vst v63  }
0xf: {  	_ =	swait.ge [sflag:s5], $0x20  }
0x10: {  	[sflag:s5] =	ssyncset.done $0x0  }
0x11: {  	s9 =	simm.s32 $0x8040;
	s10 =	simm.s32 $0x1;
	[sflag:s5] =	ssyncadd.s32 $0xFFFFFFE0  }
0x12: {  	[tilespmem:s9], [sflag:$0x2] =	stream.indirect.gather [hbm4b:s2+s6], $0x400, s6, s6, $0xb8;
	[tilespmem:$0x10040] =	vst v63  }
0x13: {  	s12 =	smul.u32 $0x2400, s17;
	_ =	swait.ge [sflag:s10], $0x8000  }
0x14: {  	s19 =	sadd.s32 $0x52A00, s11;
	[sflag:s10] =	ssyncset.done $0x0  }
0x15: {  	s11 =	sadd.s32 s19, s12;
	s12 =	simm.s32 $0x3;
	[sflag:s10] =	ssyncadd.s32 $0xFFFF8000  }
0x16: {  	[hbm4b:s11+s3] =	stream.linear.scatter [tilespmem:s7], [sflag:$0x3], $0x8000, $0x38;
	[tilespmem:$0x10040] =	vst v63  }
0x17: {  	s20 =	sadd.s32 $0x28, s13;
	_ =	swait.ge [sflag:s12], $0x8000  }
0x18: {  	s13 =	sshrl.u32 s20, $0x3;
	[sflag:s12] =	ssyncset.done $0x0  }
0x19: {  	s13 =	sadd.s32 s14, s13;
	[sflag:s12] =	ssyncadd.s32 $0xFFFF8000  }
0x1a: {  	[tilespmem:s3], [sflag:$0x5] =	stream.linear.gather [hbm4b:s13+s3], $0x20, $0x38;
	[tilespmem:$0x10040] =	vst v63  }
0x1b: {  	_ =	swait.ge [sflag:s5], $0x20  }
0x1c: {  	[sflag:s5] =	ssyncset.done $0x0  }
0x1d: {  	s14 =	simm.s32 $0x2;
	[sflag:s5] =	ssyncadd.s32 $0xFFFFFFE0  }
0x1e: {  	[tilespmem:s7], [sflag:$0x1] =	stream.indirect.gather [hbm4b:s2+s6], $0x400, s3, s6, $0xb8;
	[tilespmem:$0x10040] =	vst v63  }
0x1f: {  	_ =	swait.ge [sflag:s14], $0x8000  }
0x20: {  	s15 =	sshll.u32 s15, $0x7;
	[sflag:s14] =	ssyncset.done $0x0  }
0x21: {  	s16 =	sadd.s32 s19, s15;
	s15 =	simm.s32 $0x4;
	[sflag:s14] =	ssyncadd.s32 $0xFFFF8000  }
0x22: {  	[hbm4b:s16+s3] =	stream.linear.scatter [tilespmem:s9], [sflag:$0x4], $0x8000, $0x38;
	[tilespmem:$0x10040] =	vst v63  }
0x23: {  	_ =	swait.ge [sflag:s15], $0x8000  }
0x24: {  	[sflag:s15] =	ssyncset.done $0x0  }
0x25: {  	[sflag:s15] =	ssyncadd.s32 $0xFFFF8000  }
0x26: {  	[tilespmem:s6], [sflag:$0x5] =	stream.linear.gather [hbm4b:s13+s3], $0x20, $0x38;
	[tilespmem:$0x10040] =	vst v63  }
0x27: {  	_ =	swait.ge [sflag:s5], $0x20  }
0x28: {  	[sflag:s5] =	ssyncset.done $0x0  }
0x29: {  	s30 =	ssub.s32 $0x2, s18;
	s21 =	smul.u32 $0x12000, s17;
	[sflag:s5] =	ssyncadd.s32 $0xFFFFFFE0  }
0x2a: {  	[tilespmem:s9], [sflag:$0x2] =	stream.indirect.gather [hbm4b:s2+s6], $0x400, s6, s6, $0xb8;
	[tilespmem:$0x10040] =	vst v63  }
0x2b: {  	s31 =	sshrl.u32 s30, $0x1;
	_ =	swait.ge [sflag:s10], $0x8000  }
0x2c: {  	s29 =	sshrl.u32 s21, $0x3;
	s20 =	sshll.u32 s20, $0x7;
	[sflag:s10] =	ssyncset.done $0x0  }
0x2d: {  	s17 =	sadd.s32 s19, s20;
	s19 =	sadd.s32 s19, s29;
	[sflag:s10] =	ssyncadd.s32 $0xFFFF8000  }
0x2e: {  	[hbm4b:s17+s3] =	stream.linear.scatter [tilespmem:s7], [sflag:$0x3], $0x8000, $0x38;
	[tilespmem:$0x10040] =	vst v63  }
0x2f: {  	s18 =	sadd.s32 $0x1400, s19;
	s19 =	ssub.s32 s30, s31;
	_ =	swait.ge [sflag:s14], $0x8000  }
0x30: {  	s19 =	smax.u32 s19, $0x1;
	[sflag:s14] =	ssyncset.done $0x0  }
0x31: {  	p0 =	sne.s32 s19, $0x1;
	[sflag:s14] =	ssyncadd.s32 $0xFFFF8000  }
0x32: {  	[hbm4b:s18+s3] =	stream.linear.scatter [tilespmem:s9], [sflag:$0x4], $0x8000, $0x38;
	[tilespmem:$0x10040] =	vst v63  }
.Ltmp0:
0x33: {  	_ =	swait.ge [sflag:s12], $0x8000;
	(pc) =	sbr.rel @!p0 .LBB2_2-.Ltmp0, $4  }
0x34: {  	[sflag:s12] =	ssyncset.done $0x0  }
0x35: {  	[sflag:s12] =	ssyncadd.s32 $0xFFFF8000  }
0x36: {  	_ =	swait.ge [sflag:s15], $0x8000  }
0x37: {  	s19 =	sadd.s32 $0xFFFFFFFF, s19;
	[sflag:s15] =	ssyncset.done $0x0  }
.LBB2_1:
0x38: {  	p0 =	sne.s32 s19, $0x1;
	s19 =	sadd.s32 $0xFFFFFFFF, s19;
	[sflag:s15] =	ssyncadd.s32 $0xFFFF8000  }
0x39: {  	[tilespmem:s3], [sflag:$0x5] =	stream.linear.gather [hbm4b:s4+s3], $0x20, $0x38;
	[tilespmem:$0x10040] =	vst v63  }
0x3a: {  	_ =	swait.ge [sflag:s5], $0x20  }
0x3b: {  	[sflag:s5] =	ssyncset.done $0x0  }
0x3c: {  	[sflag:s5] =	ssyncadd.s32 $0xFFFFFFE0  }
0x3d: {  	[tilespmem:s7], [sflag:$0x1] =	stream.indirect.gather [hbm4b:s2+s6], $0x400, s3, s6, $0xb8;
	[tilespmem:$0x10040] =	vst v63  }
0x3e: {  	_ = 	snop  }
0x3f: {  	[tilespmem:s6], [sflag:$0x5] =	stream.linear.gather [hbm4b:s8+s3], $0x20, $0x38;
	[tilespmem:$0x10040] =	vst v63  }
0x40: {  	_ =	swait.ge [sflag:s5], $0x20  }
0x41: {  	[sflag:s5] =	ssyncset.done $0x0  }
0x42: {  	[sflag:s5] =	ssyncadd.s32 $0xFFFFFFE0  }
0x43: {  	[tilespmem:s9], [sflag:$0x2] =	stream.indirect.gather [hbm4b:s2+s6], $0x400, s6, s6, $0xb8;
	[tilespmem:$0x10040] =	vst v63  }
0x44: {  	_ =	swait.ge [sflag:s10], $0x8000  }
0x45: {  	[sflag:s10] =	ssyncset.done $0x0  }
0x46: {  	[sflag:s10] =	ssyncadd.s32 $0xFFFF8000  }
0x47: {  	[hbm4b:s11+s3] =	stream.linear.scatter [tilespmem:s7], [sflag:$0x3], $0x8000, $0x38;
	[tilespmem:$0x10040] =	vst v63  }
0x48: {  	_ =	swait.ge [sflag:s12], $0x8000  }
0x49: {  	[sflag:s12] =	ssyncset.done $0x0  }
0x4a: {  	[sflag:s12] =	ssyncadd.s32 $0xFFFF8000  }
0x4b: {  	[tilespmem:s3], [sflag:$0x5] =	stream.linear.gather [hbm4b:s13+s3], $0x20, $0x38;
	[tilespmem:$0x10040] =	vst v63  }
0x4c: {  	_ =	swait.ge [sflag:s5], $0x20  }
0x4d: {  	[sflag:s5] =	ssyncset.done $0x0  }
0x4e: {  	[sflag:s5] =	ssyncadd.s32 $0xFFFFFFE0  }
0x4f: {  	[tilespmem:s7], [sflag:$0x1] =	stream.indirect.gather [hbm4b:s2+s6], $0x400, s3, s6, $0xb8;
	[tilespmem:$0x10040] =	vst v63  }
0x50: {  	_ =	swait.ge [sflag:s14], $0x8000  }
0x51: {  	[sflag:s14] =	ssyncset.done $0x0  }
0x52: {  	[sflag:s14] =	ssyncadd.s32 $0xFFFF8000  }
0x53: {  	[hbm4b:s16+s3] =	stream.linear.scatter [tilespmem:s9], [sflag:$0x4], $0x8000, $0x38;
	[tilespmem:$0x10040] =	vst v63  }
0x54: {  	_ =	swait.ge [sflag:s15], $0x8000  }
0x55: {  	[sflag:s15] =	ssyncset.done $0x0  }
0x56: {  	[sflag:s15] =	ssyncadd.s32 $0xFFFF8000  }
0x57: {  	[tilespmem:s6], [sflag:$0x5] =	stream.linear.gather [hbm4b:s13+s3], $0x20, $0x38;
	[tilespmem:$0x10040] =	vst v63  }
0x58: {  	_ =	swait.ge [sflag:s5], $0x20  }
0x59: {  	[sflag:s5] =	ssyncset.done $0x0  }
0x5a: {  	[sflag:s5] =	ssyncadd.s32 $0xFFFFFFE0  }
0x5b: {  	[tilespmem:s9], [sflag:$0x2] =	stream.indirect.gather [hbm4b:s2+s6], $0x400, s6, s6, $0xb8;
	[tilespmem:$0x10040] =	vst v63  }
0x5c: {  	_ =	swait.ge [sflag:s10], $0x8000  }
0x5d: {  	[sflag:s10] =	ssyncset.done $0x0  }
0x5e: {  	[sflag:s10] =	ssyncadd.s32 $0xFFFF8000  }
0x5f: {  	[hbm4b:s17+s3] =	stream.linear.scatter [tilespmem:s7], [sflag:$0x3], $0x8000, $0x38;
	[tilespmem:$0x10040] =	vst v63  }
0x60: {  	_ =	swait.ge [sflag:s14], $0x8000  }
0x61: {  	[sflag:s14] =	ssyncset.done $0x0  }
0x62: {  	[sflag:s14] =	ssyncadd.s32 $0xFFFF8000  }
0x63: {  	[hbm4b:s18+s3] =	stream.linear.scatter [tilespmem:s9], [sflag:$0x4], $0x8000, $0x38;
	[tilespmem:$0x10040] =	vst v63  }
.Ltmp1:
0x64: {  	_ =	swait.ge [sflag:s12], $0x8000;
	(pc) =	sbr.rel @p0 .LBB2_1-.Ltmp1, $4  }
0x65: {  	[sflag:s12] =	ssyncset.done $0x0  }
0x66: {  	[sflag:s12] =	ssyncadd.s32 $0xFFFF8000  }
0x67: {  	_ =	swait.ge [sflag:s15], $0x8000  }
0x68: {  	[sflag:s15] =	ssyncset.done $0x0  }
.LBB2_2:
0x69: {  	[sflag:s15] =	ssyncadd.s32 $0xFFFF8000  }
0x6a: {  	_ =	sfence.sel $0x180000  }
0x6b: {  	[bflag:$0x0] =	sbarrier.arrive $0xFFFF  }
0x6c: {  	p0 =	sne.s32 s0, $0x0;
	_ =	strace $0x9000004D  }
0x6d: {  	s0 =	sadd.s32 @!p0 $0x100000, s1;
	[bflag:$0x2] =	sbarrier.arrive $0xFFFF  }
0x6e: {  	[sflag:s0] =	ssyncadd.tile.s32 @!p0 $0x1;
	_ =	shalt  }
.Lfunc_end2:
_tile_overlayer_lowered:
.L_overlay_start_2:
0x6f: {  	(tag) =	ssettag $0x2  }
0x70: {  	s0 =	rddreg [dreg:$0x0];
	s2 =	stileid.u32  }
0x71: {  	s1 =	rddreg [dreg:$0x1];
	p0 =	sne.s32 s2, $0x0  }
0x72: {  	s3 =	rddreg [dreg:$0x2];
	[bflag:$0x3] =	sbarrier.arrive $0xFFFF;
	s2 =	simm.s32 @!p0 $0x1C05  }
0x73: {  	[timem:s3], [sflag:s2] =	dma.local @!p0 [hbm:s0], s1  }
0x74: {  	s0 =	simm.s32 @!p0 $0x5  }
0x75: {  	_ =	swait.ge @!p0 [sflag:s0], s1  }
0x76: {  	s1 =	ssub.s32 @!p0 $0x0, s1;
	[sflag:s0] =	ssyncset.done @!p0 $0x0  }
0x77: {  	[sflag:s0] =	ssyncadd.s32 @!p0 s1  }
0x78: {  	[bflag:$0x3] =	sbarrier.arrive $0xFFFF  }
0x79: {  	_ =	shalt  }

// kernel: sparse-core-data-format-call.cloned.1.call-start
scs
called_computation_lowered:
.L_overlay_start_0:
0x0: {  	s1 =	sld [smem:$0x3FD9]  }
0x1: {  	s2 =	sld [smem:$0x3FFE];
	_ =	sdelay $0x1  }
0x2: {  	s3 =	srdreg.scid  }
0x3: {  	s0 =	sand.u32 $0x1, s3  }
0x4: {  	s17 =	sshll.u32 s0, $0xA;
	s1 =	sadd.s32 s2, s1  }
0x5: {  	s1 =	sadd.s32 s1, s17  }
0x6: {  	[smem:$0x3F14] =	sst s1  }
0x7: {  	_ = 	snop  }
0x8: {  	(tm) =	ssettm $0x1  }
0x9: {  	s18 =	sld [smem:$0x3FFB];
	_ =	sdelay $0x3  }
0xa: {  	_ =	strace s18  }
0xb: {  	s1 =	sld [smem:$0x3FFC];
	_ =	sdelay $0x3  }
0xc: {  	_ =	strace s1  }
0xd: {  	s1 =	sld [smem:$0x3FFD];
	_ =	sdelay $0x3  }
0xe: {  	_ =	strace s1  }
0xf: {  	_ =	strace $0x8FFFFFFF  }
0x10: {  	s19 =	sld [smem:$0x3FDB];
	_ =	sdelay $0x1  }
0x11: {  	s20 =	simm.s32 $_scs_section_size  }
0x12: {  	s4 =	simm.s32 $_size__tile_overlayer_lowered;
	s5 =	simm.s32 $_tile_overlayer_lowered  }
0x13: {  	s23 =	simm.s32 $0x1BFF;
	s22 =	sshll.u32 s5, $0x1;
	s1 =	sadd.s32 s20, s19  }
0x14: {  	s6 =	simm.s32 $0x0;
	s21 =	sshll.u32 s4, $0x1;
	s4 =	sadd.s32 s22, s1  }
0x15: {  	[timem:s6], [sflag:s23] =	dma.local [hbm:s4], s21  }
0x16: {  	_ =	swait.ge [sflag:s23], s21  }
0x17: {  	s2 =	ssub.s32 $0x0, s21;
	[sflag:s23] =	ssyncset.done $0x0  }
0x18: {  	[sflag:s23] =	ssyncadd.s32 s2;
	_ =	sdelay $0x1  }
0x19: {  	s24 =	simm.s32 $0x1B8B  }
0x1a: {  	_ =	swait.ge [sflag:s24], $0x1  }
0x1b: {  	[sflag:s24] =	ssyncset.done $0x0  }
0x1c: {  	s26 =	simm.s32 $0x1B8E;
	s25 =	sld [smem:$0x3FFE];
	[sflag:s24] =	ssyncadd.s32 $0xFFFFFFFF  }
0x1d: {  	s27 =	simm.s32 $execute0_lowered;
	[smem:$0x3FD2] =	sst s26  }
0x1e: {  	s4 =	sshll.u32 s27, $0x1;
	_ =	strace $0x80000046;
	[dreg:$0x1] =	wrdreg $0xFFFFFFFF  }
0x1f: {  	s28 =	simm.s32 $_size_execute0_lowered;
	s1 =	sadd.s32 s1, s4;
	[dreg:$0x0] =	wrdreg $0x0  }
0x20: {  	s4 =	sshll.u32 s28, $0x1;
	[dreg:$0x2] =	wrdreg s1  }
0x21: {  	[dreg:$0x3] =	wrdreg s4  }
0x22: {  	[dreg:$0x4] =	wrdreg $0xC0  }
0x23: {  	_ =	task [dreg:s6], $0x5FFFF  }
0x24: {  	[dreg:$0x1] =	wrdreg $0xFFFFFFFF  }
0x25: {  	[dreg:$0x0] =	wrdreg $0x60  }
0x26: {  	[dreg:$0x2] =	wrdreg s25  }
0x27: {  	[dreg:$0x3] =	wrdreg $0x9  }
0x28: {  	_ =	task.clear_ibuf [dreg:s6], $0x4FFFF;
	_ =	strace $0x90000046  }
0x29: {  	s29 =	simm.s32 $0x9;
	_ =	strace $0x80000048  }
0x2a: {  	_ =	swait.ge [sflag:s29], $0x1  }
0x2b: {  	[sflag:s29] =	ssyncadd.s32 $0xFFFFFFFF  }
0x2c: {  	_ =	strace $0x90000048  }
0x2d: {  	_ =	sfence  }
0x2e: {  	s30 =	sld [smem:$0x0];
	_ =	sdelay $0x2  }
0x2f: {  	s31 =	sshll.u32 s3, $0xD;
	s3 =	sshrl.u32 s3, $0x2  }
0x30: {  	s2 =	sand.u32 $0x4000, s31;
	s1 =	sadd.s32 s3, s30  }
0x31: {  	s0 =	sor.u32 s2, s0;
	s1 =	sshll.u32 s1, $0x11  }
0x32: {  	s0 =	sor.u32 s1, s0  }
0x33: {  	s0 =	sadd.s32 $0x8F2B, s0  }
0x34: {  	[sflag:s0] =	ssyncadd.remote.s32 $0x1  }
0x35: {  	_ =	sfence.sel $0xFFFF  }
0x36: {  	[dreg:$0x0] =	wrdreg $0xFFFFFFFF;
	(pc) =	sbr.abs _section_cstart, $3  }
0x37: {  	[dreg:$0x1] =	wrdreg $0xFFFFFFFF  }
0x38: {  	_ =	task.clear_ibuf [dreg:s6], $0x2FFFF;
	_ =	strace $0x9FFFFFFF  }
0x39: {  	(tm) =	ssettm $0x7FFFFFFF  }
tec
execute0_lowered:
.L_overlay_start_1:
0x0: {  	(tag) =	ssettag $0x1  }
0x1: {  	s0 =	rddreg [dreg:$0x0];
	s3 =	stileid.u32  }
0x2: {  	s1 =	srdreg.scid;
	_ =	strace $0x80000047;
	s29 =	simm.s32 $0x1  }
0x3: {  	s31 =	simm.s32 $0x2;
	s18 =	simm.s32 $0x0;
	p0 =	por $0x0, $0x0  }
0x4: {  	s17 =	simm.s32 $0x0;
	s19 =	simm.s32 $0x0;
	s10 =	simm.s32 $0x0  }
0x5: {  	s11 =	simm.s32 $0x0;
	s2 =	sshll.u32 s3, $0x6;
	s4 =	sadd.s32 $0x1BB800, s0  }
0x6: {  	s1 =	sshll.u32 s1, $0xA;
	s0 =	sadd.s32 $0x2E0C00, s0;
	[dreg:$0x2] =	wrdreg s4  }
0x7: {  	s28 =	sshll.u32 s3, $0x4;
	s1 =	sor.u32 s2, s1;
	[dreg:$0x3] =	wrdreg s0  }
.Ltmp0:
0x8: {  	s15 =	sand.u32 $0x10, s28;
	s13 =	sand.u32 $0x780, s1;
	(pc) =	sbr.rel .LBB1_1-.Ltmp0, $4  }
0x9: {  	s12 =	simm.s32 $0x0;
	[dreg:$0x5] =	wrdreg s15;
	s30 =	ssub.s32 $0xC300, s13  }
0xa: {  	s14 =	simm.s32 $0x0;
	[dreg:$0x4] =	wrdreg s13;
	s0 =	sshrl.u32 s30, $0xB  }
0xb: {  	[sflag:s29] =	ssyncpa.u1 $0x0;
	[dreg:$0x6] =	wrdreg s0;
	s6 =	sadd.s32 $0x2, s0  }
0xc: {  	s16 =	simm.s32 $0x0;
	[sflag:s31] =	ssyncpa.u1 $0x0;
	[dreg:$0x7] =	wrdreg s6  }
.LBB1_14:
0xd: {  	p1 =	sgt.s32 s12, $0x70;
	s0 =	smov.u32 s12  }
0xe: {  	s1 =	smov.u32 s10;
	s2 =	sshll.u32 s11, $0x7;
	s4 =	sshll.u32 s12, $0x3  }
0xf: {  	s25 =	smul.u32 $0x8800, s23;
	s26 =	sshrl.u32 s12, $0x3;
	s27 =	sshll.u32 s10, $0x7  }
0x10: {  	s5 =	rddreg [dreg:$0x3];
	s28 =	sand.u32 $0x7, s12;
	s31 =	simm.s32 $0x80  }
0x11: {  	s6 =	rddreg [dreg:$0x7];
	s0 =	simm.s32 @!p1 $0x70;
	p1 =	sgt.s32 s10, $0xC2D0  }
0x12: {  	s9 =	sand.u32 $0x400, s2;
	s4 =	sand.u32 $0x400, s4;
	s2 =	sand.u32 $0x300, s2  }
0x13: {  	s29 =	sshll.u32 s28, $0x12;
	s0 =	sadd.s32 s20, s0;
	s1 =	simm.s32 @!p1 $0xC2D0  }
0x14: {  	s3 =	sadd.s32 $0xFFFFFF90, s0;
	s1 =	sadd.s32 s22, s1;
	s0 =	ssub.s32 $0x80, s0  }
0x15: {  	s22 =	sshll.u32 s12, $0x1;
	p1 =	sgt.s32 s3, $0xF;
	s3 =	sadd.s32 s4, s9  }
0x16: {  	s20 =	sadd.s32 $0xFFFF3D30, s1;
	s1 =	ssub.s32 $0xC350, s1;
	s0 =	simm.s32 @p1 $0x0  }
0x17: {  	s24 =	sand.u32 $0x80, s22;
	p1 =	sgt.s32 s20, $0x7F;
	s0 =	smul.u32 s21, s0  }
0x18: {  	s2 =	sor.u32 s2, s3;
	s3 =	sand.u32 $0x7, s26;
	s1 =	simm.s32 @p1 $0x0  }
0x19: {  	s2 =	sor.u32 s24, s2;
	s3 =	sadd.s32 s5, s3;
	s0 =	smul.u32 s1, s0  }
0x1a: {  	s30 =	sor.u32 $0x10, s29;
	s2 =	sshrl.u32 s2, $0x4;
	s3 =	sadd.s32 s27, s3  }
0x1b: {  	s2 =	sand.u32 $0x78, s2;
	s1 =	sshrl.u32 s25, $0x1;
	s0 =	sshrl.u32 s0, $0x1  }
0x1c: {  	s1 =	sor.u32 $0x8000, s1;
	s2 =	sadd.s32 s2, s3;
	s0 =	sand.u32 $0x3FFFFFFF, s0  }
0x1d: {  	[hbm4b:s2+s30] =	stream.strided.scatter [tilespmem:s1], [sflag:$0x2], s0, s31, s30, $0x8;
	[tilespmem:$0x10800] =	vst v63  }
.LBB1_15:
0x1e: {  	p1 =	slt.u32 s16, $0x2  }
0x1f: {  	s1 =	smov.u32 s18;
	s2 =	smov.u32 s19;
	p2 =	sgt.s32 @!p1 s18, $0xC2D0  }
0x20: {  	s0 =	sshra.s32 @!p1 s18, $0x1F;
	p3 =	sgt.s32 @!p1 s19, $0x70;
	s3 =	sshra.s32 @!p1 s19, $0x1F  }
0x21: {  	p2 =	por !p2, p1;
	s0 =	sand.u32 @!p1 s0, s18;
	p3 =	por !p3, p1  }
0x22: {  	s3 =	sand.u32 @!p1 s3, s19;
	s1 =	simm.s32 @p2 $0xC2D0;
	s2 =	simm.s32 @p3 $0x70  }
0x23: {  	s0 =	ssub.s32 @!p1 s1, s0;
	s1 =	ssub.s32 @!p1 $0x0, s17;
	s2 =	ssub.s32 @!p1 s2, s3  }
0x24: {  	s3 =	sadd.s32 @!p1 $0xFFFF3D30, s0;
	s1 =	smin.u32 @!p1 s17, s1;
	s4 =	sadd.s32 @!p1 $0xFFFFFF90, s2  }
0x25: {  	s2 =	ssub.s32 @!p1 $0x80, s2;
	p2 =	sgt.s32 @!p1 s1, $0xF;
	p3 =	sgt.s32 @!p1 s4, $0xF  }
0x26: {  	s1 =	ssub.s32 @!p1 $0x10, s1;
	p2 =	por !p2, p1;
	p3 =	por !p3, p1  }
0x27: {  	s1 =	simm.s32 @!p2 $0x0;
	p2 =	sgt.s32 @!p1 s3, $0x7F;
	s2 =	simm.s32 @!p3 $0x0  }
0x28: {  	s0 =	ssub.s32 @!p1 $0xC350, s0;
	p2 =	por !p2, p1;
	s1 =	smul.u32 @!p1 s1, s2  }
0x29: {  	s3 =	smov.u32 s14;
	s2 =	sadd.s32 $0x800, s13;
	s0 =	simm.s32 @!p2 $0x0  }
0x2a: {  	p2 =	sgt.s32 s2, $0xC34F;
	s0 =	smul.u32 @!p1 s0, s1;
	s1 =	sadd.s32 $0x10, s14  }
0x2b: {  	s4 =	smov.u32 s15;
	s3 =	smov.u32 @p2 s1  }
0x2c: {  	s1 =	sadd.s32 $0x20, s15;
	s0 =	sshrl.u32 @!p1 s0, $0x1;
	p3 =	sgt.s32 s3, $0xE  }
0x2d: {  	s0 =	sand.u32 @!p1 $0x3FFFFFFF, s0;
	s4 =	smov.u32 @p3 s1;
	s1 =	simm.s32 @!p1 $0x2  }
0x2e: {  	s5 =	rddreg [dreg:$0x4];
	_ =	swait.ge @!p1 [sflag:s1], s0  }
0x2f: {  	s2 =	smov.u32 @p2 s5;
	p2 =	sgt.s32 s4, $0x17;
	s5 =	rddreg [dreg:$0x5]  }
0x30: {  	p0 =	por !p0, !p0;
	s4 =	smov.u32 @p2 s5;
	p2 =	sne.s32 s16, s6  }
.Ltmp1:
0x31: {  	s18 =	smov.u32 s10;
	s19 =	smov.u32 s12;
	(pc) =	sbr.rel @!p2 .LBB1_16-.Ltmp1, $4  }
0x32: {  	s10 =	smov.u32 s13;
	s12 =	smov.u32 s15;
	s17 =	smov.u32 s11  }
0x33: {  	s11 =	smov.u32 s14;
	s13 =	smov.u32 s2;
	s3 =	simm.s32 @p3 $0x0  }
0x34: {  	s0 =	ssub.s32 @!p1 $0x0, s0;
	s14 =	smov.u32 s3;
	[sflag:s1] =	ssyncset.done @!p1 $0x0  }
0x35: {  	s16 =	sadd.s32 $0x1, s16;
	[sflag:s1] =	ssyncadd.s32 @!p1 s0;
	s15 =	smov.u32 s4  }
.LBB1_1:
0x36: {  	s0 =	rddreg [dreg:$0x6]  }
0x37: {  	s4 =	smov.u32 s13;
	p1 =	sgt.u32 s16, s0  }
0x38: {  	s0 =	sshrl.u32 @!p1 s14, $0x3;
	s1 =	sshll.u32 @!p1 s13, $0x3;
	s2 =	sshll.u32 @!p1 s14, $0x7  }
0x39: {  	p2 =	sgt.s32 @!p1 s15, $0x8;
	s3 =	sshra.s32 @!p1 s15, $0x1F;
	s0 =	smul.u32 @!p1 $0x61C00, s0  }
0x3a: {  	s5 =	sshra.s32 @!p1 s13, $0x1F;
	s1 =	sand.u32 @!p1 $0xFFFFFC00, s1;
	p2 =	por !p2, p1  }
0x3b: {  	s0 =	sadd.s32 @!p1 s0, s1;
	s1 =	sand.u32 @!p1 $0x300, s2;
	s2 =	sshll.u32 @!p1 s13, $0x1  }
0x3c: {  	s3 =	sand.u32 @!p1 s3, s15;
	s0 =	sor.u32 @!p1 s1, s0;
	s1 =	sand.u32 @!p1 $0xFE, s2  }
0x3d: {  	s2 =	sand.u32 @!p1 $0x1, s14;
	s0 =	sor.u32 @!p1 s1, s0;
	s1 =	smov.u32 s15  }
0x3e: {  	s1 =	simm.s32 @p2 $0x8;
	p2 =	sgt.s32 @!p1 s13, $0xC300;
	s2 =	sor.u32 @!p1 s2, s0  }
0x3f: {  	s0 =	smulhi.u32 @!p1 $0xA79C7B17, s0;
	p2 =	por !p2, p1;
	s1 =	ssub.s32 @!p1 s1, s3  }
0x40: {  	s3 =	sand.u32 @!p1 s5, s13;
	s4 =	simm.s32 @p2 $0xC300;
	s5 =	sadd.s32 @!p1 $0xFFFFFFF8, s1  }
0x41: {  	s1 =	ssub.s32 @!p1 $0x18, s1;
	s0 =	sshrl.u32 @!p1 s0, $0xF;
	s3 =	ssub.s32 @!p1 s4, s3  }
0x42: {  	p2 =	sgt.s32 @!p1 s5, $0xF;
	s4 =	ssub.s32 @!p1 $0x0, s14;
	s0 =	sand.u32 @!p1 $0xF, s0  }
0x43: {  	s5 =	sadd.s32 @!p1 $0xFFFF3D00, s3;
	s4 =	smin.u32 @!p1 s14, s4;
	p2 =	por !p2, p1  }
0x44: {  	p3 =	sgt.s32 @!p1 s5, $0x7F;
	s5 =	smulhi.u32 @!p1 $0xA79C7B17, s2;
	p4 =	sgt.s32 @!p1 s4, $0xF  }
0x45: {  	s1 =	simm.s32 @!p2 $0x0;
	s4 =	ssub.s32 @!p1 $0x10, s4;
	p2 =	por !p4, p1  }
0x46: {  	s3 =	ssub.s32 @!p1 $0xC380, s3;
	s0 =	smul.u32 @!p1 $0xC38, s0;
	s4 =	simm.s32 @!p2 $0x0  }
0x47: {  	s5 =	sshrl.u32 @!p1 s5, $0xF;
	p2 =	por !p3, p1;
	s1 =	smul.u32 @!p1 s4, s1  }
0x48: {  	s4 =	smul.u32 @!p1 $0xC380, s5;
	s3 =	simm.s32 @!p2 $0x0  }
0x49: {  	s1 =	smul.u32 @!p1 s3, s1  }
0x4a: {  	s3 =	smul.u32 @!p1 $0xC380, s15  }
0x4b: {  	s5 =	sxor.u32 @!p1 $0xFFFFFFFF, s16;
	s2 =	ssub.s32 @!p1 s2, s4;
	s4 =	rddreg [dreg:$0x2]  }
0x4c: {  	s1 =	sshrl.u32 @!p1 s1, $0x1;
	s3 =	sadd.s32 @!p1 s4, s3;
	s4 =	sshrl.u32 @!p1 s2, $0x4  }
0x4d: {  	s2 =	sshll.u32 @!p1 s2, $0x11;
	s1 =	sand.u32 @!p1 $0x3FFFFFFF, s1;
	s0 =	sadd.s32 @!p1 s0, s3  }
0x4e: {  	s3 =	sshll.u32 @!p1 s5, $0xE;
	s2 =	sand.u32 @!p1 $0x1C0000, s2;
	s0 =	sadd.s32 @!p1 s4, s0  }
0x4f: {  	s3 =	sand.u32 @!p1 $0x4000, s3;
	s2 =	sor.u32 @!p1 $0x200, s2;
	s4 =	simm.s32 @!p1 $0x30E00  }
0x50: {  	[tilespmem:s3], [sflag:$0x1] =	stream.strided.gather @!p1 [hbm4b:s0+s2], s1, s4, s2, $0x38;
	[tilespmem:$0x10800] =	vst v63  }
0x51: {  	p1 =	seq.s32 s16, $0x0  }
0x52: {  	p2 =	sge.u32 @!p1 s16, s6  }
0x53: {  	p1 =	por p1, p2  }
.Ltmp2:
0x54: {  	_ = 	snop;
	(pc) =	sbr.rel @p1 .LBB1_15-.Ltmp2, $1  }
0x55: {  	_ =	sdelay $0x3  }
0x56: {  	s0 =	ssub.s32 $0x0, s12;
	s1 =	sshra.s32 s12, $0x1F;
	p1 =	sgt.s32 s12, $0x8  }
0x57: {  	s2 =	smov.u32 s12;
	s27 =	ssub.s32 $0x0, s11;
	s28 =	ssub.s32 $0x0, s10  }
0x58: {  	s3 =	sshra.s32 s10, $0x1F;
	p2 =	sgt.s32 s10, $0xC300;
	s4 =	smov.u32 s10  }
0x59: {  	s20 =	sand.u32 s0, s1;
	s2 =	simm.s32 @!p1 $0x8;
	s1 =	smin.u32 s11, s27  }
0x5a: {  	s22 =	sand.u32 s28, s3;
	s4 =	simm.s32 @!p2 $0xC300;
	s0 =	sadd.s32 s20, s2  }
0x5b: {  	p2 =	sgt.s32 s1, $0xF;
	s21 =	ssub.s32 $0x10, s1;
	s26 =	sadd.s32 $0xFFFFFFF8, s0  }
0x5c: {  	s29 =	sadd.s32 s22, s4;
	s0 =	ssub.s32 $0x18, s0;
	p1 =	sgt.s32 s26, $0xF  }
0x5d: {  	s21 =	simm.s32 @p2 $0x0;
	s30 =	sadd.s32 $0xFFFF3D00, s29;
	s0 =	simm.s32 @p1 $0x0  }
0x5e: {  	s1 =	ssub.s32 $0xC380, s29;
	p1 =	sgt.s32 s30, $0x7F;
	s0 =	smul.u32 s21, s0  }
0x5f: {  	s2 =	sadd.s32 $0x10, s12;
	s1 =	simm.s32 @p1 $0x0  }
0x60: {  	p1 =	slt.s32 s2, $0x18;
	s0 =	smul.u32 s1, s0;
	s1 =	sadd.s32 $0x10, s11  }
0x61: {  	s2 =	simm.s32 @!p1 $0x18;
	p1 =	slt.s32 s1, $0xF  }
0x62: {  	s24 =	ssub.s32 s2, s12;
	s1 =	simm.s32 @!p1 $0xF  }
0x63: {  	p1 =	slt.s32 s24, $0x1;
	s25 =	ssub.s32 s1, s11  }
0x64: {  	p2 =	slt.s32 @!p1 s25, $0x1  }
0x65: {  	p2 =	por p1, p2  }
.Ltmp3:
0x66: {  	s0 =	sshrl.u32 s0, $0x1;
	(pc) =	sbr.rel @p2 .LBB1_14-.Ltmp3, $4  }
0x67: {  	s31 =	simm.s32 $0x1;
	s0 =	sand.u32 $0x3FFFFFFF, s0  }
0x68: {  	_ =	swait.ge [sflag:s31], s0  }
0x69: {  	s0 =	ssub.s32 $0x0, s0;
	[sflag:s31] =	ssyncset.done $0x0  }
0x6a: {  	s23 =	sand.u32 $0x1, s16;
	[sflag:s31] =	ssyncadd.s32 s0  }
0x6b: {  	s0 =	sadd.s32 $0x80, s10  }
0x6c: {  	p2 =	slt.s32 s0, $0xC350  }
0x6d: {  	s0 =	simm.s32 @!p2 $0xC350  }
0x6e: {  	s1 =	simm.s32 $0x1;
	s0 =	ssub.s32 s0, s10  }
0x6f: {  	s1 =	simm.s32 @!p0 $0x0;
	s0 =	sadd.s32 $0xF, s0  }
0x70: {  	s1 =	smul.u32 $0x11000, s1;
	s2 =	sshrl.u32 s0, $0x8  }
0x71: {  	s2 =	smul.u32 $0x22000, s2  }
.Ltmp4:
0x72: {  	_ = 	snop;
	(pc) =	sbr.rel .LBB1_4-.Ltmp4, $4  }
0x73: {  	s28 =	sshll.u32 @!p1 s23, $0xE;
	s31 =	simm.s32 $0x0;
	s26 =	sand.u32 $0xFFFFFFF0, s0  }
0x74: {  	s27 =	sand.u32 @!p1 $0xFFFFFF00, s0;
	p1 =	slt.s32 s0, $0x100;
	s2 =	sadd.s32 s1, s2  }
0x75: {  	s0 =	simm.s32 $0x0;
	s1 =	sshrl.u32 s1, $0x2;
	s2 =	sshra.s32 s2, $0x2  }
0x76: {  	p2 =	sge.s32 s27, s26;
	s29 =	sadd.s32 $0xFF80, s1;
	s30 =	sadd.s32 $0x8000, s2  }
.LBB1_13:
0x77: {  	s0 =	sadd.s32 $0x1, s0  }
0x78: {  	p3 =	sne.s32 s0, s24  }
.Ltmp5:
0x79: {  	_ = 	snop;
	(pc) =	sbr.rel @!p3 .LBB1_14-.Ltmp5, $2  }
0x7a: {  	_ =	sdelay $0x2  }
0x7b: {  	s31 =	sadd.s32 $0x1, s31  }
.LBB1_4:
.Ltmp6:
0x7c: {  	(pc) =	sbr.rel .LBB1_5-.Ltmp6, $4  }
0x7d: {  	_ = 	snop  }
0x7e: {  	s1 =	sshll.u32 s0, $0xC;
	s2 =	sand.u32 $0xF, s31  }
0x7f: {  	s1 =	sshra.s32 s1, $0x2;
	s9 =	sadd.s32 s2, s29  }
0x80: {  	s3 =	sadd.s32 s2, s30;
	s2 =	simm.s32 $0x0;
	s1 =	sadd.s32 s1, s28  }
.LBB1_12:
0x81: {  	s2 =	sadd.s32 $0x2, s2  }
0x82: {  	p3 =	slt.s32 s2, s25  }
.Ltmp7:
0x83: {  	_ = 	snop;
	(pc) =	sbr.rel @!p3 .LBB1_13-.Ltmp7, $1  }
0x84: {  	_ =	sdelay $0x3  }
.LBB1_5:
.Ltmp8:
0x85: {  	s4 =	sshrl.u32 s2, $0x1;
	(pc) =	sbr.rel @p1 .LBB1_9-.Ltmp8, $3  }
0x86: {  	s4 =	sand.u32 $0x7, s4  }
0x87: {  	s4 =	smul.u32 $0x44, s4;
	_ =	sdelay $0x1  }
0x88: {  	s5 =	sshll.u32 s2, $0x6;
	s6 =	sshrl.u32 s4, $0x2  }
0x89: {  	s4 =	sand.u32 $0x380, s5  }
0x8a: {  	s4 =	sadd.s32 s4, s1  }
0x8b: {  	v5 =	vld [tilespmem:s4+$0x70]  }
0x8c: {  	v6 =	vld [tilespmem:s4+$0x0]  }
0x8d: {  	v7 =	vld [tilespmem:s4+$0x10]  }
0x8e: {  	v1 =	vld [tilespmem:s4+$0x20]  }
0x8f: {  	s7 =	sadd.s32 s6, s9;
	v0 =	vld [tilespmem:s4+$0x30]  }
0x90: {  	v2 =	vld [tilespmem:s4+$0x40];
	[tilespmem:s7+$0x0 ss:$0x88] =	vst.msk $0xffff, v5  }
0x91: {  	v3 =	vld [tilespmem:s4+$0x50];
	[tilespmem:s7+$0xFFFF8080 ss:$0x88] =	vst.msk $0xffff, v6  }
0x92: {  	v4 =	vld [tilespmem:s4+$0x60];
	[tilespmem:s7+$0xFFFF8900 ss:$0x88] =	vst.msk $0xffff, v7  }
0x93: {  	[tilespmem:s7+$0xFFFF9180 ss:$0x88] =	vst.msk $0xffff, v1  }
0x94: {  	[tilespmem:s7+$0xFFFF9A00 ss:$0x88] =	vst.msk $0xffff, v0  }
0x95: {  	p3 =	sgt.s32 s27, $0x100;
	[tilespmem:s7+$0xFFFFA280 ss:$0x88] =	vst.msk $0xffff, v2  }
.Ltmp9:
0x96: {  	[tilespmem:s7+$0xFFFFAB00 ss:$0x88] =	vst.msk $0xffff, v3;
	(pc) =	sbr.rel @!p3 .LBB1_8-.Ltmp9, $4  }
0x97: {  	[tilespmem:s7+$0xFFFFB380 ss:$0x88] =	vst.msk $0xffff, v4  }
0x98: {  	[tilespmem:s7+$0xFFFFBC00 ss:$0x88] =	vst.msk $0xffff, v5  }
0x99: {  	[tilespmem:s7+$0xFFFFC480 ss:$0x88] =	vst.msk $0xffff, v6  }
0x9a: {  	s8 =	simm.s32 $0x100;
	[tilespmem:s7+$0xFFFFCD00 ss:$0x88] =	vst.msk $0xffff, v7  }
.LBB1_7:
0x9b: {  	v5 =	vld [tilespmem:s4+$0x70];
	s8 =	sadd.s32 $0x100, s8;
	[tilespmem:s7+$0xFFFFD580 ss:$0x88] =	vst.msk $0xffff, v1  }
0x9c: {  	v6 =	vld [tilespmem:s4+$0x0];
	p3 =	slt.s32 s8, s27;
	[tilespmem:s7+$0xFFFFDE00 ss:$0x88] =	vst.msk $0xffff, v0  }
0x9d: {  	v7 =	vld [tilespmem:s4+$0x10];
	[tilespmem:s7+$0xFFFFE680 ss:$0x88] =	vst.msk $0xffff, v2  }
0x9e: {  	v1 =	vld [tilespmem:s4+$0x20];
	[tilespmem:s7+$0xFFFFEF00 ss:$0x88] =	vst.msk $0xffff, v3  }
0x9f: {  	v0 =	vld [tilespmem:s4+$0x30];
	[tilespmem:s7+$0xFFFFF780 ss:$0x88] =	vst.msk $0xffff, v4;
	s7 =	sadd.s32 $0x8800, s7  }
0xa0: {  	v2 =	vld [tilespmem:s4+$0x40];
	[tilespmem:s7+$0x0 ss:$0x88] =	vst.msk $0xffff, v5  }
0xa1: {  	[tilespmem:s7+$0xFFFF8080 ss:$0x88] =	vst.msk $0xffff, v6;
	v3 =	vld [tilespmem:s4+$0x50]  }
0xa2: {  	[tilespmem:s7+$0xFFFF8900 ss:$0x88] =	vst.msk $0xffff, v7;
	v4 =	vld [tilespmem:s4+$0x60]  }
0xa3: {  	[tilespmem:s7+$0xFFFF9180 ss:$0x88] =	vst.msk $0xffff, v1  }
0xa4: {  	[tilespmem:s7+$0xFFFF9A00 ss:$0x88] =	vst.msk $0xffff, v0  }
0xa5: {  	[tilespmem:s7+$0xFFFFA280 ss:$0x88] =	vst.msk $0xffff, v2  }
.Ltmp10:
0xa6: {  	[tilespmem:s7+$0xFFFFAB00 ss:$0x88] =	vst.msk $0xffff, v3;
	(pc) =	sbr.rel @p3 .LBB1_7-.Ltmp10, $4  }
0xa7: {  	[tilespmem:s7+$0xFFFFB380 ss:$0x88] =	vst.msk $0xffff, v4  }
0xa8: {  	[tilespmem:s7+$0xFFFFBC00 ss:$0x88] =	vst.msk $0xffff, v5  }
0xa9: {  	[tilespmem:s7+$0xFFFFC480 ss:$0x88] =	vst.msk $0xffff, v6  }
0xaa: {  	[tilespmem:s7+$0xFFFFCD00 ss:$0x88] =	vst.msk $0xffff, v7  }
.LBB1_8:
0xab: {  	[tilespmem:s7+$0xFFFFD580 ss:$0x88] =	vst.msk $0xffff, v1  }
0xac: {  	[tilespmem:s7+$0xFFFFDE00 ss:$0x88] =	vst.msk $0xffff, v0  }
0xad: {  	[tilespmem:s7+$0xFFFFE680 ss:$0x88] =	vst.msk $0xffff, v2  }
0xae: {  	[tilespmem:s7+$0xFFFFEF00 ss:$0x88] =	vst.msk $0xffff, v3  }
0xaf: {  	[tilespmem:s7+$0xFFFFF780 ss:$0x88] =	vst.msk $0xffff, v4  }
.LBB1_9:
.Ltmp11:
0xb0: {  	(pc) =	sbr.rel @p2 .LBB1_12-.Ltmp11, $1  }
0xb1: {  	_ =	sdelay $0x3  }
0xb2: {  	s5 =	sand.u32 $0x380, s5  }
0xb3: {  	s4 =	sadd.s32 s6, s3;
	s6 =	smov.u32 s27;
	s5 =	sadd.s32 s5, s1  }
.LBB1_11:
0xb4: {  	s7 =	sand.u32 $0x40, s6  }
0xb5: {  	s8 =	sand.u32 $0x30, s6;
	s7 =	sadd.s32 s7, s5  }
0xb6: {  	s6 =	sadd.s32 $0x10, s6;
	s7 =	sadd.s32 s8, s7  }
0xb7: {  	p3 =	slt.s32 s6, s26;
	v0 =	vld [tilespmem:s7+$0x0]  }
.Ltmp12:
0xb8: {  	_ = 	snop;
	(pc) =	sbr.rel @p3 .LBB1_11-.Ltmp12, $2  }
0xb9: {  	_ =	sdelay $0x2  }
0xba: {  	[tilespmem:s4+$0x0 ss:$0x88] =	vst.msk $0xffff, v0;
	s4 =	sadd.s32 $0x880, s4  }
.Ltmp13:
0xbb: {  	_ = 	snop;
	(pc) =	sbr.rel .LBB1_12-.Ltmp13, $1  }
0xbc: {  	_ =	sdelay $0x3  }
.LBB1_16:
0xbd: {  	_ =	sfence.sel $0x180000  }
0xbe: {  	s0 =	simm.s32 $0x1;
	[bflag:$0x0] =	sbarrier.arrive $0xFFFF  }
0xbf: {  	s30 =	simm.s32 $0x2;
	[sflag:s0] =	ssyncpa.u1 $0x1  }
0xc0: {  	[sflag:s30] =	ssyncpa.u1 $0x1  }
0xc1: {  	_ =	strace $0x90000047  }
0xc2: {  	s31 =	stileid.u32;
	[bflag:$0x2] =	sbarrier.arrive $0xFFFF  }
0xc3: {  	p0 =	sne.s32 s31, $0x0;
	s0 =	rddreg [dreg:$0x1]  }
0xc4: {  	s0 =	sadd.s32 @!p0 $0x100000, s0  }
0xc5: {  	[sflag:s0] =	ssyncadd.tile.s32 @!p0 $0x1;
	_ =	shalt  }
.Lfunc_end1:
_tile_overlayer_lowered:
.L_overlay_start_2:
0xc6: {  	(tag) =	ssettag $0x2  }
0xc7: {  	s0 =	rddreg [dreg:$0x0];
	s2 =	stileid.u32  }
0xc8: {  	s1 =	rddreg [dreg:$0x1];
	p0 =	sne.s32 s2, $0x0  }
0xc9: {  	s3 =	rddreg [dreg:$0x2];
	[bflag:$0x3] =	sbarrier.arrive $0xFFFF;
	s2 =	simm.s32 @!p0 $0x1C01  }
0xca: {  	[timem:s3], [sflag:s2] =	dma.local @!p0 [hbm:s0], s1  }
0xcb: {  	s0 =	simm.s32 @!p0 $0x1  }
0xcc: {  	_ =	swait.ge @!p0 [sflag:s0], s1  }
0xcd: {  	s1 =	ssub.s32 @!p0 $0x0, s1;
	[sflag:s0] =	ssyncset.done @!p0 $0x0  }
0xce: {  	[sflag:s0] =	ssyncadd.s32 @!p0 s1  }
0xcf: {  	[bflag:$0x3] =	sbarrier.arrive $0xFFFF  }
0xd0: {  	_ =	shalt  }

</sc_bundles>
